<compile_context>
chip_gen: v7x
topology: tpu7x:2x2x1
jax: 0.10.2.dev20260603
libtpu: 0.0.44.dev20260713+nightly
codegen_flags: <defaults>
</compile_context>

<pallas_src>
import functools

import jax
import jax.numpy as jnp
from jax import lax
from jax.experimental import pallas as pl
from jax.experimental.pallas import tpu as pltpu
from jax.experimental.pallas import tpu_sc as plsc

N = 10000
NPAD = 10240
D = 128
E = 320000
C = 128
NC = 2
NS = 16
NW = NC * NS
EPW = E // NW
NFULL = EPW // C
TAIL = EPW - NFULL * C
STRIPE = NPAD // NS

_f32 = jnp.float32


def _sc_degree(dst):
    mesh = plsc.VectorSubcoreMesh(core_axis_name="c", subcore_axis_name="s")
    SD = 6

    scratch = [pltpu.VMEM_SHARED((NPAD,), _f32)]
    scratch += [pltpu.VMEM((C,), jnp.int32) for _ in range(SD)]
    scratch += [
        pltpu.VMEM((TAIL,), jnp.int32),
        pltpu.VMEM((C,), _f32),
        pltpu.VMEM((TAIL,), _f32),
        pltpu.VMEM((STRIPE,), _f32),
    ]
    scratch += [pltpu.SemaphoreType.DMA for _ in range(2 * SD)]

    @functools.partial(
        pl.kernel,
        out_type=jax.ShapeDtypeStruct((NC, NPAD), _f32),
        mesh=mesh,
        scratch_types=scratch,
    )
    def deg_kernel(dst_hbm, out_hbm, hist, *bufs):
        idx = bufs[0:SD]
        idxt, ones_v, onest_v, zer_v = bufs[SD:SD + 4]
        si = bufs[SD + 4:2 * SD + 4]
        ss = bufs[2 * SD + 4:3 * SD + 4]

        cid = lax.axis_index("c")
        sid = lax.axis_index("s")
        wid = cid * NS + sid
        base = wid * EPW

        for t in range(3):
            pltpu.async_copy(dst_hbm.at[pl.ds(base + t * C, C)], idx[t],
                             si[t])

        @pl.loop(0, C, step=16)
        def _(i):
            ones_v[pl.ds(i, 16)] = jnp.ones((16,), _f32)

        @pl.loop(0, TAIL, step=16)
        def _(i):
            onest_v[pl.ds(i, 16)] = jnp.ones((16,), _f32)

        @pl.loop(0, STRIPE, step=16)
        def _(i):
            zer_v[pl.ds(i, 16)] = jnp.zeros((16,), _f32)

        pltpu.sync_copy(zer_v, hist.at[pl.ds(sid * STRIPE, STRIPE)])
        plsc.subcore_barrier()

        @pl.loop(0, NFULL // SD)
        def _(j):
            for b in range(SD):
                k = SD * j + b
                b3 = (b + 3) % SD

                @pl.when(k >= 3)
                def _():
                    pltpu.make_async_copy(ones_v, hist.at[idx[b3]],
                                          ss[b3]).wait()

                @pl.when(k + 3 < NFULL)
                def _():
                    pltpu.async_copy(dst_hbm.at[pl.ds(base + (k + 3) * C, C)],
                                     idx[b3], si[b3])

                pltpu.make_async_copy(dst_hbm.at[pl.ds(base + k * C, C)],
                                      idx[b], si[b]).wait()
                pltpu.async_copy(ones_v, hist.at[idx[b]], ss[b], add=True)

        for s in (3, 4, 5):
            pltpu.make_async_copy(ones_v, hist.at[idx[s]], ss[s]).wait()

        pltpu.sync_copy(dst_hbm.at[pl.ds(base + NFULL * C, TAIL)], idxt)
        pltpu.sync_copy(onest_v, hist.at[idxt], add=True)

        plsc.subcore_barrier()
        pltpu.sync_copy(hist.at[pl.ds(sid * STRIPE, STRIPE)],
                        out_hbm.at[cid, pl.ds(sid * STRIPE, STRIPE)])

    return deg_kernel(dst)


def _sc_gather_scatter(xs, src, dst):
    mesh = plsc.VectorSubcoreMesh(core_axis_name="c", subcore_axis_name="s")
    SD = 6
    C2 = 64
    NF = (EPW - TAIL) // C2

    scratch = [pltpu.VMEM_SHARED((N, D), _f32)]
    scratch += [pltpu.VMEM((C2,), jnp.int32) for _ in range(SD)]
    scratch += [pltpu.VMEM((C2,), jnp.int32) for _ in range(SD)]
    scratch += [pltpu.VMEM((C2, D), _f32) for _ in range(SD)]
    scratch += [pltpu.VMEM((TAIL,), jnp.int32),
                pltpu.VMEM((TAIL,), jnp.int32)]
    scratch += [pltpu.SemaphoreType.DMA for _ in range(3 * SD)]

    @functools.partial(
        pl.kernel,
        out_type=jax.ShapeDtypeStruct((NC, N, D), _f32),
        mesh=mesh,
        scratch_types=scratch,
    )
    def gs_kernel(xs_hbm, src_hbm, dst_hbm, out_hbm, acc, *bufs):
        sidx = bufs[0:SD]
        didx = bufs[SD:2 * SD]
        rows = bufs[2 * SD:3 * SD]
        sidxt, didxt = bufs[3 * SD:3 * SD + 2]
        sg = bufs[3 * SD + 2:4 * SD + 2]
        si = bufs[4 * SD + 2:5 * SD + 2]
        ss = bufs[5 * SD + 2:6 * SD + 2]

        cid = lax.axis_index("c")
        sid = lax.axis_index("s")
        wid = cid * NS + sid
        base = wid * EPW

        @pl.loop(0, C2)
        def _(r):
            @pl.loop(0, D, step=16)
            def _(c):
                rows[2][r, pl.ds(c, 16)] = jnp.zeros((16,), _f32)

        for t in range(2):
            pltpu.sync_copy(src_hbm.at[pl.ds(base + t * C2, C2)], sidx[t])
            pltpu.sync_copy(dst_hbm.at[pl.ds(base + t * C2, C2)], didx[t])
        for t in range(2):
            pltpu.async_copy(xs_hbm.at[sidx[t]], rows[t], sg[t])
        pltpu.async_copy(src_hbm.at[pl.ds(base + 2 * C2, C2)], sidx[2], si[2])
        pltpu.async_copy(dst_hbm.at[pl.ds(base + 2 * C2, C2)], didx[2], si[2])

        base_r = jnp.where(sid < 14, sid * 632, 8848 + (sid - 14) * 576)

        @pl.loop(0, 576, step=C2)
        def _(r):
            pltpu.sync_copy(rows[2], acc.at[pl.ds(base_r + r, C2)])

        @pl.when(sid < 14)
        def _():
            pltpu.sync_copy(rows[2].at[pl.ds(0, 56)],
                            acc.at[pl.ds(base_r + 576, 56)])

        plsc.subcore_barrier()

        @pl.loop(0, NF // SD)
        def _(j):
            for b in range(SD):
                k = SD * j + b
                b2 = (b + 2) % SD
                b3 = (b + 3) % SD

                @pl.when(k >= 3)
                def _():
                    pltpu.make_async_copy(rows[b3], acc.at[didx[b3]],
                                          ss[b3]).wait()

                @pl.when(k + 3 < NF)
                def _():
                    off = base + (k + 3) * C2
                    pltpu.async_copy(src_hbm.at[pl.ds(off, C2)], sidx[b3],
                                     si[b3])
                    pltpu.async_copy(dst_hbm.at[pl.ds(off, C2)], didx[b3],
                                     si[b3])

                @pl.when(k + 2 < NF)
                def _():
                    off = base + (k + 2) * C2
                    pltpu.make_async_copy(src_hbm.at[pl.ds(off, C2)],
                                          sidx[b2], si[b2]).wait()
                    pltpu.make_async_copy(dst_hbm.at[pl.ds(off, C2)],
                                          didx[b2], si[b2]).wait()
                    pltpu.async_copy(xs_hbm.at[sidx[b2]], rows[b2], sg[b2])

                pltpu.make_async_copy(xs_hbm.at[sidx[b]], rows[b],
                                      sg[b]).wait()
                pltpu.async_copy(rows[b], acc.at[didx[b]], ss[b], add=True)

        for s in (3, 4, 5):
            pltpu.make_async_copy(rows[s], acc.at[didx[s]], ss[s]).wait()

        pltpu.sync_copy(src_hbm.at[pl.ds(base + NF * C2, TAIL)], sidxt)
        pltpu.sync_copy(dst_hbm.at[pl.ds(base + NF * C2, TAIL)], didxt)
        pltpu.sync_copy(xs_hbm.at[sidxt], rows[0].at[pl.ds(0, TAIL)])
        pltpu.sync_copy(rows[0].at[pl.ds(0, TAIL)], acc.at[didxt], add=True)

        plsc.subcore_barrier()

        @pl.when(sid < 14)
        def _():
            pltpu.sync_copy(acc.at[pl.ds(base_r, 632)],
                            out_hbm.at[cid, pl.ds(base_r, 632)])

        @pl.when(sid >= 14)
        def _():
            pltpu.sync_copy(acc.at[pl.ds(base_r, 576)],
                            out_hbm.at[cid, pl.ds(base_r, 576)])

    return gs_kernel(xs, src, dst)


def _tc_prep(x, w, degp):
    def body(x_ref, w_ref, degp_ref, xs_ref, dinv_ref):
        deg = degp_ref[0, :N] + degp_ref[1, :N] + 1.0
        dinv = lax.rsqrt(deg)
        dinv_ref[...] = dinv[:, None]
        xw = jnp.dot(x_ref[...], w_ref[...], preferred_element_type=_f32)
        xs_ref[...] = xw * dinv[:, None]

    return pl.pallas_call(
        body,
        out_shape=(jax.ShapeDtypeStruct((N, D), _f32),
                   jax.ShapeDtypeStruct((N, 1), _f32)))(x, w, degp)


def _tc_tail(x, xs, dinv, acc2, b, g1, be1, w1, b1, w2, b2, g2, be2):
    def body(x_ref, xs_ref, dinv_ref, acc2_ref, b_ref, g1_ref, be1_ref,
             w1_ref, b1_ref, w2_ref, b2_ref, g2_ref, be2_ref, o_ref):
        acc = acc2_ref[0, :N, :] + acc2_ref[1, :N, :] + xs_ref[...]
        h0 = dinv_ref[...] * acc + b_ref[...][None, :]
        m = jnp.mean(h0, axis=0)
        v = jnp.mean((h0 - m[None, :]) ** 2, axis=0)
        h = ((h0 - m[None, :]) * lax.rsqrt(v + 1e-5)[None, :]
             * g1_ref[...][None, :] + be1_ref[...][None, :])
        hv = jnp.maximum(h, 0.0) + x_ref[...]
        f = jnp.dot(hv, w1_ref[...], preferred_element_type=_f32)
        f = jnp.maximum(f + b1_ref[...][None, :], 0.0)
        f = jnp.dot(f, w2_ref[...], preferred_element_type=_f32)
        t = f + b2_ref[...][None, :] + hv
        m2 = jnp.mean(t, axis=0)
        v2 = jnp.mean((t - m2[None, :]) ** 2, axis=0)
        o_ref[...] = ((t - m2[None, :]) * lax.rsqrt(v2 + 1e-5)[None, :]
                      * g2_ref[...][None, :] + be2_ref[...][None, :])

    return pl.pallas_call(
        body, out_shape=jax.ShapeDtypeStruct((N, D), _f32))(
            x, xs, dinv, acc2, b, g1, be1, w1, b1, w2, b2, g2, be2)


@jax.jit
def kernel(x, edge_index, W_gcn, b_gcn, g1, be1, W1, b1, W2, b2, g2, be2):
    ei = edge_index.astype(jnp.int32)
    src = ei[0]
    dst = ei[1]
    degp = _sc_degree(dst)
    xs, dinv = _tc_prep(x, W_gcn, degp)
    acc2 = _sc_gather_scatter(xs, src, dst)
    return _tc_tail(x, xs, dinv, acc2, b_gcn, g1, be1,
                    W1, b1, W2, b2, g2, be2)

# --- scband reference (transcript-rebuilt; emitter-appended) ---
"""Pipeline reference for scband-gnnplus-layer-3959959847628 (READ-ONLY COPY).

The authoritative reference and input builder live on the scoring server;
editing this copy changes nothing except your own understanding.
"""

import jax, jax.numpy as jnp
import numpy as np

N_NODES = 10000
D = 128
N_EDGES = 320000


def _batch_norm(x, gamma, beta, eps=1e-5):
    # training-mode BatchNorm1d: biased batch statistics over node dim
    m = jnp.mean(x, axis=0)
    v = jnp.var(x, axis=0)
    return (x - m) / jnp.sqrt(v + eps) * gamma + beta


def _gcn_conv(x, edge_index, W, b, n_nodes):
    # PyG GCNConv: x' = D^{-1/2} (A + I) D^{-1/2} (x @ W) + b
    src = edge_index[0]
    dst = edge_index[1]
    self_loops = jnp.arange(n_nodes, dtype=edge_index.dtype)
    src = jnp.concatenate([src, self_loops])
    dst = jnp.concatenate([dst, self_loops])
    ew = jnp.ones(src.shape[0], dtype=x.dtype)
    deg = jnp.zeros(n_nodes, dtype=x.dtype).at[dst].add(ew)
    dinv = jnp.where(deg > 0, 1.0 / jnp.sqrt(deg), 0.0)
    norm = dinv[src] * ew * dinv[dst]
    xw = x @ W
    msg = norm[:, None] * jnp.take(xw, src, axis=0)
    out = jnp.zeros((n_nodes, xw.shape[1]), dtype=x.dtype).at[dst].add(msg)
    return out + b


def setup_inputs(seed: int = 0) -> dict:
    key = jax.random.key(seed)
    ks = jax.random.split(key, 10)
    x = jax.random.normal(ks[0], (N_NODES, D), dtype=jnp.float32)
    edge_index = jax.random.randint(ks[1], (2, N_EDGES), 0, N_NODES, dtype=jnp.int64)
    s = 1.0 / np.sqrt(D)
    W_gcn = jax.random.uniform(ks[2], (D, D), minval=-s, maxval=s, dtype=jnp.float32)
    b_gcn = jnp.zeros((D,), dtype=jnp.float32)
    g1 = jnp.ones((D,), dtype=jnp.float32)
    be1 = jnp.zeros((D,), dtype=jnp.float32)
    W1 = jax.random.uniform(ks[3], (D, 2 * D), minval=-s, maxval=s, dtype=jnp.float32)
    b1 = jax.random.uniform(ks[4], (2 * D,), minval=-s, maxval=s, dtype=jnp.float32)
    s2 = 1.0 / np.sqrt(2 * D)
    W2 = jax.random.uniform(ks[5], (2 * D, D), minval=-s2, maxval=s2, dtype=jnp.float32)
    b2 = jax.random.uniform(ks[6], (D,), minval=-s2, maxval=s2, dtype=jnp.float32)
    g2 = jnp.ones((D,), dtype=jnp.float32)
    be2 = jnp.zeros((D,), dtype=jnp.float32)
    return {"x": x, "edge_index": edge_index, "W_gcn": W_gcn, "b_gcn": b_gcn,
            "g1": g1, "be1": be1, "W1": W1, "b1": b1, "W2": W2, "b2": b2,
            "g2": g2, "be2": be2}


def reference(x, edge_index, W_gcn, b_gcn, g1, be1, W1, b1, W2, b2, g2, be2):
    residual = x
    h = _gcn_conv(x, edge_index, W_gcn, b_gcn, x.shape[0])
    h = _batch_norm(h, g1, be1)
    h = jax.nn.relu(h)
    # dropout p=0.0 -> identity
    h = h + residual  # in_dim == out_dim residual
    # FeedForwardBlock
    r2 = h
    f = h @ W1 + b1
    f = jax.nn.relu(f)
    f = f @ W2 + b2
    h = _batch_norm(f + r2, g2, be2)
    return h

if __name__ == "__main__":
    import jax
    _d = setup_inputs()
    print(jax.jit(kernel)(*tuple(_d.values())))

</pallas_src>

<mosaic_0001>
#map = affine_map<(d0, d1) -> (0)>
#map1 = affine_map<(d0, d1) -> (0, 0)>
module attributes {stable_mosaic.version = 14 : i64} {
  func.func @deg_kernel(%arg0: i32, %arg1: i32, %arg2: memref<320000xi32, #tpu.memory_space<hbm>>, %arg3: memref<2x10240xf32, #tpu.memory_space<hbm>>, %arg4: memref<10240xf32, #tpu.memory_space<vmem_shared>>, %arg5: memref<128xi32, #tpu.memory_space<vmem>>, %arg6: memref<128xi32, #tpu.memory_space<vmem>>, %arg7: memref<128xi32, #tpu.memory_space<vmem>>, %arg8: memref<128xi32, #tpu.memory_space<vmem>>, %arg9: memref<128xi32, #tpu.memory_space<vmem>>, %arg10: memref<128xi32, #tpu.memory_space<vmem>>, %arg11: memref<16xi32, #tpu.memory_space<vmem>>, %arg12: memref<128xf32, #tpu.memory_space<vmem>>, %arg13: memref<16xf32, #tpu.memory_space<vmem>>, %arg14: memref<640xf32, #tpu.memory_space<vmem>>, %arg15: memref<!tpu.dma_semaphore, #tpu.memory_space<semaphore_mem>>, %arg16: memref<!tpu.dma_semaphore, #tpu.memory_space<semaphore_mem>>, %arg17: memref<!tpu.dma_semaphore, #tpu.memory_space<semaphore_mem>>, %arg18: memref<!tpu.dma_semaphore, #tpu.memory_space<semaphore_mem>>, %arg19: memref<!tpu.dma_semaphore, #tpu.memory_space<semaphore_mem>>, %arg20: memref<!tpu.dma_semaphore, #tpu.memory_space<semaphore_mem>>, %arg21: memref<!tpu.dma_semaphore, #tpu.memory_space<semaphore_mem>>, %arg22: memref<!tpu.dma_semaphore, #tpu.memory_space<semaphore_mem>>, %arg23: memref<!tpu.dma_semaphore, #tpu.memory_space<semaphore_mem>>, %arg24: memref<!tpu.dma_semaphore, #tpu.memory_space<semaphore_mem>>, %arg25: memref<!tpu.dma_semaphore, #tpu.memory_space<semaphore_mem>>, %arg26: memref<!tpu.dma_semaphore, #tpu.memory_space<semaphore_mem>>) attributes {dimension_semantics = [#tpu.dimension_semantics<core_parallel>, #tpu.dimension_semantics<subcore_parallel>], iteration_bounds = array<i64: 2, 16>, scalar_prefetch = 0 : i64, scratch_operands = 23 : i64, tpu.core_type = #tpu.core_type<sc_vector_subcore>, window_params = [{transform_indices = #map}, {transform_indices = #map1}]} {
    %mul3A = arith.constant 16 : i32
    %mul3A_0 = arith.muli %arg0, %mul3A : i32
    %add3A = arith.addi %mul3A_0, %arg1 : i32
    %mul3A_1 = arith.constant 10000 : i32
    %mul3A_2 = arith.muli %add3A, %mul3A_1 : i32
    %add3A_3 = arith.constant 0 : i32
    %add3A_4 = arith.addi %mul3A_2, %add3A_3 : i32
    %dma_start3A = tpu.memref_slice %arg2[%add3A_4] : memref<320000xi32, #tpu.memory_space<hbm>> -> memref<128xi32, #tpu.memory_space<hbm>>
    %dma_start3A_5 = tpu.memref_slice %arg2[%add3A_4] : memref<320000xi32, #tpu.memory_space<hbm>> -> memref<128xi32, #tpu.memory_space<hbm>>
    tpu.enqueue_dma source(%dma_start3A_5 : memref<128xi32, #tpu.memory_space<hbm>>) target(%arg5 : memref<128xi32, #tpu.memory_space<vmem>>) target_semaphore(%arg15 : memref<!tpu.dma_semaphore, #tpu.memory_space<semaphore_mem>>)
    %add3A_6 = arith.constant 128 : i32
    %add3A_7 = arith.addi %mul3A_2, %add3A_6 : i32
    %dma_start3A_8 = tpu.memref_slice %arg2[%add3A_7] : memref<320000xi32, #tpu.memory_space<hbm>> -> memref<128xi32, #tpu.memory_space<hbm>>
    %dma_start3A_9 = tpu.memref_slice %arg2[%add3A_7] : memref<320000xi32, #tpu.memory_space<hbm>> -> memref<128xi32, #tpu.memory_space<hbm>>
    tpu.enqueue_dma source(%dma_start3A_9 : memref<128xi32, #tpu.memory_space<hbm>>) target(%arg6 : memref<128xi32, #tpu.memory_space<vmem>>) target_semaphore(%arg16 : memref<!tpu.dma_semaphore, #tpu.memory_space<semaphore_mem>>)
    %add3A_10 = arith.constant 256 : i32
    %add3A_11 = arith.addi %mul3A_2, %add3A_10 : i32
    %dma_start3A_12 = tpu.memref_slice %arg2[%add3A_11] : memref<320000xi32, #tpu.memory_space<hbm>> -> memref<128xi32, #tpu.memory_space<hbm>>
    %dma_start3A_13 = tpu.memref_slice %arg2[%add3A_11] : memref<320000xi32, #tpu.memory_space<hbm>> -> memref<128xi32, #tpu.memory_space<hbm>>
    tpu.enqueue_dma source(%dma_start3A_13 : memref<128xi32, #tpu.memory_space<hbm>>) target(%arg7 : memref<128xi32, #tpu.memory_space<vmem>>) target_semaphore(%arg17 : memref<!tpu.dma_semaphore, #tpu.memory_space<semaphore_mem>>)
    %scan3A = arith.constant 0 : i32
    %scan3A_14 = arith.constant 8 : i32
    %scan3A_15 = arith.addi %scan3A, %scan3A_14 : i32
    %scan3A_16 = arith.constant 1 : i32
    scf.for %scan3A_52 = %scan3A to %scan3A_15 step %scan3A_16  : i32 {
      %mul3A_53 = arith.constant 16 : i32
      %mul3A_54 = arith.muli %scan3A_52, %mul3A_53 : i32
      %add3A_55 = arith.constant 0 : i32
      %add3A_56 = arith.addi %add3A_55, %mul3A_54 : i32
      %broadcast_in_dim3A_57 = arith.constant 1.000000e+00 : f32
      %broadcast_in_dim3A_58 = vector.broadcast %broadcast_in_dim3A_57 : f32 to vector<16xf32>
      %swap3A_59 = arith.index_cast %add3A_56 : i32 to index
      %swap3A_60 = tpu.vector_load %arg12[%swap3A_59] {strides = array<i32>} : memref<128xf32, #tpu.memory_space<vmem>>, vector<16xf32>,
      %swap3A_61 = vector.shape_cast %swap3A_60 : vector<16xf32> to vector<16xf32>
      %swap3A_62 = vector.shape_cast %broadcast_in_dim3A_58 : vector<16xf32> to vector<16xf32>
      tpu.vector_store %arg12[%swap3A_59], %swap3A_62 {strides = array<i32>} : memref<128xf32, #tpu.memory_space<vmem>>, vector<16xf32>,
    }
    %scan3A_17 = arith.constant 8 : i32
    %scan3A_18 = arith.constant 0 : i32
    %mul3A_19 = arith.constant 16 : i32
    %mul3A_20 = arith.muli %scan3A_18, %mul3A_19 : i32
    %add3A_21 = arith.constant 0 : i32
    %add3A_22 = arith.addi %add3A_21, %mul3A_20 : i32
    %broadcast_in_dim3A = arith.constant 1.000000e+00 : f32
    %broadcast_in_dim3A_23 = vector.broadcast %broadcast_in_dim3A : f32 to vector<16xf32>
    %swap3A = arith.index_cast %add3A_22 : i32 to index
    %swap3A_24 = tpu.vector_load %arg13[%swap3A] {strides = array<i32>} : memref<16xf32, #tpu.memory_space<vmem>>, vector<16xf32>,
    %swap3A_25 = vector.shape_cast %swap3A_24 : vector<16xf32> to vector<16xf32>
    %swap3A_26 = vector.shape_cast %broadcast_in_dim3A_23 : vector<16xf32> to vector<16xf32>
    tpu.vector_store %arg13[%swap3A], %swap3A_26 {strides = array<i32>} : memref<16xf32, #tpu.memory_space<vmem>>, vector<16xf32>,
    %scan3A_27 = arith.constant 1 : i32
    %scan3A_28 = arith.constant 0 : i32
    %scan3A_29 = arith.constant 40 : i32
    %scan3A_30 = arith.addi %scan3A_28, %scan3A_29 : i32
    %scan3A_31 = arith.constant 1 : i32
    scf.for %scan3A_52 = %scan3A_28 to %scan3A_30 step %scan3A_31  : i32 {
      %mul3A_53 = arith.constant 16 : i32
      %mul3A_54 = arith.muli %scan3A_52, %mul3A_53 : i32
      %add3A_55 = arith.constant 0 : i32
      %add3A_56 = arith.addi %add3A_55, %mul3A_54 : i32
      %broadcast_in_dim3A_57 = arith.constant 0.000000e+00 : f32
      %broadcast_in_dim3A_58 = vector.broadcast %broadcast_in_dim3A_57 : f32 to vector<16xf32>
      %swap3A_59 = arith.index_cast %add3A_56 : i32 to index
      %swap3A_60 = tpu.vector_load %arg14[%swap3A_59] {strides = array<i32>} : memref<640xf32, #tpu.memory_space<vmem>>, vector<16xf32>,
      %swap3A_61 = vector.shape_cast %swap3A_60 : vector<16xf32> to vector<16xf32>
      %swap3A_62 = vector.shape_cast %broadcast_in_dim3A_58 : vector<16xf32> to vector<16xf32>
      tpu.vector_store %arg14[%swap3A_59], %swap3A_62 {strides = array<i32>} : memref<640xf32, #tpu.memory_space<vmem>>, vector<16xf32>,
    }
    %scan3A_32 = arith.constant 40 : i32
    %mul3A_33 = arith.constant 640 : i32
    %mul3A_34 = arith.muli %arg1, %mul3A_33 : i32
    "tpu.region"() ({
      %run_scoped3A = tpu.sem_alloc : memref<!tpu.dma_semaphore, #tpu.memory_space<semaphore_mem>>
      %dma_start3A_52 = tpu.memref_slice %arg4[%mul3A_34] : memref<10240xf32, #tpu.memory_space<vmem_shared>> -> memref<640xf32, #tpu.memory_space<vmem_shared>>
      %dma_start3A_53 = tpu.memref_slice %arg4[%mul3A_34] : memref<10240xf32, #tpu.memory_space<vmem_shared>> -> memref<640xf32, #tpu.memory_space<vmem_shared>>
      tpu.enqueue_dma source(%arg14 : memref<640xf32, #tpu.memory_space<vmem>>) target(%dma_start3A_53 : memref<640xf32, #tpu.memory_space<vmem_shared>>) target_semaphore(%run_scoped3A : memref<!tpu.dma_semaphore, #tpu.memory_space<semaphore_mem>>)
      %dma_wait3A_54 = tpu.memref_slice %arg4[%mul3A_34] : memref<10240xf32, #tpu.memory_space<vmem_shared>> -> memref<640xf32, #tpu.memory_space<vmem_shared>>
      %dma_wait3A_55 = tpu.memref_slice %arg4[%mul3A_34] : memref<10240xf32, #tpu.memory_space<vmem_shared>> -> memref<640xf32, #tpu.memory_space<vmem_shared>>
      tpu.wait_dma2 semaphore(%run_scoped3A : memref<!tpu.dma_semaphore, #tpu.memory_space<semaphore_mem>>) src(%arg14 : memref<640xf32, #tpu.memory_space<vmem>>) dst(%dma_wait3A_55 : memref<640xf32, #tpu.memory_space<vmem_shared>>)
      tpu.yield
    }) : () -> ()
    %barrier3A = arith.constant 0 : index
    tpu.barrier barrier_id(%barrier3A)
    %scan3A_35 = arith.constant 0 : i32
    %scan3A_36 = arith.constant 13 : i32
    %scan3A_37 = arith.addi %scan3A_35, %scan3A_36 : i32
    %scan3A_38 = arith.constant 1 : i32
    scf.for %scan3A_52 = %scan3A_35 to %scan3A_37 step %scan3A_38  : i32 {
      %mul3A_53 = arith.constant 1 : i32
      %mul3A_54 = arith.muli %scan3A_52, %mul3A_53 : i32
      %add3A_55 = arith.constant 0 : i32
      %add3A_56 = arith.addi %add3A_55, %mul3A_54 : i32
      %mul3A_57 = arith.constant 6 : i32
      %mul3A_58 = arith.muli %mul3A_57, %add3A_56 : i32
      %add3A_59 = arith.constant 0 : i32
      %add3A_60 = arith.addi %mul3A_58, %add3A_59 : i32
      %ge3A = arith.constant 3 : i32
      %ge3A_61 = arith.cmpi sge, %add3A_60, %ge3A : i32
      %convert_element_type3A = arith.extui %ge3A_61 : i1 to i32
      %cond3A = arith.constant 0 : i32
      %cond3A_62 = arith.cmpi ne, %convert_element_type3A, %cond3A : i32
      scf.if %cond3A_62 {
        %dma_wait3A_191 = arith.constant 0 : i32
        %dma_wait3A_192 = tpu.memref_slice %arg4[%dma_wait3A_191] : memref<10240xf32, #tpu.memory_space<vmem_shared>> -> memref<10240xf32, #tpu.memory_space<vmem_shared>>
        tpu.wait_indirect_dma semaphore(%arg24 : memref<!tpu.dma_semaphore, #tpu.memory_space<semaphore_mem>>) src(%arg12 : memref<128xf32, #tpu.memory_space<vmem>>) dst(%dma_wait3A_192 : memref<10240xf32, #tpu.memory_space<vmem_shared>>)
      } else {
      }
      %add3A_63 = arith.constant 3 : i32
      %add3A_64 = arith.addi %add3A_60, %add3A_63 : i32
      %lt3A = arith.constant 78 : i32
      %lt3A_65 = arith.cmpi slt, %add3A_64, %lt3A : i32
      %convert_element_type3A_66 = arith.extui %lt3A_65 : i1 to i32
      %cond3A_67 = arith.constant 0 : i32
      %cond3A_68 = arith.cmpi ne, %convert_element_type3A_66, %cond3A_67 : i32
      scf.if %cond3A_68 {
        %add3A_191 = arith.constant 3 : i32
        %add3A_192 = arith.addi %add3A_60, %add3A_191 : i32
        %mul3A_193 = arith.constant 128 : i32
        %mul3A_194 = arith.muli %add3A_192, %mul3A_193 : i32
        %add3A_195 = arith.addi %mul3A_2, %mul3A_194 : i32
        %dma_start3A_196 = tpu.memref_slice %arg2[%add3A_195] : memref<320000xi32, #tpu.memory_space<hbm>> -> memref<128xi32, #tpu.memory_space<hbm>>
        %dma_start3A_197 = tpu.memref_slice %arg2[%add3A_195] : memref<320000xi32, #tpu.memory_space<hbm>> -> memref<128xi32, #tpu.memory_space<hbm>>
        tpu.enqueue_dma source(%dma_start3A_197 : memref<128xi32, #tpu.memory_space<hbm>>) target(%arg8 : memref<128xi32, #tpu.memory_space<vmem>>) target_semaphore(%arg18 : memref<!tpu.dma_semaphore, #tpu.memory_space<semaphore_mem>>)
      } else {
      }
      %mul3A_69 = arith.constant 128 : i32
      %mul3A_70 = arith.muli %add3A_60, %mul3A_69 : i32
      %add3A_71 = arith.addi %mul3A_2, %mul3A_70 : i32
      %dma_wait3A_72 = tpu.memref_slice %arg2[%add3A_71] : memref<320000xi32, #tpu.memory_space<hbm>> -> memref<128xi32, #tpu.memory_space<hbm>>
      %dma_wait3A_73 = tpu.memref_slice %arg2[%add3A_71] : memref<320000xi32, #tpu.memory_space<hbm>> -> memref<128xi32, #tpu.memory_space<hbm>>
      tpu.wait_dma2 semaphore(%arg15 : memref<!tpu.dma_semaphore, #tpu.memory_space<semaphore_mem>>) src(%dma_wait3A_73 : memref<128xi32, #tpu.memory_space<hbm>>) dst(%arg5 : memref<128xi32, #tpu.memory_space<vmem>>)
      %dma_start3A_74 = arith.constant 0 : i32
      %dma_start3A_75 = tpu.memref_slice %arg4[%dma_start3A_74] : memref<10240xf32, #tpu.memory_space<vmem_shared>> -> memref<10240xf32, #tpu.memory_space<vmem_shared>>
      tpu.enqueue_indirect_dma source(%arg12 : memref<128xf32, #tpu.memory_space<vmem>>) target(%dma_start3A_75 : memref<10240xf32, #tpu.memory_space<vmem_shared>>) offsets(%arg5 : memref<128xi32, #tpu.memory_space<vmem>>) semaphore(%arg21 : memref<!tpu.dma_semaphore, #tpu.memory_space<semaphore_mem>>) {add = true}
      %mul3A_76 = arith.constant 6 : i32
      %mul3A_77 = arith.muli %mul3A_76, %add3A_56 : i32
      %add3A_78 = arith.constant 1 : i32
      %add3A_79 = arith.addi %mul3A_77, %add3A_78 : i32
      %ge3A_80 = arith.constant 3 : i32
      %ge3A_81 = arith.cmpi sge, %add3A_79, %ge3A_80 : i32
      %convert_element_type3A_82 = arith.extui %ge3A_81 : i1 to i32
      %cond3A_83 = arith.constant 0 : i32
      %cond3A_84 = arith.cmpi ne, %convert_element_type3A_82, %cond3A_83 : i32
      scf.if %cond3A_84 {
        %dma_wait3A_191 = arith.constant 0 : i32
        %dma_wait3A_192 = tpu.memref_slice %arg4[%dma_wait3A_191] : memref<10240xf32, #tpu.memory_space<vmem_shared>> -> memref<10240xf32, #tpu.memory_space<vmem_shared>>
        tpu.wait_indirect_dma semaphore(%arg25 : memref<!tpu.dma_semaphore, #tpu.memory_space<semaphore_mem>>) src(%arg12 : memref<128xf32, #tpu.memory_space<vmem>>) dst(%dma_wait3A_192 : memref<10240xf32, #tpu.memory_space<vmem_shared>>)
      } else {
      }
      %add3A_85 = arith.constant 3 : i32
      %add3A_86 = arith.addi %add3A_79, %add3A_85 : i32
      %lt3A_87 = arith.constant 78 : i32
      %lt3A_88 = arith.cmpi slt, %add3A_86, %lt3A_87 : i32
      %convert_element_type3A_89 = arith.extui %lt3A_88 : i1 to i32
      %cond3A_90 = arith.constant 0 : i32
      %cond3A_91 = arith.cmpi ne, %convert_element_type3A_89, %cond3A_90 : i32
      scf.if %cond3A_91 {
        %add3A_191 = arith.constant 3 : i32
        %add3A_192 = arith.addi %add3A_79, %add3A_191 : i32
        %mul3A_193 = arith.constant 128 : i32
        %mul3A_194 = arith.muli %add3A_192, %mul3A_193 : i32
        %add3A_195 = arith.addi %mul3A_2, %mul3A_194 : i32
        %dma_start3A_196 = tpu.memref_slice %arg2[%add3A_195] : memref<320000xi32, #tpu.memory_space<hbm>> -> memref<128xi32, #tpu.memory_space<hbm>>
        %dma_start3A_197 = tpu.memref_slice %arg2[%add3A_195] : memref<320000xi32, #tpu.memory_space<hbm>> -> memref<128xi32, #tpu.memory_space<hbm>>
        tpu.enqueue_dma source(%dma_start3A_197 : memref<128xi32, #tpu.memory_space<hbm>>) target(%arg9 : memref<128xi32, #tpu.memory_space<vmem>>) target_semaphore(%arg19 : memref<!tpu.dma_semaphore, #tpu.memory_space<semaphore_mem>>)
      } else {
      }
      %mul3A_92 = arith.constant 128 : i32
      %mul3A_93 = arith.muli %add3A_79, %mul3A_92 : i32
      %add3A_94 = arith.addi %mul3A_2, %mul3A_93 : i32
      %dma_wait3A_95 = tpu.memref_slice %arg2[%add3A_94] : memref<320000xi32, #tpu.memory_space<hbm>> -> memref<128xi32, #tpu.memory_space<hbm>>
      %dma_wait3A_96 = tpu.memref_slice %arg2[%add3A_94] : memref<320000xi32, #tpu.memory_space<hbm>> -> memref<128xi32, #tpu.memory_space<hbm>>
      tpu.wait_dma2 semaphore(%arg16 : memref<!tpu.dma_semaphore, #tpu.memory_space<semaphore_mem>>) src(%dma_wait3A_96 : memref<128xi32, #tpu.memory_space<hbm>>) dst(%arg6 : memref<128xi32, #tpu.memory_space<vmem>>)
      %dma_start3A_97 = arith.constant 0 : i32
      %dma_start3A_98 = tpu.memref_slice %arg4[%dma_start3A_97] : memref<10240xf32, #tpu.memory_space<vmem_shared>> -> memref<10240xf32, #tpu.memory_space<vmem_shared>>
      tpu.enqueue_indirect_dma source(%arg12 : memref<128xf32, #tpu.memory_space<vmem>>) target(%dma_start3A_98 : memref<10240xf32, #tpu.memory_space<vmem_shared>>) offsets(%arg6 : memref<128xi32, #tpu.memory_space<vmem>>) semaphore(%arg22 : memref<!tpu.dma_semaphore, #tpu.memory_space<semaphore_mem>>) {add = true}
      %mul3A_99 = arith.constant 6 : i32
      %mul3A_100 = arith.muli %mul3A_99, %add3A_56 : i32
      %add3A_101 = arith.constant 2 : i32
      %add3A_102 = arith.addi %mul3A_100, %add3A_101 : i32
      %ge3A_103 = arith.constant 3 : i32
      %ge3A_104 = arith.cmpi sge, %add3A_102, %ge3A_103 : i32
      %convert_element_type3A_105 = arith.extui %ge3A_104 : i1 to i32
      %cond3A_106 = arith.constant 0 : i32
      %cond3A_107 = arith.cmpi ne, %convert_element_type3A_105, %cond3A_106 : i32
      scf.if %cond3A_107 {
        %dma_wait3A_191 = arith.constant 0 : i32
        %dma_wait3A_192 = tpu.memref_slice %arg4[%dma_wait3A_191] : memref<10240xf32, #tpu.memory_space<vmem_shared>> -> memref<10240xf32, #tpu.memory_space<vmem_shared>>
        tpu.wait_indirect_dma semaphore(%arg26 : memref<!tpu.dma_semaphore, #tpu.memory_space<semaphore_mem>>) src(%arg12 : memref<128xf32, #tpu.memory_space<vmem>>) dst(%dma_wait3A_192 : memref<10240xf32, #tpu.memory_space<vmem_shared>>)
      } else {
      }
      %add3A_108 = arith.constant 3 : i32
      %add3A_109 = arith.addi %add3A_102, %add3A_108 : i32
      %lt3A_110 = arith.constant 78 : i32
      %lt3A_111 = arith.cmpi slt, %add3A_109, %lt3A_110 : i32
      %convert_element_type3A_112 = arith.extui %lt3A_111 : i1 to i32
      %cond3A_113 = arith.constant 0 : i32
      %cond3A_114 = arith.cmpi ne, %convert_element_type3A_112, %cond3A_113 : i32
      scf.if %cond3A_114 {
        %add3A_191 = arith.constant 3 : i32
        %add3A_192 = arith.addi %add3A_102, %add3A_191 : i32
        %mul3A_193 = arith.constant 128 : i32
        %mul3A_194 = arith.muli %add3A_192, %mul3A_193 : i32
        %add3A_195 = arith.addi %mul3A_2, %mul3A_194 : i32
        %dma_start3A_196 = tpu.memref_slice %arg2[%add3A_195] : memref<320000xi32, #tpu.memory_space<hbm>> -> memref<128xi32, #tpu.memory_space<hbm>>
        %dma_start3A_197 = tpu.memref_slice %arg2[%add3A_195] : memref<320000xi32, #tpu.memory_space<hbm>> -> memref<128xi32, #tpu.memory_space<hbm>>
        tpu.enqueue_dma source(%dma_start3A_197 : memref<128xi32, #tpu.memory_space<hbm>>) target(%arg10 : memref<128xi32, #tpu.memory_space<vmem>>) target_semaphore(%arg20 : memref<!tpu.dma_semaphore, #tpu.memory_space<semaphore_mem>>)
      } else {
      }
      %mul3A_115 = arith.constant 128 : i32
      %mul3A_116 = arith.muli %add3A_102, %mul3A_115 : i32
      %add3A_117 = arith.addi %mul3A_2, %mul3A_116 : i32
      %dma_wait3A_118 = tpu.memref_slice %arg2[%add3A_117] : memref<320000xi32, #tpu.memory_space<hbm>> -> memref<128xi32, #tpu.memory_space<hbm>>
      %dma_wait3A_119 = tpu.memref_slice %arg2[%add3A_117] : memref<320000xi32, #tpu.memory_space<hbm>> -> memref<128xi32, #tpu.memory_space<hbm>>
      tpu.wait_dma2 semaphore(%arg17 : memref<!tpu.dma_semaphore, #tpu.memory_space<semaphore_mem>>) src(%dma_wait3A_119 : memref<128xi32, #tpu.memory_space<hbm>>) dst(%arg7 : memref<128xi32, #tpu.memory_space<vmem>>)
      %dma_start3A_120 = arith.constant 0 : i32
      %dma_start3A_121 = tpu.memref_slice %arg4[%dma_start3A_120] : memref<10240xf32, #tpu.memory_space<vmem_shared>> -> memref<10240xf32, #tpu.memory_space<vmem_shared>>
      tpu.enqueue_indirect_dma source(%arg12 : memref<128xf32, #tpu.memory_space<vmem>>) target(%dma_start3A_121 : memref<10240xf32, #tpu.memory_space<vmem_shared>>) offsets(%arg7 : memref<128xi32, #tpu.memory_space<vmem>>) semaphore(%arg23 : memref<!tpu.dma_semaphore, #tpu.memory_space<semaphore_mem>>) {add = true}
      %mul3A_122 = arith.constant 6 : i32
      %mul3A_123 = arith.muli %mul3A_122, %add3A_56 : i32
      %add3A_124 = arith.constant 3 : i32
      %add3A_125 = arith.addi %mul3A_123, %add3A_124 : i32
      %ge3A_126 = arith.constant 3 : i32
      %ge3A_127 = arith.cmpi sge, %add3A_125, %ge3A_126 : i32
      %convert_element_type3A_128 = arith.extui %ge3A_127 : i1 to i32
      %cond3A_129 = arith.constant 0 : i32
      %cond3A_130 = arith.cmpi ne, %convert_element_type3A_128, %cond3A_129 : i32
      scf.if %cond3A_130 {
        %dma_wait3A_191 = arith.constant 0 : i32
        %dma_wait3A_192 = tpu.memref_slice %arg4[%dma_wait3A_191] : memref<10240xf32, #tpu.memory_space<vmem_shared>> -> memref<10240xf32, #tpu.memory_space<vmem_shared>>
        tpu.wait_indirect_dma semaphore(%arg21 : memref<!tpu.dma_semaphore, #tpu.memory_space<semaphore_mem>>) src(%arg12 : memref<128xf32, #tpu.memory_space<vmem>>) dst(%dma_wait3A_192 : memref<10240xf32, #tpu.memory_space<vmem_shared>>)
      } else {
      }
      %add3A_131 = arith.constant 3 : i32
      %add3A_132 = arith.addi %add3A_125, %add3A_131 : i32
      %lt3A_133 = arith.constant 78 : i32
      %lt3A_134 = arith.cmpi slt, %add3A_132, %lt3A_133 : i32
      %convert_element_type3A_135 = arith.extui %lt3A_134 : i1 to i32
      %cond3A_136 = arith.constant 0 : i32
      %cond3A_137 = arith.cmpi ne, %convert_element_type3A_135, %cond3A_136 : i32
      scf.if %cond3A_137 {
        %add3A_191 = arith.constant 3 : i32
        %add3A_192 = arith.addi %add3A_125, %add3A_191 : i32
        %mul3A_193 = arith.constant 128 : i32
        %mul3A_194 = arith.muli %add3A_192, %mul3A_193 : i32
        %add3A_195 = arith.addi %mul3A_2, %mul3A_194 : i32
        %dma_start3A_196 = tpu.memref_slice %arg2[%add3A_195] : memref<320000xi32, #tpu.memory_space<hbm>> -> memref<128xi32, #tpu.memory_space<hbm>>
        %dma_start3A_197 = tpu.memref_slice %arg2[%add3A_195] : memref<320000xi32, #tpu.memory_space<hbm>> -> memref<128xi32, #tpu.memory_space<hbm>>
        tpu.enqueue_dma source(%dma_start3A_197 : memref<128xi32, #tpu.memory_space<hbm>>) target(%arg5 : memref<128xi32, #tpu.memory_space<vmem>>) target_semaphore(%arg15 : memref<!tpu.dma_semaphore, #tpu.memory_space<semaphore_mem>>)
      } else {
      }
      %mul3A_138 = arith.constant 128 : i32
      %mul3A_139 = arith.muli %add3A_125, %mul3A_138 : i32
      %add3A_140 = arith.addi %mul3A_2, %mul3A_139 : i32
      %dma_wait3A_141 = tpu.memref_slice %arg2[%add3A_140] : memref<320000xi32, #tpu.memory_space<hbm>> -> memref<128xi32, #tpu.memory_space<hbm>>
      %dma_wait3A_142 = tpu.memref_slice %arg2[%add3A_140] : memref<320000xi32, #tpu.memory_space<hbm>> -> memref<128xi32, #tpu.memory_space<hbm>>
      tpu.wait_dma2 semaphore(%arg18 : memref<!tpu.dma_semaphore, #tpu.memory_space<semaphore_mem>>) src(%dma_wait3A_142 : memref<128xi32, #tpu.memory_space<hbm>>) dst(%arg8 : memref<128xi32, #tpu.memory_space<vmem>>)
      %dma_start3A_143 = arith.constant 0 : i32
      %dma_start3A_144 = tpu.memref_slice %arg4[%dma_start3A_143] : memref<10240xf32, #tpu.memory_space<vmem_shared>> -> memref<10240xf32, #tpu.memory_space<vmem_shared>>
      tpu.enqueue_indirect_dma source(%arg12 : memref<128xf32, #tpu.memory_space<vmem>>) target(%dma_start3A_144 : memref<10240xf32, #tpu.memory_space<vmem_shared>>) offsets(%arg8 : memref<128xi32, #tpu.memory_space<vmem>>) semaphore(%arg24 : memref<!tpu.dma_semaphore, #tpu.memory_space<semaphore_mem>>) {add = true}
      %mul3A_145 = arith.constant 6 : i32
      %mul3A_146 = arith.muli %mul3A_145, %add3A_56 : i32
      %add3A_147 = arith.constant 4 : i32
      %add3A_148 = arith.addi %mul3A_146, %add3A_147 : i32
      %ge3A_149 = arith.constant 3 : i32
      %ge3A_150 = arith.cmpi sge, %add3A_148, %ge3A_149 : i32
      %convert_element_type3A_151 = arith.extui %ge3A_150 : i1 to i32
      %cond3A_152 = arith.constant 0 : i32
      %cond3A_153 = arith.cmpi ne, %convert_element_type3A_151, %cond3A_152 : i32
      scf.if %cond3A_153 {
        %dma_wait3A_191 = arith.constant 0 : i32
        %dma_wait3A_192 = tpu.memref_slice %arg4[%dma_wait3A_191] : memref<10240xf32, #tpu.memory_space<vmem_shared>> -> memref<10240xf32, #tpu.memory_space<vmem_shared>>
        tpu.wait_indirect_dma semaphore(%arg22 : memref<!tpu.dma_semaphore, #tpu.memory_space<semaphore_mem>>) src(%arg12 : memref<128xf32, #tpu.memory_space<vmem>>) dst(%dma_wait3A_192 : memref<10240xf32, #tpu.memory_space<vmem_shared>>)
      } else {
      }
      %add3A_154 = arith.constant 3 : i32
      %add3A_155 = arith.addi %add3A_148, %add3A_154 : i32
      %lt3A_156 = arith.constant 78 : i32
      %lt3A_157 = arith.cmpi slt, %add3A_155, %lt3A_156 : i32
      %convert_element_type3A_158 = arith.extui %lt3A_157 : i1 to i32
      %cond3A_159 = arith.constant 0 : i32
      %cond3A_160 = arith.cmpi ne, %convert_element_type3A_158, %cond3A_159 : i32
      scf.if %cond3A_160 {
        %add3A_191 = arith.constant 3 : i32
        %add3A_192 = arith.addi %add3A_148, %add3A_191 : i32
        %mul3A_193 = arith.constant 128 : i32
        %mul3A_194 = arith.muli %add3A_192, %mul3A_193 : i32
        %add3A_195 = arith.addi %mul3A_2, %mul3A_194 : i32
        %dma_start3A_196 = tpu.memref_slice %arg2[%add3A_195] : memref<320000xi32, #tpu.memory_space<hbm>> -> memref<128xi32, #tpu.memory_space<hbm>>
        %dma_start3A_197 = tpu.memref_slice %arg2[%add3A_195] : memref<320000xi32, #tpu.memory_space<hbm>> -> memref<128xi32, #tpu.memory_space<hbm>>
        tpu.enqueue_dma source(%dma_start3A_197 : memref<128xi32, #tpu.memory_space<hbm>>) target(%arg6 : memref<128xi32, #tpu.memory_space<vmem>>) target_semaphore(%arg16 : memref<!tpu.dma_semaphore, #tpu.memory_space<semaphore_mem>>)
      } else {
      }
      %mul3A_161 = arith.constant 128 : i32
      %mul3A_162 = arith.muli %add3A_148, %mul3A_161 : i32
      %add3A_163 = arith.addi %mul3A_2, %mul3A_162 : i32
      %dma_wait3A_164 = tpu.memref_slice %arg2[%add3A_163] : memref<320000xi32, #tpu.memory_space<hbm>> -> memref<128xi32, #tpu.memory_space<hbm>>
      %dma_wait3A_165 = tpu.memref_slice %arg2[%add3A_163] : memref<320000xi32, #tpu.memory_space<hbm>> -> memref<128xi32, #tpu.memory_space<hbm>>
      tpu.wait_dma2 semaphore(%arg19 : memref<!tpu.dma_semaphore, #tpu.memory_space<semaphore_mem>>) src(%dma_wait3A_165 : memref<128xi32, #tpu.memory_space<hbm>>) dst(%arg9 : memref<128xi32, #tpu.memory_space<vmem>>)
      %dma_start3A_166 = arith.constant 0 : i32
      %dma_start3A_167 = tpu.memref_slice %arg4[%dma_start3A_166] : memref<10240xf32, #tpu.memory_space<vmem_shared>> -> memref<10240xf32, #tpu.memory_space<vmem_shared>>
      tpu.enqueue_indirect_dma source(%arg12 : memref<128xf32, #tpu.memory_space<vmem>>) target(%dma_start3A_167 : memref<10240xf32, #tpu.memory_space<vmem_shared>>) offsets(%arg9 : memref<128xi32, #tpu.memory_space<vmem>>) semaphore(%arg25 : memref<!tpu.dma_semaphore, #tpu.memory_space<semaphore_mem>>) {add = true}
      %mul3A_168 = arith.constant 6 : i32
      %mul3A_169 = arith.muli %mul3A_168, %add3A_56 : i32
      %add3A_170 = arith.constant 5 : i32
      %add3A_171 = arith.addi %mul3A_169, %add3A_170 : i32
      %ge3A_172 = arith.constant 3 : i32
      %ge3A_173 = arith.cmpi sge, %add3A_171, %ge3A_172 : i32
      %convert_element_type3A_174 = arith.extui %ge3A_173 : i1 to i32
      %cond3A_175 = arith.constant 0 : i32
      %cond3A_176 = arith.cmpi ne, %convert_element_type3A_174, %cond3A_175 : i32
      scf.if %cond3A_176 {
        %dma_wait3A_191 = arith.constant 0 : i32
        %dma_wait3A_192 = tpu.memref_slice %arg4[%dma_wait3A_191] : memref<10240xf32, #tpu.memory_space<vmem_shared>> -> memref<10240xf32, #tpu.memory_space<vmem_shared>>
        tpu.wait_indirect_dma semaphore(%arg23 : memref<!tpu.dma_semaphore, #tpu.memory_space<semaphore_mem>>) src(%arg12 : memref<128xf32, #tpu.memory_space<vmem>>) dst(%dma_wait3A_192 : memref<10240xf32, #tpu.memory_space<vmem_shared>>)
      } else {
      }
      %add3A_177 = arith.constant 3 : i32
      %add3A_178 = arith.addi %add3A_171, %add3A_177 : i32
      %lt3A_179 = arith.constant 78 : i32
      %lt3A_180 = arith.cmpi slt, %add3A_178, %lt3A_179 : i32
      %convert_element_type3A_181 = arith.extui %lt3A_180 : i1 to i32
      %cond3A_182 = arith.constant 0 : i32
      %cond3A_183 = arith.cmpi ne, %convert_element_type3A_181, %cond3A_182 : i32
      scf.if %cond3A_183 {
        %add3A_191 = arith.constant 3 : i32
        %add3A_192 = arith.addi %add3A_171, %add3A_191 : i32
        %mul3A_193 = arith.constant 128 : i32
        %mul3A_194 = arith.muli %add3A_192, %mul3A_193 : i32
        %add3A_195 = arith.addi %mul3A_2, %mul3A_194 : i32
        %dma_start3A_196 = tpu.memref_slice %arg2[%add3A_195] : memref<320000xi32, #tpu.memory_space<hbm>> -> memref<128xi32, #tpu.memory_space<hbm>>
        %dma_start3A_197 = tpu.memref_slice %arg2[%add3A_195] : memref<320000xi32, #tpu.memory_space<hbm>> -> memref<128xi32, #tpu.memory_space<hbm>>
        tpu.enqueue_dma source(%dma_start3A_197 : memref<128xi32, #tpu.memory_space<hbm>>) target(%arg7 : memref<128xi32, #tpu.memory_space<vmem>>) target_semaphore(%arg17 : memref<!tpu.dma_semaphore, #tpu.memory_space<semaphore_mem>>)
      } else {
      }
      %mul3A_184 = arith.constant 128 : i32
      %mul3A_185 = arith.muli %add3A_171, %mul3A_184 : i32
      %add3A_186 = arith.addi %mul3A_2, %mul3A_185 : i32
      %dma_wait3A_187 = tpu.memref_slice %arg2[%add3A_186] : memref<320000xi32, #tpu.memory_space<hbm>> -> memref<128xi32, #tpu.memory_space<hbm>>
      %dma_wait3A_188 = tpu.memref_slice %arg2[%add3A_186] : memref<320000xi32, #tpu.memory_space<hbm>> -> memref<128xi32, #tpu.memory_space<hbm>>
      tpu.wait_dma2 semaphore(%arg20 : memref<!tpu.dma_semaphore, #tpu.memory_space<semaphore_mem>>) src(%dma_wait3A_188 : memref<128xi32, #tpu.memory_space<hbm>>) dst(%arg10 : memref<128xi32, #tpu.memory_space<vmem>>)
      %dma_start3A_189 = arith.constant 0 : i32
      %dma_start3A_190 = tpu.memref_slice %arg4[%dma_start3A_189] : memref<10240xf32, #tpu.memory_space<vmem_shared>> -> memref<10240xf32, #tpu.memory_space<vmem_shared>>
      tpu.enqueue_indirect_dma source(%arg12 : memref<128xf32, #tpu.memory_space<vmem>>) target(%dma_start3A_190 : memref<10240xf32, #tpu.memory_space<vmem_shared>>) offsets(%arg10 : memref<128xi32, #tpu.memory_space<vmem>>) semaphore(%arg26 : memref<!tpu.dma_semaphore, #tpu.memory_space<semaphore_mem>>) {add = true}
    }
    %scan3A_39 = arith.constant 13 : i32
    %dma_wait3A = arith.constant 0 : i32
    %dma_wait3A_40 = tpu.memref_slice %arg4[%dma_wait3A] : memref<10240xf32, #tpu.memory_space<vmem_shared>> -> memref<10240xf32, #tpu.memory_space<vmem_shared>>
    tpu.wait_indirect_dma semaphore(%arg24 : memref<!tpu.dma_semaphore, #tpu.memory_space<semaphore_mem>>) src(%arg12 : memref<128xf32, #tpu.memory_space<vmem>>) dst(%dma_wait3A_40 : memref<10240xf32, #tpu.memory_space<vmem_shared>>)
    %dma_wait3A_41 = arith.constant 0 : i32
    %dma_wait3A_42 = tpu.memref_slice %arg4[%dma_wait3A_41] : memref<10240xf32, #tpu.memory_space<vmem_shared>> -> memref<10240xf32, #tpu.memory_space<vmem_shared>>
    tpu.wait_indirect_dma semaphore(%arg25 : memref<!tpu.dma_semaphore, #tpu.memory_space<semaphore_mem>>) src(%arg12 : memref<128xf32, #tpu.memory_space<vmem>>) dst(%dma_wait3A_42 : memref<10240xf32, #tpu.memory_space<vmem_shared>>)
    %dma_wait3A_43 = arith.constant 0 : i32
    %dma_wait3A_44 = tpu.memref_slice %arg4[%dma_wait3A_43] : memref<10240xf32, #tpu.memory_space<vmem_shared>> -> memref<10240xf32, #tpu.memory_space<vmem_shared>>
    tpu.wait_indirect_dma semaphore(%arg26 : memref<!tpu.dma_semaphore, #tpu.memory_space<semaphore_mem>>) src(%arg12 : memref<128xf32, #tpu.memory_space<vmem>>) dst(%dma_wait3A_44 : memref<10240xf32, #tpu.memory_space<vmem_shared>>)
    %add3A_45 = arith.constant 9984 : i32
    %add3A_46 = arith.addi %mul3A_2, %add3A_45 : i32
    "tpu.region"() ({
      %run_scoped3A = tpu.sem_alloc : memref<!tpu.dma_semaphore, #tpu.memory_space<semaphore_mem>>
      %dma_start3A_52 = tpu.memref_slice %arg2[%add3A_46] : memref<320000xi32, #tpu.memory_space<hbm>> -> memref<16xi32, #tpu.memory_space<hbm>>
      %dma_start3A_53 = tpu.memref_slice %arg2[%add3A_46] : memref<320000xi32, #tpu.memory_space<hbm>> -> memref<16xi32, #tpu.memory_space<hbm>>
      tpu.enqueue_dma source(%dma_start3A_53 : memref<16xi32, #tpu.memory_space<hbm>>) target(%arg11 : memref<16xi32, #tpu.memory_space<vmem>>) target_semaphore(%run_scoped3A : memref<!tpu.dma_semaphore, #tpu.memory_space<semaphore_mem>>)
      %dma_wait3A_54 = tpu.memref_slice %arg2[%add3A_46] : memref<320000xi32, #tpu.memory_space<hbm>> -> memref<16xi32, #tpu.memory_space<hbm>>
      %dma_wait3A_55 = tpu.memref_slice %arg2[%add3A_46] : memref<320000xi32, #tpu.memory_space<hbm>> -> memref<16xi32, #tpu.memory_space<hbm>>
      tpu.wait_dma2 semaphore(%run_scoped3A : memref<!tpu.dma_semaphore, #tpu.memory_space<semaphore_mem>>) src(%dma_wait3A_55 : memref<16xi32, #tpu.memory_space<hbm>>) dst(%arg11 : memref<16xi32, #tpu.memory_space<vmem>>)
      tpu.yield
    }) : () -> ()
    "tpu.region"() ({
      %run_scoped3A = tpu.sem_alloc : memref<!tpu.dma_semaphore, #tpu.memory_space<semaphore_mem>>
      %dma_start3A_52 = arith.constant 0 : i32
      %dma_start3A_53 = tpu.memref_slice %arg4[%dma_start3A_52] : memref<10240xf32, #tpu.memory_space<vmem_shared>> -> memref<10240xf32, #tpu.memory_space<vmem_shared>>
      tpu.enqueue_indirect_dma source(%arg13 : memref<16xf32, #tpu.memory_space<vmem>>) target(%dma_start3A_53 : memref<10240xf32, #tpu.memory_space<vmem_shared>>) offsets(%arg11 : memref<16xi32, #tpu.memory_space<vmem>>) semaphore(%run_scoped3A : memref<!tpu.dma_semaphore, #tpu.memory_space<semaphore_mem>>) {add = true}
      %dma_wait3A_54 = arith.constant 0 : i32
      %dma_wait3A_55 = tpu.memref_slice %arg4[%dma_wait3A_54] : memref<10240xf32, #tpu.memory_space<vmem_shared>> -> memref<10240xf32, #tpu.memory_space<vmem_shared>>
      tpu.wait_indirect_dma semaphore(%run_scoped3A : memref<!tpu.dma_semaphore, #tpu.memory_space<semaphore_mem>>) src(%arg13 : memref<16xf32, #tpu.memory_space<vmem>>) dst(%dma_wait3A_55 : memref<10240xf32, #tpu.memory_space<vmem_shared>>)
      tpu.yield
    }) : () -> ()
    %barrier3A_47 = arith.constant 0 : index
    tpu.barrier barrier_id(%barrier3A_47)
    %mul3A_48 = arith.constant 640 : i32
    %mul3A_49 = arith.muli %arg1, %mul3A_48 : i32
    %mul3A_50 = arith.constant 640 : i32
    %mul3A_51 = arith.muli %arg1, %mul3A_50 : i32
    "tpu.region"() ({
      %run_scoped3A = tpu.sem_alloc : memref<!tpu.dma_semaphore, #tpu.memory_space<semaphore_mem>>
      %dma_start3A_52 = tpu.memref_slice %arg3[%arg0, %mul3A_51] : memref<2x10240xf32, #tpu.memory_space<hbm>> -> memref<1x640xf32, #tpu.memory_space<hbm>>
      %dma_start3A_53 = tpu.memref_squeeze %dma_start3A_52 : memref<1x640xf32, #tpu.memory_space<hbm>> -> memref<640xf32, #tpu.memory_space<hbm>>
      %dma_start3A_54 = tpu.memref_slice %arg4[%mul3A_49] : memref<10240xf32, #tpu.memory_space<vmem_shared>> -> memref<640xf32, #tpu.memory_space<vmem_shared>>
      tpu.enqueue_dma source(%dma_start3A_54 : memref<640xf32, #tpu.memory_space<vmem_shared>>) target(%dma_start3A_53 : memref<640xf32, #tpu.memory_space<hbm>>) target_semaphore(%run_scoped3A : memref<!tpu.dma_semaphore, #tpu.memory_space<semaphore_mem>>)
      %dma_wait3A_55 = tpu.memref_slice %arg3[%arg0, %mul3A_51] : memref<2x10240xf32, #tpu.memory_space<hbm>> -> memref<1x640xf32, #tpu.memory_space<hbm>>
      %dma_wait3A_56 = tpu.memref_squeeze %dma_wait3A_55 : memref<1x640xf32, #tpu.memory_space<hbm>> -> memref<640xf32, #tpu.memory_space<hbm>>
      %dma_wait3A_57 = tpu.memref_slice %arg4[%mul3A_49] : memref<10240xf32, #tpu.memory_space<vmem_shared>> -> memref<640xf32, #tpu.memory_space<vmem_shared>>
      tpu.wait_dma2 semaphore(%run_scoped3A : memref<!tpu.dma_semaphore, #tpu.memory_space<semaphore_mem>>) src(%dma_wait3A_57 : memref<640xf32, #tpu.memory_space<vmem_shared>>) dst(%dma_wait3A_56 : memref<640xf32, #tpu.memory_space<hbm>>)
      tpu.yield
    }) : () -> ()
    return
  }
}

#map = affine_map<(d0, d1) -> (0, 0)>
#map1 = affine_map<(d0, d1) -> (0)>
#map2 = affine_map<(d0, d1) -> (0, 0, 0)>
module attributes {stable_mosaic.version = 14 : i64} {
  func.func @gs_kernel(%arg0: i32, %arg1: i32, %arg2: memref<10000x128xf32, #tpu.memory_space<hbm>>, %arg3: memref<320000xi32, #tpu.memory_space<hbm>>, %arg4: memref<320000xi32, #tpu.memory_space<hbm>>, %arg5: memref<2x10000x128xf32, #tpu.memory_space<hbm>>, %arg6: memref<10000x128xf32, #tpu.memory_space<vmem_shared>>, %arg7: memref<64xi32, #tpu.memory_space<vmem>>, %arg8: memref<64xi32, #tpu.memory_space<vmem>>, %arg9: memref<64xi32, #tpu.memory_space<vmem>>, %arg10: memref<64xi32, #tpu.memory_space<vmem>>, %arg11: memref<64xi32, #tpu.memory_space<vmem>>, %arg12: memref<64xi32, #tpu.memory_space<vmem>>, %arg13: memref<64xi32, #tpu.memory_space<vmem>>, %arg14: memref<64xi32, #tpu.memory_space<vmem>>, %arg15: memref<64xi32, #tpu.memory_space<vmem>>, %arg16: memref<64xi32, #tpu.memory_space<vmem>>, %arg17: memref<64xi32, #tpu.memory_space<vmem>>, %arg18: memref<64xi32, #tpu.memory_space<vmem>>, %arg19: memref<64x128xf32, #tpu.memory_space<vmem>>, %arg20: memref<64x128xf32, #tpu.memory_space<vmem>>, %arg21: memref<64x128xf32, #tpu.memory_space<vmem>>, %arg22: memref<64x128xf32, #tpu.memory_space<vmem>>, %arg23: memref<64x128xf32, #tpu.memory_space<vmem>>, %arg24: memref<64x128xf32, #tpu.memory_space<vmem>>, %arg25: memref<16xi32, #tpu.memory_space<vmem>>, %arg26: memref<16xi32, #tpu.memory_space<vmem>>, %arg27: memref<!tpu.dma_semaphore, #tpu.memory_space<semaphore_mem>>, %arg28: memref<!tpu.dma_semaphore, #tpu.memory_space<semaphore_mem>>, %arg29: memref<!tpu.dma_semaphore, #tpu.memory_space<semaphore_mem>>, %arg30: memref<!tpu.dma_semaphore, #tpu.memory_space<semaphore_mem>>, %arg31: memref<!tpu.dma_semaphore, #tpu.memory_space<semaphore_mem>>, %arg32: memref<!tpu.dma_semaphore, #tpu.memory_space<semaphore_mem>>, %arg33: memref<!tpu.dma_semaphore, #tpu.memory_space<semaphore_mem>>, %arg34: memref<!tpu.dma_semaphore, #tpu.memory_space<semaphore_mem>>, %arg35: memref<!tpu.dma_semaphore, #tpu.memory_space<semaphore_mem>>, %arg36: memref<!tpu.dma_semaphore, #tpu.memory_space<semaphore_mem>>, %arg37: memref<!tpu.dma_semaphore, #tpu.memory_space<semaphore_mem>>, %arg38: memref<!tpu.dma_semaphore, #tpu.memory_space<semaphore_mem>>, %arg39: memref<!tpu.dma_semaphore, #tpu.memory_space<semaphore_mem>>, %arg40: memref<!tpu.dma_semaphore, #tpu.memory_space<semaphore_mem>>, %arg41: memref<!tpu.dma_semaphore, #tpu.memory_space<semaphore_mem>>, %arg42: memref<!tpu.dma_semaphore, #tpu.memory_space<semaphore_mem>>, %arg43: memref<!tpu.dma_semaphore, #tpu.memory_space<semaphore_mem>>, %arg44: memref<!tpu.dma_semaphore, #tpu.memory_space<semaphore_mem>>) attributes {dimension_semantics = [#tpu.dimension_semantics<core_parallel>, #tpu.dimension_semantics<subcore_parallel>], iteration_bounds = array<i64: 2, 16>, scalar_prefetch = 0 : i64, scratch_operands = 39 : i64, tpu.core_type = #tpu.core_type<sc_vector_subcore>, window_params = [{transform_indices = #map}, {transform_indices = #map1}, {transform_indices = #map1}, {transform_indices = #map2}]} {
    %mul3A = arith.constant 16 : i32
    %mul3A_0 = arith.muli %arg0, %mul3A : i32
    %add3A = arith.addi %mul3A_0, %arg1 : i32
    %mul3A_1 = arith.constant 10000 : i32
    %mul3A_2 = arith.muli %add3A, %mul3A_1 : i32
    %scan3A = arith.constant 0 : i32
    %scan3A_3 = arith.constant 64 : i32
    %scan3A_4 = arith.addi %scan3A, %scan3A_3 : i32
    %scan3A_5 = arith.constant 1 : i32
    scf.for %scan3A_71 = %scan3A to %scan3A_4 step %scan3A_5  : i32 {
      %mul3A_72 = arith.constant 1 : i32
      %mul3A_73 = arith.muli %scan3A_71, %mul3A_72 : i32
      %add3A_74 = arith.constant 0 : i32
      %add3A_75 = arith.addi %add3A_74, %mul3A_73 : i32
      %scan3A_76 = arith.constant 0 : i32
      %scan3A_77 = arith.constant 8 : i32
      %scan3A_78 = arith.addi %scan3A_76, %scan3A_77 : i32
      %scan3A_79 = arith.constant 1 : i32
      scf.for %scan3A_81 = %scan3A_76 to %scan3A_78 step %scan3A_79  : i32 {
        %mul3A_82 = arith.constant 16 : i32
        %mul3A_83 = arith.muli %scan3A_81, %mul3A_82 : i32
        %add3A_84 = arith.constant 0 : i32
        %add3A_85 = arith.addi %add3A_84, %mul3A_83 : i32
        %broadcast_in_dim3A = arith.constant 0.000000e+00 : f32
        %broadcast_in_dim3A_86 = vector.broadcast %broadcast_in_dim3A : f32 to vector<16xf32>
        %swap3A = arith.index_cast %add3A_75 : i32 to index
        %swap3A_87 = arith.index_cast %add3A_85 : i32 to index
        %swap3A_88 = tpu.vector_load %arg21[%swap3A, %swap3A_87] {strides = array<i32>} : memref<64x128xf32, #tpu.memory_space<vmem>>, vector<1x16xf32>,
        %swap3A_89 = vector.shape_cast %swap3A_88 : vector<1x16xf32> to vector<16xf32>
        %swap3A_90 = vector.shape_cast %broadcast_in_dim3A_86 : vector<16xf32> to vector<1x16xf32>
        tpu.vector_store %arg21[%swap3A, %swap3A_87], %swap3A_90 {strides = array<i32>} : memref<64x128xf32, #tpu.memory_space<vmem>>, vector<1x16xf32>,
      }
      %scan3A_80 = arith.constant 8 : i32
    }
    %scan3A_6 = arith.constant 64 : i32
    %add3A_7 = arith.constant 0 : i32
    %add3A_8 = arith.addi %mul3A_2, %add3A_7 : i32
    "tpu.region"() ({
      %run_scoped3A = tpu.sem_alloc : memref<!tpu.dma_semaphore, #tpu.memory_space<semaphore_mem>>
      %dma_start3A_71 = tpu.memref_slice %arg3[%add3A_8] : memref<320000xi32, #tpu.memory_space<hbm>> -> memref<64xi32, #tpu.memory_space<hbm>>
      %dma_start3A_72 = tpu.memref_slice %arg3[%add3A_8] : memref<320000xi32, #tpu.memory_space<hbm>> -> memref<64xi32, #tpu.memory_space<hbm>>
      tpu.enqueue_dma source(%dma_start3A_72 : memref<64xi32, #tpu.memory_space<hbm>>) target(%arg7 : memref<64xi32, #tpu.memory_space<vmem>>) target_semaphore(%run_scoped3A : memref<!tpu.dma_semaphore, #tpu.memory_space<semaphore_mem>>)
      %dma_wait3A_73 = tpu.memref_slice %arg3[%add3A_8] : memref<320000xi32, #tpu.memory_space<hbm>> -> memref<64xi32, #tpu.memory_space<hbm>>
      %dma_wait3A_74 = tpu.memref_slice %arg3[%add3A_8] : memref<320000xi32, #tpu.memory_space<hbm>> -> memref<64xi32, #tpu.memory_space<hbm>>
      tpu.wait_dma2 semaphore(%run_scoped3A : memref<!tpu.dma_semaphore, #tpu.memory_space<semaphore_mem>>) src(%dma_wait3A_74 : memref<64xi32, #tpu.memory_space<hbm>>) dst(%arg7 : memref<64xi32, #tpu.memory_space<vmem>>)
      tpu.yield
    }) : () -> ()
    %add3A_9 = arith.constant 0 : i32
    %add3A_10 = arith.addi %mul3A_2, %add3A_9 : i32
    "tpu.region"() ({
      %run_scoped3A = tpu.sem_alloc : memref<!tpu.dma_semaphore, #tpu.memory_space<semaphore_mem>>
      %dma_start3A_71 = tpu.memref_slice %arg4[%add3A_10] : memref<320000xi32, #tpu.memory_space<hbm>> -> memref<64xi32, #tpu.memory_space<hbm>>
      %dma_start3A_72 = tpu.memref_slice %arg4[%add3A_10] : memref<320000xi32, #tpu.memory_space<hbm>> -> memref<64xi32, #tpu.memory_space<hbm>>
      tpu.enqueue_dma source(%dma_start3A_72 : memref<64xi32, #tpu.memory_space<hbm>>) target(%arg13 : memref<64xi32, #tpu.memory_space<vmem>>) target_semaphore(%run_scoped3A : memref<!tpu.dma_semaphore, #tpu.memory_space<semaphore_mem>>)
      %dma_wait3A_73 = tpu.memref_slice %arg4[%add3A_10] : memref<320000xi32, #tpu.memory_space<hbm>> -> memref<64xi32, #tpu.memory_space<hbm>>
      %dma_wait3A_74 = tpu.memref_slice %arg4[%add3A_10] : memref<320000xi32, #tpu.memory_space<hbm>> -> memref<64xi32, #tpu.memory_space<hbm>>
      tpu.wait_dma2 semaphore(%run_scoped3A : memref<!tpu.dma_semaphore, #tpu.memory_space<semaphore_mem>>) src(%dma_wait3A_74 : memref<64xi32, #tpu.memory_space<hbm>>) dst(%arg13 : memref<64xi32, #tpu.memory_space<vmem>>)
      tpu.yield
    }) : () -> ()
    %add3A_11 = arith.constant 64 : i32
    %add3A_12 = arith.addi %mul3A_2, %add3A_11 : i32
    "tpu.region"() ({
      %run_scoped3A = tpu.sem_alloc : memref<!tpu.dma_semaphore, #tpu.memory_space<semaphore_mem>>
      %dma_start3A_71 = tpu.memref_slice %arg3[%add3A_12] : memref<320000xi32, #tpu.memory_space<hbm>> -> memref<64xi32, #tpu.memory_space<hbm>>
      %dma_start3A_72 = tpu.memref_slice %arg3[%add3A_12] : memref<320000xi32, #tpu.memory_space<hbm>> -> memref<64xi32, #tpu.memory_space<hbm>>
      tpu.enqueue_dma source(%dma_start3A_72 : memref<64xi32, #tpu.memory_space<hbm>>) target(%arg8 : memref<64xi32, #tpu.memory_space<vmem>>) target_semaphore(%run_scoped3A : memref<!tpu.dma_semaphore, #tpu.memory_space<semaphore_mem>>)
      %dma_wait3A_73 = tpu.memref_slice %arg3[%add3A_12] : memref<320000xi32, #tpu.memory_space<hbm>> -> memref<64xi32, #tpu.memory_space<hbm>>
      %dma_wait3A_74 = tpu.memref_slice %arg3[%add3A_12] : memref<320000xi32, #tpu.memory_space<hbm>> -> memref<64xi32, #tpu.memory_space<hbm>>
      tpu.wait_dma2 semaphore(%run_scoped3A : memref<!tpu.dma_semaphore, #tpu.memory_space<semaphore_mem>>) src(%dma_wait3A_74 : memref<64xi32, #tpu.memory_space<hbm>>) dst(%arg8 : memref<64xi32, #tpu.memory_space<vmem>>)
      tpu.yield
    }) : () -> ()
    %add3A_13 = arith.constant 64 : i32
    %add3A_14 = arith.addi %mul3A_2, %add3A_13 : i32
    "tpu.region"() ({
      %run_scoped3A = tpu.sem_alloc : memref<!tpu.dma_semaphore, #tpu.memory_space<semaphore_mem>>
      %dma_start3A_71 = tpu.memref_slice %arg4[%add3A_14] : memref<320000xi32, #tpu.memory_space<hbm>> -> memref<64xi32, #tpu.memory_space<hbm>>
      %dma_start3A_72 = tpu.memref_slice %arg4[%add3A_14] : memref<320000xi32, #tpu.memory_space<hbm>> -> memref<64xi32, #tpu.memory_space<hbm>>
      tpu.enqueue_dma source(%dma_start3A_72 : memref<64xi32, #tpu.memory_space<hbm>>) target(%arg14 : memref<64xi32, #tpu.memory_space<vmem>>) target_semaphore(%run_scoped3A : memref<!tpu.dma_semaphore, #tpu.memory_space<semaphore_mem>>)
      %dma_wait3A_73 = tpu.memref_slice %arg4[%add3A_14] : memref<320000xi32, #tpu.memory_space<hbm>> -> memref<64xi32, #tpu.memory_space<hbm>>
      %dma_wait3A_74 = tpu.memref_slice %arg4[%add3A_14] : memref<320000xi32, #tpu.memory_space<hbm>> -> memref<64xi32, #tpu.memory_space<hbm>>
      tpu.wait_dma2 semaphore(%run_scoped3A : memref<!tpu.dma_semaphore, #tpu.memory_space<semaphore_mem>>) src(%dma_wait3A_74 : memref<64xi32, #tpu.memory_space<hbm>>) dst(%arg14 : memref<64xi32, #tpu.memory_space<vmem>>)
      tpu.yield
    }) : () -> ()
    %dma_start3A = arith.constant 0 : i32
    %dma_start3A_15 = arith.constant 0 : i32
    %dma_start3A_16 = tpu.memref_slice %arg2[%dma_start3A, %dma_start3A_15] : memref<10000x128xf32, #tpu.memory_space<hbm>> -> memref<10000x128xf32, #tpu.memory_space<hbm>>
    tpu.enqueue_indirect_dma source(%dma_start3A_16 : memref<10000x128xf32, #tpu.memory_space<hbm>>) target(%arg19 : memref<64x128xf32, #tpu.memory_space<vmem>>) offsets(%arg7 : memref<64xi32, #tpu.memory_space<vmem>>) semaphore(%arg27 : memref<!tpu.dma_semaphore, #tpu.memory_space<semaphore_mem>>)
    %dma_start3A_17 = arith.constant 0 : i32
    %dma_start3A_18 = arith.constant 0 : i32
    %dma_start3A_19 = tpu.memref_slice %arg2[%dma_start3A_17, %dma_start3A_18] : memref<10000x128xf32, #tpu.memory_space<hbm>> -> memref<10000x128xf32, #tpu.memory_space<hbm>>
    tpu.enqueue_indirect_dma source(%dma_start3A_19 : memref<10000x128xf32, #tpu.memory_space<hbm>>) target(%arg20 : memref<64x128xf32, #tpu.memory_space<vmem>>) offsets(%arg8 : memref<64xi32, #tpu.memory_space<vmem>>) semaphore(%arg28 : memref<!tpu.dma_semaphore, #tpu.memory_space<semaphore_mem>>)
    %add3A_20 = arith.constant 128 : i32
    %add3A_21 = arith.addi %mul3A_2, %add3A_20 : i32
    %dma_start3A_22 = tpu.memref_slice %arg3[%add3A_21] : memref<320000xi32, #tpu.memory_space<hbm>> -> memref<64xi32, #tpu.memory_space<hbm>>
    %dma_start3A_23 = tpu.memref_slice %arg3[%add3A_21] : memref<320000xi32, #tpu.memory_space<hbm>> -> memref<64xi32, #tpu.memory_space<hbm>>
    tpu.enqueue_dma source(%dma_start3A_23 : memref<64xi32, #tpu.memory_space<hbm>>) target(%arg9 : memref<64xi32, #tpu.memory_space<vmem>>) target_semaphore(%arg35 : memref<!tpu.dma_semaphore, #tpu.memory_space<semaphore_mem>>)
    %add3A_24 = arith.constant 128 : i32
    %add3A_25 = arith.addi %mul3A_2, %add3A_24 : i32
    %dma_start3A_26 = tpu.memref_slice %arg4[%add3A_25] : memref<320000xi32, #tpu.memory_space<hbm>> -> memref<64xi32, #tpu.memory_space<hbm>>
    %dma_start3A_27 = tpu.memref_slice %arg4[%add3A_25] : memref<320000xi32, #tpu.memory_space<hbm>> -> memref<64xi32, #tpu.memory_space<hbm>>
    tpu.enqueue_dma source(%dma_start3A_27 : memref<64xi32, #tpu.memory_space<hbm>>) target(%arg15 : memref<64xi32, #tpu.memory_space<vmem>>) target_semaphore(%arg35 : memref<!tpu.dma_semaphore, #tpu.memory_space<semaphore_mem>>)
    %lt3A = arith.constant 14 : i32
    %lt3A_28 = arith.cmpi slt, %arg1, %lt3A : i32
    %mul3A_29 = arith.constant 632 : i32
    %mul3A_30 = arith.muli %arg1, %mul3A_29 : i32
    %sub3A = arith.constant 14 : i32
    %sub3A_31 = arith.subi %arg1, %sub3A : i32
    %mul3A_32 = arith.constant 576 : i32
    %mul3A_33 = arith.muli %sub3A_31, %mul3A_32 : i32
    %add3A_34 = arith.constant 8848 : i32
    %add3A_35 = arith.addi %add3A_34, %mul3A_33 : i32
    %select_n3A = arith.select %lt3A_28, %mul3A_30, %add3A_35 : i32
    %scan3A_36 = arith.constant 0 : i32
    %scan3A_37 = arith.constant 9 : i32
    %scan3A_38 = arith.addi %scan3A_36, %scan3A_37 : i32
    %scan3A_39 = arith.constant 1 : i32
    scf.for %scan3A_71 = %scan3A_36 to %scan3A_38 step %scan3A_39  : i32 {
      %mul3A_72 = arith.constant 64 : i32
      %mul3A_73 = arith.muli %scan3A_71, %mul3A_72 : i32
      %add3A_74 = arith.constant 0 : i32
      %add3A_75 = arith.addi %add3A_74, %mul3A_73 : i32
      %add3A_76 = arith.addi %select_n3A, %add3A_75 : i32
      "tpu.region"() ({
        %run_scoped3A = tpu.sem_alloc : memref<!tpu.dma_semaphore, #tpu.memory_space<semaphore_mem>>
        %dma_start3A_77 = arith.constant 0 : i32
        %dma_start3A_78 = tpu.memref_slice %arg6[%add3A_76, %dma_start3A_77] : memref<10000x128xf32, #tpu.memory_space<vmem_shared>> -> memref<64x128xf32, #tpu.memory_space<vmem_shared>>
        %dma_start3A_79 = arith.constant 0 : i32
        %dma_start3A_80 = tpu.memref_slice %arg6[%add3A_76, %dma_start3A_79] : memref<10000x128xf32, #tpu.memory_space<vmem_shared>> -> memref<64x128xf32, #tpu.memory_space<vmem_shared>>
        tpu.enqueue_dma source(%arg21 : memref<64x128xf32, #tpu.memory_space<vmem>>) target(%dma_start3A_80 : memref<64x128xf32, #tpu.memory_space<vmem_shared>>) target_semaphore(%run_scoped3A : memref<!tpu.dma_semaphore, #tpu.memory_space<semaphore_mem>>)
        %dma_wait3A_81 = arith.constant 0 : i32
        %dma_wait3A_82 = tpu.memref_slice %arg6[%add3A_76, %dma_wait3A_81] : memref<10000x128xf32, #tpu.memory_space<vmem_shared>> -> memref<64x128xf32, #tpu.memory_space<vmem_shared>>
        %dma_wait3A_83 = arith.constant 0 : i32
        %dma_wait3A_84 = tpu.memref_slice %arg6[%add3A_76, %dma_wait3A_83] : memref<10000x128xf32, #tpu.memory_space<vmem_shared>> -> memref<64x128xf32, #tpu.memory_space<vmem_shared>>
        tpu.wait_dma2 semaphore(%run_scoped3A : memref<!tpu.dma_semaphore, #tpu.memory_space<semaphore_mem>>) src(%arg21 : memref<64x128xf32, #tpu.memory_space<vmem>>) dst(%dma_wait3A_84 : memref<64x128xf32, #tpu.memory_space<vmem_shared>>)
        tpu.yield
      }) : () -> ()
    }
    %scan3A_40 = arith.constant 9 : i32
    %lt3A_41 = arith.constant 14 : i32
    %lt3A_42 = arith.cmpi slt, %arg1, %lt3A_41 : i32
    %convert_element_type3A = arith.extui %lt3A_42 : i1 to i32
    %cond3A = arith.constant 0 : i32
    %cond3A_43 = arith.cmpi ne, %convert_element_type3A, %cond3A : i32
    scf.if %cond3A_43 {
      %add3A_71 = arith.constant 576 : i32
      %add3A_72 = arith.addi %select_n3A, %add3A_71 : i32
      "tpu.region"() ({
        %run_scoped3A = tpu.sem_alloc : memref<!tpu.dma_semaphore, #tpu.memory_space<semaphore_mem>>
        %dma_start3A_73 = arith.constant 0 : i32
        %dma_start3A_74 = arith.constant 0 : i32
        %dma_start3A_75 = tpu.memref_slice %arg21[%dma_start3A_73, %dma_start3A_74] : memref<64x128xf32, #tpu.memory_space<vmem>> -> memref<56x128xf32, #tpu.memory_space<vmem>>
        %dma_start3A_76 = arith.constant 0 : i32
        %dma_start3A_77 = tpu.memref_slice %arg6[%add3A_72, %dma_start3A_76] : memref<10000x128xf32, #tpu.memory_space<vmem_shared>> -> memref<56x128xf32, #tpu.memory_space<vmem_shared>>
        %dma_start3A_78 = arith.constant 0 : i32
        %dma_start3A_79 = tpu.memref_slice %arg6[%add3A_72, %dma_start3A_78] : memref<10000x128xf32, #tpu.memory_space<vmem_shared>> -> memref<56x128xf32, #tpu.memory_space<vmem_shared>>
        %dma_start3A_80 = arith.constant 0 : i32
        %dma_start3A_81 = arith.constant 0 : i32
        %dma_start3A_82 = tpu.memref_slice %arg21[%dma_start3A_80, %dma_start3A_81] : memref<64x128xf32, #tpu.memory_space<vmem>> -> memref<56x128xf32, #tpu.memory_space<vmem>>
        tpu.enqueue_dma source(%dma_start3A_82 : memref<56x128xf32, #tpu.memory_space<vmem>>) target(%dma_start3A_79 : memref<56x128xf32, #tpu.memory_space<vmem_shared>>) target_semaphore(%run_scoped3A : memref<!tpu.dma_semaphore, #tpu.memory_space<semaphore_mem>>)
        %dma_wait3A_83 = arith.constant 0 : i32
        %dma_wait3A_84 = arith.constant 0 : i32
        %dma_wait3A_85 = tpu.memref_slice %arg21[%dma_wait3A_83, %dma_wait3A_84] : memref<64x128xf32, #tpu.memory_space<vmem>> -> memref<56x128xf32, #tpu.memory_space<vmem>>
        %dma_wait3A_86 = arith.constant 0 : i32
        %dma_wait3A_87 = tpu.memref_slice %arg6[%add3A_72, %dma_wait3A_86] : memref<10000x128xf32, #tpu.memory_space<vmem_shared>> -> memref<56x128xf32, #tpu.memory_space<vmem_shared>>
        %dma_wait3A_88 = arith.constant 0 : i32
        %dma_wait3A_89 = tpu.memref_slice %arg6[%add3A_72, %dma_wait3A_88] : memref<10000x128xf32, #tpu.memory_space<vmem_shared>> -> memref<56x128xf32, #tpu.memory_space<vmem_shared>>
        %dma_wait3A_90 = arith.constant 0 : i32
        %dma_wait3A_91 = arith.constant 0 : i32
        %dma_wait3A_92 = tpu.memref_slice %arg21[%dma_wait3A_90, %dma_wait3A_91] : memref<64x128xf32, #tpu.memory_space<vmem>> -> memref<56x128xf32, #tpu.memory_space<vmem>>
        tpu.wait_dma2 semaphore(%run_scoped3A : memref<!tpu.dma_semaphore, #tpu.memory_space<semaphore_mem>>) src(%dma_wait3A_92 : memref<56x128xf32, #tpu.memory_space<vmem>>) dst(%dma_wait3A_89 : memref<56x128xf32, #tpu.memory_space<vmem_shared>>)
        tpu.yield
      }) : () -> ()
    } else {
    }
    %barrier3A = arith.constant 0 : index
    tpu.barrier barrier_id(%barrier3A)
    %scan3A_44 = arith.constant 0 : i32
    %scan3A_45 = arith.constant 26 : i32
    %scan3A_46 = arith.addi %scan3A_44, %scan3A_45 : i32
    %scan3A_47 = arith.constant 1 : i32
    scf.for %scan3A_71 = %scan3A_44 to %scan3A_46 step %scan3A_47  : i32 {
      %mul3A_72 = arith.constant 1 : i32
      %mul3A_73 = arith.muli %scan3A_71, %mul3A_72 : i32
      %add3A_74 = arith.constant 0 : i32
      %add3A_75 = arith.addi %add3A_74, %mul3A_73 : i32
      %mul3A_76 = arith.constant 6 : i32
      %mul3A_77 = arith.muli %mul3A_76, %add3A_75 : i32
      %add3A_78 = arith.constant 0 : i32
      %add3A_79 = arith.addi %mul3A_77, %add3A_78 : i32
      %ge3A_80 = arith.constant 3 : i32
      %ge3A_81 = arith.cmpi sge, %add3A_79, %ge3A_80 : i32
      %convert_element_type3A_82 = arith.extui %ge3A_81 : i1 to i32
      %cond3A_83 = arith.constant 0 : i32
      %cond3A_84 = arith.cmpi ne, %convert_element_type3A_82, %cond3A_83 : i32
      scf.if %cond3A_84 {
        %dma_wait3A_250 = arith.constant 0 : i32
        %dma_wait3A_251 = arith.constant 0 : i32
        %dma_wait3A_252 = tpu.memref_slice %arg6[%dma_wait3A_250, %dma_wait3A_251] : memref<10000x128xf32, #tpu.memory_space<vmem_shared>> -> memref<10000x128xf32, #tpu.memory_space<vmem_shared>>
        tpu.wait_indirect_dma semaphore(%arg42 : memref<!tpu.dma_semaphore, #tpu.memory_space<semaphore_mem>>) src(%arg22 : memref<64x128xf32, #tpu.memory_space<vmem>>) dst(%dma_wait3A_252 : memref<10000x128xf32, #tpu.memory_space<vmem_shared>>)
      } else {
      }
      %add3A_85 = arith.constant 3 : i32
      %add3A_86 = arith.addi %add3A_79, %add3A_85 : i32
      %lt3A_87 = arith.constant 156 : i32
      %lt3A_88 = arith.cmpi slt, %add3A_86, %lt3A_87 : i32
      %convert_element_type3A_89 = arith.extui %lt3A_88 : i1 to i32
      %cond3A_90 = arith.constant 0 : i32
      %cond3A_91 = arith.cmpi ne, %convert_element_type3A_89, %cond3A_90 : i32
      scf.if %cond3A_91 {
        %add3A_250 = arith.constant 3 : i32
        %add3A_251 = arith.addi %add3A_79, %add3A_250 : i32
        %mul3A_252 = arith.constant 64 : i32
        %mul3A_253 = arith.muli %add3A_251, %mul3A_252 : i32
        %add3A_254 = arith.addi %mul3A_2, %mul3A_253 : i32
        %dma_start3A_255 = tpu.memref_slice %arg3[%add3A_254] : memref<320000xi32, #tpu.memory_space<hbm>> -> memref<64xi32, #tpu.memory_space<hbm>>
        %dma_start3A_256 = tpu.memref_slice %arg3[%add3A_254] : memref<320000xi32, #tpu.memory_space<hbm>> -> memref<64xi32, #tpu.memory_space<hbm>>
        tpu.enqueue_dma source(%dma_start3A_256 : memref<64xi32, #tpu.memory_space<hbm>>) target(%arg10 : memref<64xi32, #tpu.memory_space<vmem>>) target_semaphore(%arg36 : memref<!tpu.dma_semaphore, #tpu.memory_space<semaphore_mem>>)
        %dma_start3A_257 = tpu.memref_slice %arg4[%add3A_254] : memref<320000xi32, #tpu.memory_space<hbm>> -> memref<64xi32, #tpu.memory_space<hbm>>
        %dma_start3A_258 = tpu.memref_slice %arg4[%add3A_254] : memref<320000xi32, #tpu.memory_space<hbm>> -> memref<64xi32, #tpu.memory_space<hbm>>
        tpu.enqueue_dma source(%dma_start3A_258 : memref<64xi32, #tpu.memory_space<hbm>>) target(%arg16 : memref<64xi32, #tpu.memory_space<vmem>>) target_semaphore(%arg36 : memref<!tpu.dma_semaphore, #tpu.memory_space<semaphore_mem>>)
      } else {
      }
      %add3A_92 = arith.constant 2 : i32
      %add3A_93 = arith.addi %add3A_79, %add3A_92 : i32
      %lt3A_94 = arith.constant 156 : i32
      %lt3A_95 = arith.cmpi slt, %add3A_93, %lt3A_94 : i32
      %convert_element_type3A_96 = arith.extui %lt3A_95 : i1 to i32
      %cond3A_97 = arith.constant 0 : i32
      %cond3A_98 = arith.cmpi ne, %convert_element_type3A_96, %cond3A_97 : i32
      scf.if %cond3A_98 {
        %add3A_250 = arith.constant 2 : i32
        %add3A_251 = arith.addi %add3A_79, %add3A_250 : i32
        %mul3A_252 = arith.constant 64 : i32
        %mul3A_253 = arith.muli %add3A_251, %mul3A_252 : i32
        %add3A_254 = arith.addi %mul3A_2, %mul3A_253 : i32
        %dma_wait3A_255 = tpu.memref_slice %arg3[%add3A_254] : memref<320000xi32, #tpu.memory_space<hbm>> -> memref<64xi32, #tpu.memory_space<hbm>>
        %dma_wait3A_256 = tpu.memref_slice %arg3[%add3A_254] : memref<320000xi32, #tpu.memory_space<hbm>> -> memref<64xi32, #tpu.memory_space<hbm>>
        tpu.wait_dma2 semaphore(%arg35 : memref<!tpu.dma_semaphore, #tpu.memory_space<semaphore_mem>>) src(%dma_wait3A_256 : memref<64xi32, #tpu.memory_space<hbm>>) dst(%arg9 : memref<64xi32, #tpu.memory_space<vmem>>)
        %dma_wait3A_257 = tpu.memref_slice %arg4[%add3A_254] : memref<320000xi32, #tpu.memory_space<hbm>> -> memref<64xi32, #tpu.memory_space<hbm>>
        %dma_wait3A_258 = tpu.memref_slice %arg4[%add3A_254] : memref<320000xi32, #tpu.memory_space<hbm>> -> memref<64xi32, #tpu.memory_space<hbm>>
        tpu.wait_dma2 semaphore(%arg35 : memref<!tpu.dma_semaphore, #tpu.memory_space<semaphore_mem>>) src(%dma_wait3A_258 : memref<64xi32, #tpu.memory_space<hbm>>) dst(%arg15 : memref<64xi32, #tpu.memory_space<vmem>>)
        %dma_start3A_259 = arith.constant 0 : i32
        %dma_start3A_260 = arith.constant 0 : i32
        %dma_start3A_261 = tpu.memref_slice %arg2[%dma_start3A_259, %dma_start3A_260] : memref<10000x128xf32, #tpu.memory_space<hbm>> -> memref<10000x128xf32, #tpu.memory_space<hbm>>
        tpu.enqueue_indirect_dma source(%dma_start3A_261 : memref<10000x128xf32, #tpu.memory_space<hbm>>) target(%arg21 : memref<64x128xf32, #tpu.memory_space<vmem>>) offsets(%arg9 : memref<64xi32, #tpu.memory_space<vmem>>) semaphore(%arg29 : memref<!tpu.dma_semaphore, #tpu.memory_space<semaphore_mem>>)
      } else {
      }
      %dma_wait3A_99 = arith.constant 0 : i32
      %dma_wait3A_100 = arith.constant 0 : i32
      %dma_wait3A_101 = tpu.memref_slice %arg2[%dma_wait3A_99, %dma_wait3A_100] : memref<10000x128xf32, #tpu.memory_space<hbm>> -> memref<10000x128xf32, #tpu.memory_space<hbm>>
      tpu.wait_indirect_dma semaphore(%arg27 : memref<!tpu.dma_semaphore, #tpu.memory_space<semaphore_mem>>) src(%dma_wait3A_101 : memref<10000x128xf32, #tpu.memory_space<hbm>>) dst(%arg19 : memref<64x128xf32, #tpu.memory_space<vmem>>)
      %dma_start3A_102 = arith.constant 0 : i32
      %dma_start3A_103 = arith.constant 0 : i32
      %dma_start3A_104 = tpu.memref_slice %arg6[%dma_start3A_102, %dma_start3A_103] : memref<10000x128xf32, #tpu.memory_space<vmem_shared>> -> memref<10000x128xf32, #tpu.memory_space<vmem_shared>>
      tpu.enqueue_indirect_dma source(%arg19 : memref<64x128xf32, #tpu.memory_space<vmem>>) target(%dma_start3A_104 : memref<10000x128xf32, #tpu.memory_space<vmem_shared>>) offsets(%arg13 : memref<64xi32, #tpu.memory_space<vmem>>) semaphore(%arg39 : memref<!tpu.dma_semaphore, #tpu.memory_space<semaphore_mem>>) {add = true}
      %mul3A_105 = arith.constant 6 : i32
      %mul3A_106 = arith.muli %mul3A_105, %add3A_75 : i32
      %add3A_107 = arith.constant 1 : i32
      %add3A_108 = arith.addi %mul3A_106, %add3A_107 : i32
      %ge3A_109 = arith.constant 3 : i32
      %ge3A_110 = arith.cmpi sge, %add3A_108, %ge3A_109 : i32
      %convert_element_type3A_111 = arith.extui %ge3A_110 : i1 to i32
      %cond3A_112 = arith.constant 0 : i32
      %cond3A_113 = arith.cmpi ne, %convert_element_type3A_111, %cond3A_112 : i32
      scf.if %cond3A_113 {
        %dma_wait3A_250 = arith.constant 0 : i32
        %dma_wait3A_251 = arith.constant 0 : i32
        %dma_wait3A_252 = tpu.memref_slice %arg6[%dma_wait3A_250, %dma_wait3A_251] : memref<10000x128xf32, #tpu.memory_space<vmem_shared>> -> memref<10000x128xf32, #tpu.memory_space<vmem_shared>>
        tpu.wait_indirect_dma semaphore(%arg43 : memref<!tpu.dma_semaphore, #tpu.memory_space<semaphore_mem>>) src(%arg23 : memref<64x128xf32, #tpu.memory_space<vmem>>) dst(%dma_wait3A_252 : memref<10000x128xf32, #tpu.memory_space<vmem_shared>>)
      } else {
      }
      %add3A_114 = arith.constant 3 : i32
      %add3A_115 = arith.addi %add3A_108, %add3A_114 : i32
      %lt3A_116 = arith.constant 156 : i32
      %lt3A_117 = arith.cmpi slt, %add3A_115, %lt3A_116 : i32
      %convert_element_type3A_118 = arith.extui %lt3A_117 : i1 to i32
      %cond3A_119 = arith.constant 0 : i32
      %cond3A_120 = arith.cmpi ne, %convert_element_type3A_118, %cond3A_119 : i32
      scf.if %cond3A_120 {
        %add3A_250 = arith.constant 3 : i32
        %add3A_251 = arith.addi %add3A_108, %add3A_250 : i32
        %mul3A_252 = arith.constant 64 : i32
        %mul3A_253 = arith.muli %add3A_251, %mul3A_252 : i32
        %add3A_254 = arith.addi %mul3A_2, %mul3A_253 : i32
        %dma_start3A_255 = tpu.memref_slice %arg3[%add3A_254] : memref<320000xi32, #tpu.memory_space<hbm>> -> memref<64xi32, #tpu.memory_space<hbm>>
        %dma_start3A_256 = tpu.memref_slice %arg3[%add3A_254] : memref<320000xi32, #tpu.memory_space<hbm>> -> memref<64xi32, #tpu.memory_space<hbm>>
        tpu.enqueue_dma source(%dma_start3A_256 : memref<64xi32, #tpu.memory_space<hbm>>) target(%arg11 : memref<64xi32, #tpu.memory_space<vmem>>) target_semaphore(%arg37 : memref<!tpu.dma_semaphore, #tpu.memory_space<semaphore_mem>>)
        %dma_start3A_257 = tpu.memref_slice %arg4[%add3A_254] : memref<320000xi32, #tpu.memory_space<hbm>> -> memref<64xi32, #tpu.memory_space<hbm>>
        %dma_start3A_258 = tpu.memref_slice %arg4[%add3A_254] : memref<320000xi32, #tpu.memory_space<hbm>> -> memref<64xi32, #tpu.memory_space<hbm>>
        tpu.enqueue_dma source(%dma_start3A_258 : memref<64xi32, #tpu.memory_space<hbm>>) target(%arg17 : memref<64xi32, #tpu.memory_space<vmem>>) target_semaphore(%arg37 : memref<!tpu.dma_semaphore, #tpu.memory_space<semaphore_mem>>)
      } else {
      }
      %add3A_121 = arith.constant 2 : i32
      %add3A_122 = arith.addi %add3A_108, %add3A_121 : i32
      %lt3A_123 = arith.constant 156 : i32
      %lt3A_124 = arith.cmpi slt, %add3A_122, %lt3A_123 : i32
      %convert_element_type3A_125 = arith.extui %lt3A_124 : i1 to i32
      %cond3A_126 = arith.constant 0 : i32
      %cond3A_127 = arith.cmpi ne, %convert_element_type3A_125, %cond3A_126 : i32
      scf.if %cond3A_127 {
        %add3A_250 = arith.constant 2 : i32
        %add3A_251 = arith.addi %add3A_108, %add3A_250 : i32
        %mul3A_252 = arith.constant 64 : i32
        %mul3A_253 = arith.muli %add3A_251, %mul3A_252 : i32
        %add3A_254 = arith.addi %mul3A_2, %mul3A_253 : i32
        %dma_wait3A_255 = tpu.memref_slice %arg3[%add3A_254] : memref<320000xi32, #tpu.memory_space<hbm>> -> memref<64xi32, #tpu.memory_space<hbm>>
        %dma_wait3A_256 = tpu.memref_slice %arg3[%add3A_254] : memref<320000xi32, #tpu.memory_space<hbm>> -> memref<64xi32, #tpu.memory_space<hbm>>
        tpu.wait_dma2 semaphore(%arg36 : memref<!tpu.dma_semaphore, #tpu.memory_space<semaphore_mem>>) src(%dma_wait3A_256 : memref<64xi32, #tpu.memory_space<hbm>>) dst(%arg10 : memref<64xi32, #tpu.memory_space<vmem>>)
        %dma_wait3A_257 = tpu.memref_slice %arg4[%add3A_254] : memref<320000xi32, #tpu.memory_space<hbm>> -> memref<64xi32, #tpu.memory_space<hbm>>
        %dma_wait3A_258 = tpu.memref_slice %arg4[%add3A_254] : memref<320000xi32, #tpu.memory_space<hbm>> -> memref<64xi32, #tpu.memory_space<hbm>>
        tpu.wait_dma2 semaphore(%arg36 : memref<!tpu.dma_semaphore, #tpu.memory_space<semaphore_mem>>) src(%dma_wait3A_258 : memref<64xi32, #tpu.memory_space<hbm>>) dst(%arg16 : memref<64xi32, #tpu.memory_space<vmem>>)
        %dma_start3A_259 = arith.constant 0 : i32
        %dma_start3A_260 = arith.constant 0 : i32
        %dma_start3A_261 = tpu.memref_slice %arg2[%dma_start3A_259, %dma_start3A_260] : memref<10000x128xf32, #tpu.memory_space<hbm>> -> memref<10000x128xf32, #tpu.memory_space<hbm>>
        tpu.enqueue_indirect_dma source(%dma_start3A_261 : memref<10000x128xf32, #tpu.memory_space<hbm>>) target(%arg22 : memref<64x128xf32, #tpu.memory_space<vmem>>) offsets(%arg10 : memref<64xi32, #tpu.memory_space<vmem>>) semaphore(%arg30 : memref<!tpu.dma_semaphore, #tpu.memory_space<semaphore_mem>>)
      } else {
      }
      %dma_wait3A_128 = arith.constant 0 : i32
      %dma_wait3A_129 = arith.constant 0 : i32
      %dma_wait3A_130 = tpu.memref_slice %arg2[%dma_wait3A_128, %dma_wait3A_129] : memref<10000x128xf32, #tpu.memory_space<hbm>> -> memref<10000x128xf32, #tpu.memory_space<hbm>>
      tpu.wait_indirect_dma semaphore(%arg28 : memref<!tpu.dma_semaphore, #tpu.memory_space<semaphore_mem>>) src(%dma_wait3A_130 : memref<10000x128xf32, #tpu.memory_space<hbm>>) dst(%arg20 : memref<64x128xf32, #tpu.memory_space<vmem>>)
      %dma_start3A_131 = arith.constant 0 : i32
      %dma_start3A_132 = arith.constant 0 : i32
      %dma_start3A_133 = tpu.memref_slice %arg6[%dma_start3A_131, %dma_start3A_132] : memref<10000x128xf32, #tpu.memory_space<vmem_shared>> -> memref<10000x128xf32, #tpu.memory_space<vmem_shared>>
      tpu.enqueue_indirect_dma source(%arg20 : memref<64x128xf32, #tpu.memory_space<vmem>>) target(%dma_start3A_133 : memref<10000x128xf32, #tpu.memory_space<vmem_shared>>) offsets(%arg14 : memref<64xi32, #tpu.memory_space<vmem>>) semaphore(%arg40 : memref<!tpu.dma_semaphore, #tpu.memory_space<semaphore_mem>>) {add = true}
      %mul3A_134 = arith.constant 6 : i32
      %mul3A_135 = arith.muli %mul3A_134, %add3A_75 : i32
      %add3A_136 = arith.constant 2 : i32
      %add3A_137 = arith.addi %mul3A_135, %add3A_136 : i32
      %ge3A_138 = arith.constant 3 : i32
      %ge3A_139 = arith.cmpi sge, %add3A_137, %ge3A_138 : i32
      %convert_element_type3A_140 = arith.extui %ge3A_139 : i1 to i32
      %cond3A_141 = arith.constant 0 : i32
      %cond3A_142 = arith.cmpi ne, %convert_element_type3A_140, %cond3A_141 : i32
      scf.if %cond3A_142 {
        %dma_wait3A_250 = arith.constant 0 : i32
        %dma_wait3A_251 = arith.constant 0 : i32
        %dma_wait3A_252 = tpu.memref_slice %arg6[%dma_wait3A_250, %dma_wait3A_251] : memref<10000x128xf32, #tpu.memory_space<vmem_shared>> -> memref<10000x128xf32, #tpu.memory_space<vmem_shared>>
        tpu.wait_indirect_dma semaphore(%arg44 : memref<!tpu.dma_semaphore, #tpu.memory_space<semaphore_mem>>) src(%arg24 : memref<64x128xf32, #tpu.memory_space<vmem>>) dst(%dma_wait3A_252 : memref<10000x128xf32, #tpu.memory_space<vmem_shared>>)
      } else {
      }
      %add3A_143 = arith.constant 3 : i32
      %add3A_144 = arith.addi %add3A_137, %add3A_143 : i32
      %lt3A_145 = arith.constant 156 : i32
      %lt3A_146 = arith.cmpi slt, %add3A_144, %lt3A_145 : i32
      %convert_element_type3A_147 = arith.extui %lt3A_146 : i1 to i32
      %cond3A_148 = arith.constant 0 : i32
      %cond3A_149 = arith.cmpi ne, %convert_element_type3A_147, %cond3A_148 : i32
      scf.if %cond3A_149 {
        %add3A_250 = arith.constant 3 : i32
        %add3A_251 = arith.addi %add3A_137, %add3A_250 : i32
        %mul3A_252 = arith.constant 64 : i32
        %mul3A_253 = arith.muli %add3A_251, %mul3A_252 : i32
        %add3A_254 = arith.addi %mul3A_2, %mul3A_253 : i32
        %dma_start3A_255 = tpu.memref_slice %arg3[%add3A_254] : memref<320000xi32, #tpu.memory_space<hbm>> -> memref<64xi32, #tpu.memory_space<hbm>>
        %dma_start3A_256 = tpu.memref_slice %arg3[%add3A_254] : memref<320000xi32, #tpu.memory_space<hbm>> -> memref<64xi32, #tpu.memory_space<hbm>>
        tpu.enqueue_dma source(%dma_start3A_256 : memref<64xi32, #tpu.memory_space<hbm>>) target(%arg12 : memref<64xi32, #tpu.memory_space<vmem>>) target_semaphore(%arg38 : memref<!tpu.dma_semaphore, #tpu.memory_space<semaphore_mem>>)
        %dma_start3A_257 = tpu.memref_slice %arg4[%add3A_254] : memref<320000xi32, #tpu.memory_space<hbm>> -> memref<64xi32, #tpu.memory_space<hbm>>
        %dma_start3A_258 = tpu.memref_slice %arg4[%add3A_254] : memref<320000xi32, #tpu.memory_space<hbm>> -> memref<64xi32, #tpu.memory_space<hbm>>
        tpu.enqueue_dma source(%dma_start3A_258 : memref<64xi32, #tpu.memory_space<hbm>>) target(%arg18 : memref<64xi32, #tpu.memory_space<vmem>>) target_semaphore(%arg38 : memref<!tpu.dma_semaphore, #tpu.memory_space<semaphore_mem>>)
      } else {
      }
      %add3A_150 = arith.constant 2 : i32
      %add3A_151 = arith.addi %add3A_137, %add3A_150 : i32
      %lt3A_152 = arith.constant 156 : i32
      %lt3A_153 = arith.cmpi slt, %add3A_151, %lt3A_152 : i32
      %convert_element_type3A_154 = arith.extui %lt3A_153 : i1 to i32
      %cond3A_155 = arith.constant 0 : i32
      %cond3A_156 = arith.cmpi ne, %convert_element_type3A_154, %cond3A_155 : i32
      scf.if %cond3A_156 {
        %add3A_250 = arith.constant 2 : i32
        %add3A_251 = arith.addi %add3A_137, %add3A_250 : i32
        %mul3A_252 = arith.constant 64 : i32
        %mul3A_253 = arith.muli %add3A_251, %mul3A_252 : i32
        %add3A_254 = arith.addi %mul3A_2, %mul3A_253 : i32
        %dma_wait3A_255 = tpu.memref_slice %arg3[%add3A_254] : memref<320000xi32, #tpu.memory_space<hbm>> -> memref<64xi32, #tpu.memory_space<hbm>>
        %dma_wait3A_256 = tpu.memref_slice %arg3[%add3A_254] : memref<320000xi32, #tpu.memory_space<hbm>> -> memref<64xi32, #tpu.memory_space<hbm>>
        tpu.wait_dma2 semaphore(%arg37 : memref<!tpu.dma_semaphore, #tpu.memory_space<semaphore_mem>>) src(%dma_wait3A_256 : memref<64xi32, #tpu.memory_space<hbm>>) dst(%arg11 : memref<64xi32, #tpu.memory_space<vmem>>)
        %dma_wait3A_257 = tpu.memref_slice %arg4[%add3A_254] : memref<320000xi32, #tpu.memory_space<hbm>> -> memref<64xi32, #tpu.memory_space<hbm>>
        %dma_wait3A_258 = tpu.memref_slice %arg4[%add3A_254] : memref<320000xi32, #tpu.memory_space<hbm>> -> memref<64xi32, #tpu.memory_space<hbm>>
        tpu.wait_dma2 semaphore(%arg37 : memref<!tpu.dma_semaphore, #tpu.memory_space<semaphore_mem>>) src(%dma_wait3A_258 : memref<64xi32, #tpu.memory_space<hbm>>) dst(%arg17 : memref<64xi32, #tpu.memory_space<vmem>>)
        %dma_start3A_259 = arith.constant 0 : i32
        %dma_start3A_260 = arith.constant 0 : i32
        %dma_start3A_261 = tpu.memref_slice %arg2[%dma_start3A_259, %dma_start3A_260] : memref<10000x128xf32, #tpu.memory_space<hbm>> -> memref<10000x128xf32, #tpu.memory_space<hbm>>
        tpu.enqueue_indirect_dma source(%dma_start3A_261 : memref<10000x128xf32, #tpu.memory_space<hbm>>) target(%arg23 : memref<64x128xf32, #tpu.memory_space<vmem>>) offsets(%arg11 : memref<64xi32, #tpu.memory_space<vmem>>) semaphore(%arg31 : memref<!tpu.dma_semaphore, #tpu.memory_space<semaphore_mem>>)
      } else {
      }
      %dma_wait3A_157 = arith.constant 0 : i32
      %dma_wait3A_158 = arith.constant 0 : i32
      %dma_wait3A_159 = tpu.memref_slice %arg2[%dma_wait3A_157, %dma_wait3A_158] : memref<10000x128xf32, #tpu.memory_space<hbm>> -> memref<10000x128xf32, #tpu.memory_space<hbm>>
      tpu.wait_indirect_dma semaphore(%arg29 : memref<!tpu.dma_semaphore, #tpu.memory_space<semaphore_mem>>) src(%dma_wait3A_159 : memref<10000x128xf32, #tpu.memory_space<hbm>>) dst(%arg21 : memref<64x128xf32, #tpu.memory_space<vmem>>)
      %dma_start3A_160 = arith.constant 0 : i32
      %dma_start3A_161 = arith.constant 0 : i32
      %dma_start3A_162 = tpu.memref_slice %arg6[%dma_start3A_160, %dma_start3A_161] : memref<10000x128xf32, #tpu.memory_space<vmem_shared>> -> memref<10000x128xf32, #tpu.memory_space<vmem_shared>>
      tpu.enqueue_indirect_dma source(%arg21 : memref<64x128xf32, #tpu.memory_space<vmem>>) target(%dma_start3A_162 : memref<10000x128xf32, #tpu.memory_space<vmem_shared>>) offsets(%arg15 : memref<64xi32, #tpu.memory_space<vmem>>) semaphore(%arg41 : memref<!tpu.dma_semaphore, #tpu.memory_space<semaphore_mem>>) {add = true}
      %mul3A_163 = arith.constant 6 : i32
      %mul3A_164 = arith.muli %mul3A_163, %add3A_75 : i32
      %add3A_165 = arith.constant 3 : i32
      %add3A_166 = arith.addi %mul3A_164, %add3A_165 : i32
      %ge3A_167 = arith.constant 3 : i32
      %ge3A_168 = arith.cmpi sge, %add3A_166, %ge3A_167 : i32
      %convert_element_type3A_169 = arith.extui %ge3A_168 : i1 to i32
      %cond3A_170 = arith.constant 0 : i32
      %cond3A_171 = arith.cmpi ne, %convert_element_type3A_169, %cond3A_170 : i32
      scf.if %cond3A_171 {
        %dma_wait3A_250 = arith.constant 0 : i32
        %dma_wait3A_251 = arith.constant 0 : i32
        %dma_wait3A_252 = tpu.memref_slice %arg6[%dma_wait3A_250, %dma_wait3A_251] : memref<10000x128xf32, #tpu.memory_space<vmem_shared>> -> memref<10000x128xf32, #tpu.memory_space<vmem_shared>>
        tpu.wait_indirect_dma semaphore(%arg39 : memref<!tpu.dma_semaphore, #tpu.memory_space<semaphore_mem>>) src(%arg19 : memref<64x128xf32, #tpu.memory_space<vmem>>) dst(%dma_wait3A_252 : memref<10000x128xf32, #tpu.memory_space<vmem_shared>>)
      } else {
      }
      %add3A_172 = arith.constant 3 : i32
      %add3A_173 = arith.addi %add3A_166, %add3A_172 : i32
      %lt3A_174 = arith.constant 156 : i32
      %lt3A_175 = arith.cmpi slt, %add3A_173, %lt3A_174 : i32
      %convert_element_type3A_176 = arith.extui %lt3A_175 : i1 to i32
      %cond3A_177 = arith.constant 0 : i32
      %cond3A_178 = arith.cmpi ne, %convert_element_type3A_176, %cond3A_177 : i32
      scf.if %cond3A_178 {
        %add3A_250 = arith.constant 3 : i32
        %add3A_251 = arith.addi %add3A_166, %add3A_250 : i32
        %mul3A_252 = arith.constant 64 : i32
        %mul3A_253 = arith.muli %add3A_251, %mul3A_252 : i32
        %add3A_254 = arith.addi %mul3A_2, %mul3A_253 : i32
        %dma_start3A_255 = tpu.memref_slice %arg3[%add3A_254] : memref<320000xi32, #tpu.memory_space<hbm>> -> memref<64xi32, #tpu.memory_space<hbm>>
        %dma_start3A_256 = tpu.memref_slice %arg3[%add3A_254] : memref<320000xi32, #tpu.memory_space<hbm>> -> memref<64xi32, #tpu.memory_space<hbm>>
        tpu.enqueue_dma source(%dma_start3A_256 : memref<64xi32, #tpu.memory_space<hbm>>) target(%arg7 : memref<64xi32, #tpu.memory_space<vmem>>) target_semaphore(%arg33 : memref<!tpu.dma_semaphore, #tpu.memory_space<semaphore_mem>>)
        %dma_start3A_257 = tpu.memref_slice %arg4[%add3A_254] : memref<320000xi32, #tpu.memory_space<hbm>> -> memref<64xi32, #tpu.memory_space<hbm>>
        %dma_start3A_258 = tpu.memref_slice %arg4[%add3A_254] : memref<320000xi32, #tpu.memory_space<hbm>> -> memref<64xi32, #tpu.memory_space<hbm>>
        tpu.enqueue_dma source(%dma_start3A_258 : memref<64xi32, #tpu.memory_space<hbm>>) target(%arg13 : memref<64xi32, #tpu.memory_space<vmem>>) target_semaphore(%arg33 : memref<!tpu.dma_semaphore, #tpu.memory_space<semaphore_mem>>)
      } else {
      }
      %add3A_179 = arith.constant 2 : i32
      %add3A_180 = arith.addi %add3A_166, %add3A_179 : i32
      %lt3A_181 = arith.constant 156 : i32
      %lt3A_182 = arith.cmpi slt, %add3A_180, %lt3A_181 : i32
      %convert_element_type3A_183 = arith.extui %lt3A_182 : i1 to i32
      %cond3A_184 = arith.constant 0 : i32
      %cond3A_185 = arith.cmpi ne, %convert_element_type3A_183, %cond3A_184 : i32
      scf.if %cond3A_185 {
        %add3A_250 = arith.constant 2 : i32
        %add3A_251 = arith.addi %add3A_166, %add3A_250 : i32
        %mul3A_252 = arith.constant 64 : i32
        %mul3A_253 = arith.muli %add3A_251, %mul3A_252 : i32
        %add3A_254 = arith.addi %mul3A_2, %mul3A_253 : i32
        %dma_wait3A_255 = tpu.memref_slice %arg3[%add3A_254] : memref<320000xi32, #tpu.memory_space<hbm>> -> memref<64xi32, #tpu.memory_space<hbm>>
        %dma_wait3A_256 = tpu.memref_slice %arg3[%add3A_254] : memref<320000xi32, #tpu.memory_space<hbm>> -> memref<64xi32, #tpu.memory_space<hbm>>
        tpu.wait_dma2 semaphore(%arg38 : memref<!tpu.dma_semaphore, #tpu.memory_space<semaphore_mem>>) src(%dma_wait3A_256 : memref<64xi32, #tpu.memory_space<hbm>>) dst(%arg12 : memref<64xi32, #tpu.memory_space<vmem>>)
        %dma_wait3A_257 = tpu.memref_slice %arg4[%add3A_254] : memref<320000xi32, #tpu.memory_space<hbm>> -> memref<64xi32, #tpu.memory_space<hbm>>
        %dma_wait3A_258 = tpu.memref_slice %arg4[%add3A_254] : memref<320000xi32, #tpu.memory_space<hbm>> -> memref<64xi32, #tpu.memory_space<hbm>>
        tpu.wait_dma2 semaphore(%arg38 : memref<!tpu.dma_semaphore, #tpu.memory_space<semaphore_mem>>) src(%dma_wait3A_258 : memref<64xi32, #tpu.memory_space<hbm>>) dst(%arg18 : memref<64xi32, #tpu.memory_space<vmem>>)
        %dma_start3A_259 = arith.constant 0 : i32
        %dma_start3A_260 = arith.constant 0 : i32
        %dma_start3A_261 = tpu.memref_slice %arg2[%dma_start3A_259, %dma_start3A_260] : memref<10000x128xf32, #tpu.memory_space<hbm>> -> memref<10000x128xf32, #tpu.memory_space<hbm>>
        tpu.enqueue_indirect_dma source(%dma_start3A_261 : memref<10000x128xf32, #tpu.memory_space<hbm>>) target(%arg24 : memref<64x128xf32, #tpu.memory_space<vmem>>) offsets(%arg12 : memref<64xi32, #tpu.memory_space<vmem>>) semaphore(%arg32 : memref<!tpu.dma_semaphore, #tpu.memory_space<semaphore_mem>>)
      } else {
      }
      %dma_wait3A_186 = arith.constant 0 : i32
      %dma_wait3A_187 = arith.constant 0 : i32
      %dma_wait3A_188 = tpu.memref_slice %arg2[%dma_wait3A_186, %dma_wait3A_187] : memref<10000x128xf32, #tpu.memory_space<hbm>> -> memref<10000x128xf32, #tpu.memory_space<hbm>>
      tpu.wait_indirect_dma semaphore(%arg30 : memref<!tpu.dma_semaphore, #tpu.memory_space<semaphore_mem>>) src(%dma_wait3A_188 : memref<10000x128xf32, #tpu.memory_space<hbm>>) dst(%arg22 : memref<64x128xf32, #tpu.memory_space<vmem>>)
      %dma_start3A_189 = arith.constant 0 : i32
      %dma_start3A_190 = arith.constant 0 : i32
      %dma_start3A_191 = tpu.memref_slice %arg6[%dma_start3A_189, %dma_start3A_190] : memref<10000x128xf32, #tpu.memory_space<vmem_shared>> -> memref<10000x128xf32, #tpu.memory_space<vmem_shared>>
      tpu.enqueue_indirect_dma source(%arg22 : memref<64x128xf32, #tpu.memory_space<vmem>>) target(%dma_start3A_191 : memref<10000x128xf32, #tpu.memory_space<vmem_shared>>) offsets(%arg16 : memref<64xi32, #tpu.memory_space<vmem>>) semaphore(%arg42 : memref<!tpu.dma_semaphore, #tpu.memory_space<semaphore_mem>>) {add = true}
      %mul3A_192 = arith.constant 6 : i32
      %mul3A_193 = arith.muli %mul3A_192, %add3A_75 : i32
      %add3A_194 = arith.constant 4 : i32
      %add3A_195 = arith.addi %mul3A_193, %add3A_194 : i32
      %ge3A_196 = arith.constant 3 : i32
      %ge3A_197 = arith.cmpi sge, %add3A_195, %ge3A_196 : i32
      %convert_element_type3A_198 = arith.extui %ge3A_197 : i1 to i32
      %cond3A_199 = arith.constant 0 : i32
      %cond3A_200 = arith.cmpi ne, %convert_element_type3A_198, %cond3A_199 : i32
      scf.if %cond3A_200 {
        %dma_wait3A_250 = arith.constant 0 : i32
        %dma_wait3A_251 = arith.constant 0 : i32
        %dma_wait3A_252 = tpu.memref_slice %arg6[%dma_wait3A_250, %dma_wait3A_251] : memref<10000x128xf32, #tpu.memory_space<vmem_shared>> -> memref<10000x128xf32, #tpu.memory_space<vmem_shared>>
        tpu.wait_indirect_dma semaphore(%arg40 : memref<!tpu.dma_semaphore, #tpu.memory_space<semaphore_mem>>) src(%arg20 : memref<64x128xf32, #tpu.memory_space<vmem>>) dst(%dma_wait3A_252 : memref<10000x128xf32, #tpu.memory_space<vmem_shared>>)
      } else {
      }
      %add3A_201 = arith.constant 3 : i32
      %add3A_202 = arith.addi %add3A_195, %add3A_201 : i32
      %lt3A_203 = arith.constant 156 : i32
      %lt3A_204 = arith.cmpi slt, %add3A_202, %lt3A_203 : i32
      %convert_element_type3A_205 = arith.extui %lt3A_204 : i1 to i32
      %cond3A_206 = arith.constant 0 : i32
      %cond3A_207 = arith.cmpi ne, %convert_element_type3A_205, %cond3A_206 : i32
      scf.if %cond3A_207 {
        %add3A_250 = arith.constant 3 : i32
        %add3A_251 = arith.addi %add3A_195, %add3A_250 : i32
        %mul3A_252 = arith.constant 64 : i32
        %mul3A_253 = arith.muli %add3A_251, %mul3A_252 : i32
        %add3A_254 = arith.addi %mul3A_2, %mul3A_253 : i32
        %dma_start3A_255 = tpu.memref_slice %arg3[%add3A_254] : memref<320000xi32, #tpu.memory_space<hbm>> -> memref<64xi32, #tpu.memory_space<hbm>>
        %dma_start3A_256 = tpu.memref_slice %arg3[%add3A_254] : memref<320000xi32, #tpu.memory_space<hbm>> -> memref<64xi32, #tpu.memory_space<hbm>>
        tpu.enqueue_dma source(%dma_start3A_256 : memref<64xi32, #tpu.memory_space<hbm>>) target(%arg8 : memref<64xi32, #tpu.memory_space<vmem>>) target_semaphore(%arg34 : memref<!tpu.dma_semaphore, #tpu.memory_space<semaphore_mem>>)
        %dma_start3A_257 = tpu.memref_slice %arg4[%add3A_254] : memref<320000xi32, #tpu.memory_space<hbm>> -> memref<64xi32, #tpu.memory_space<hbm>>
        %dma_start3A_258 = tpu.memref_slice %arg4[%add3A_254] : memref<320000xi32, #tpu.memory_space<hbm>> -> memref<64xi32, #tpu.memory_space<hbm>>
        tpu.enqueue_dma source(%dma_start3A_258 : memref<64xi32, #tpu.memory_space<hbm>>) target(%arg14 : memref<64xi32, #tpu.memory_space<vmem>>) target_semaphore(%arg34 : memref<!tpu.dma_semaphore, #tpu.memory_space<semaphore_mem>>)
      } else {
      }
      %add3A_208 = arith.constant 2 : i32
      %add3A_209 = arith.addi %add3A_195, %add3A_208 : i32
      %lt3A_210 = arith.constant 156 : i32
      %lt3A_211 = arith.cmpi slt, %add3A_209, %lt3A_210 : i32
      %convert_element_type3A_212 = arith.extui %lt3A_211 : i1 to i32
      %cond3A_213 = arith.constant 0 : i32
      %cond3A_214 = arith.cmpi ne, %convert_element_type3A_212, %cond3A_213 : i32
      scf.if %cond3A_214 {
        %add3A_250 = arith.constant 2 : i32
        %add3A_251 = arith.addi %add3A_195, %add3A_250 : i32
        %mul3A_252 = arith.constant 64 : i32
        %mul3A_253 = arith.muli %add3A_251, %mul3A_252 : i32
        %add3A_254 = arith.addi %mul3A_2, %mul3A_253 : i32
        %dma_wait3A_255 = tpu.memref_slice %arg3[%add3A_254] : memref<320000xi32, #tpu.memory_space<hbm>> -> memref<64xi32, #tpu.memory_space<hbm>>
        %dma_wait3A_256 = tpu.memref_slice %arg3[%add3A_254] : memref<320000xi32, #tpu.memory_space<hbm>> -> memref<64xi32, #tpu.memory_space<hbm>>
        tpu.wait_dma2 semaphore(%arg33 : memref<!tpu.dma_semaphore, #tpu.memory_space<semaphore_mem>>) src(%dma_wait3A_256 : memref<64xi32, #tpu.memory_space<hbm>>) dst(%arg7 : memref<64xi32, #tpu.memory_space<vmem>>)
        %dma_wait3A_257 = tpu.memref_slice %arg4[%add3A_254] : memref<320000xi32, #tpu.memory_space<hbm>> -> memref<64xi32, #tpu.memory_space<hbm>>
        %dma_wait3A_258 = tpu.memref_slice %arg4[%add3A_254] : memref<320000xi32, #tpu.memory_space<hbm>> -> memref<64xi32, #tpu.memory_space<hbm>>
        tpu.wait_dma2 semaphore(%arg33 : memref<!tpu.dma_semaphore, #tpu.memory_space<semaphore_mem>>) src(%dma_wait3A_258 : memref<64xi32, #tpu.memory_space<hbm>>) dst(%arg13 : memref<64xi32, #tpu.memory_space<vmem>>)
        %dma_start3A_259 = arith.constant 0 : i32
        %dma_start3A_260 = arith.constant 0 : i32
        %dma_start3A_261 = tpu.memref_slice %arg2[%dma_start3A_259, %dma_start3A_260] : memref<10000x128xf32, #tpu.memory_space<hbm>> -> memref<10000x128xf32, #tpu.memory_space<hbm>>
        tpu.enqueue_indirect_dma source(%dma_start3A_261 : memref<10000x128xf32, #tpu.memory_space<hbm>>) target(%arg19 : memref<64x128xf32, #tpu.memory_space<vmem>>) offsets(%arg7 : memref<64xi32, #tpu.memory_space<vmem>>) semaphore(%arg27 : memref<!tpu.dma_semaphore, #tpu.memory_space<semaphore_mem>>)
      } else {
      }
      %dma_wait3A_215 = arith.constant 0 : i32
      %dma_wait3A_216 = arith.constant 0 : i32
      %dma_wait3A_217 = tpu.memref_slice %arg2[%dma_wait3A_215, %dma_wait3A_216] : memref<10000x128xf32, #tpu.memory_space<hbm>> -> memref<10000x128xf32, #tpu.memory_space<hbm>>
      tpu.wait_indirect_dma semaphore(%arg31 : memref<!tpu.dma_semaphore, #tpu.memory_space<semaphore_mem>>) src(%dma_wait3A_217 : memref<10000x128xf32, #tpu.memory_space<hbm>>) dst(%arg23 : memref<64x128xf32, #tpu.memory_space<vmem>>)
      %dma_start3A_218 = arith.constant 0 : i32
      %dma_start3A_219 = arith.constant 0 : i32
      %dma_start3A_220 = tpu.memref_slice %arg6[%dma_start3A_218, %dma_start3A_219] : memref<10000x128xf32, #tpu.memory_space<vmem_shared>> -> memref<10000x128xf32, #tpu.memory_space<vmem_shared>>
      tpu.enqueue_indirect_dma source(%arg23 : memref<64x128xf32, #tpu.memory_space<vmem>>) target(%dma_start3A_220 : memref<10000x128xf32, #tpu.memory_space<vmem_shared>>) offsets(%arg17 : memref<64xi32, #tpu.memory_space<vmem>>) semaphore(%arg43 : memref<!tpu.dma_semaphore, #tpu.memory_space<semaphore_mem>>) {add = true}
      %mul3A_221 = arith.constant 6 : i32
      %mul3A_222 = arith.muli %mul3A_221, %add3A_75 : i32
      %add3A_223 = arith.constant 5 : i32
      %add3A_224 = arith.addi %mul3A_222, %add3A_223 : i32
      %ge3A_225 = arith.constant 3 : i32
      %ge3A_226 = arith.cmpi sge, %add3A_224, %ge3A_225 : i32
      %convert_element_type3A_227 = arith.extui %ge3A_226 : i1 to i32
      %cond3A_228 = arith.constant 0 : i32
      %cond3A_229 = arith.cmpi ne, %convert_element_type3A_227, %cond3A_228 : i32
      scf.if %cond3A_229 {
        %dma_wait3A_250 = arith.constant 0 : i32
        %dma_wait3A_251 = arith.constant 0 : i32
        %dma_wait3A_252 = tpu.memref_slice %arg6[%dma_wait3A_250, %dma_wait3A_251] : memref<10000x128xf32, #tpu.memory_space<vmem_shared>> -> memref<10000x128xf32, #tpu.memory_space<vmem_shared>>
        tpu.wait_indirect_dma semaphore(%arg41 : memref<!tpu.dma_semaphore, #tpu.memory_space<semaphore_mem>>) src(%arg21 : memref<64x128xf32, #tpu.memory_space<vmem>>) dst(%dma_wait3A_252 : memref<10000x128xf32, #tpu.memory_space<vmem_shared>>)
      } else {
      }
      %add3A_230 = arith.constant 3 : i32
      %add3A_231 = arith.addi %add3A_224, %add3A_230 : i32
      %lt3A_232 = arith.constant 156 : i32
      %lt3A_233 = arith.cmpi slt, %add3A_231, %lt3A_232 : i32
      %convert_element_type3A_234 = arith.extui %lt3A_233 : i1 to i32
      %cond3A_235 = arith.constant 0 : i32
      %cond3A_236 = arith.cmpi ne, %convert_element_type3A_234, %cond3A_235 : i32
      scf.if %cond3A_236 {
        %add3A_250 = arith.constant 3 : i32
        %add3A_251 = arith.addi %add3A_224, %add3A_250 : i32
        %mul3A_252 = arith.constant 64 : i32
        %mul3A_253 = arith.muli %add3A_251, %mul3A_252 : i32
        %add3A_254 = arith.addi %mul3A_2, %mul3A_253 : i32
        %dma_start3A_255 = tpu.memref_slice %arg3[%add3A_254] : memref<320000xi32, #tpu.memory_space<hbm>> -> memref<64xi32, #tpu.memory_space<hbm>>
        %dma_start3A_256 = tpu.memref_slice %arg3[%add3A_254] : memref<320000xi32, #tpu.memory_space<hbm>> -> memref<64xi32, #tpu.memory_space<hbm>>
        tpu.enqueue_dma source(%dma_start3A_256 : memref<64xi32, #tpu.memory_space<hbm>>) target(%arg9 : memref<64xi32, #tpu.memory_space<vmem>>) target_semaphore(%arg35 : memref<!tpu.dma_semaphore, #tpu.memory_space<semaphore_mem>>)
        %dma_start3A_257 = tpu.memref_slice %arg4[%add3A_254] : memref<320000xi32, #tpu.memory_space<hbm>> -> memref<64xi32, #tpu.memory_space<hbm>>
        %dma_start3A_258 = tpu.memref_slice %arg4[%add3A_254] : memref<320000xi32, #tpu.memory_space<hbm>> -> memref<64xi32, #tpu.memory_space<hbm>>
        tpu.enqueue_dma source(%dma_start3A_258 : memref<64xi32, #tpu.memory_space<hbm>>) target(%arg15 : memref<64xi32, #tpu.memory_space<vmem>>) target_semaphore(%arg35 : memref<!tpu.dma_semaphore, #tpu.memory_space<semaphore_mem>>)
      } else {
      }
      %add3A_237 = arith.constant 2 : i32
      %add3A_238 = arith.addi %add3A_224, %add3A_237 : i32
      %lt3A_239 = arith.constant 156 : i32
      %lt3A_240 = arith.cmpi slt, %add3A_238, %lt3A_239 : i32
      %convert_element_type3A_241 = arith.extui %lt3A_240 : i1 to i32
      %cond3A_242 = arith.constant 0 : i32
      %cond3A_243 = arith.cmpi ne, %convert_element_type3A_241, %cond3A_242 : i32
      scf.if %cond3A_243 {
        %add3A_250 = arith.constant 2 : i32
        %add3A_251 = arith.addi %add3A_224, %add3A_250 : i32
        %mul3A_252 = arith.constant 64 : i32
        %mul3A_253 = arith.muli %add3A_251, %mul3A_252 : i32
        %add3A_254 = arith.addi %mul3A_2, %mul3A_253 : i32
        %dma_wait3A_255 = tpu.memref_slice %arg3[%add3A_254] : memref<320000xi32, #tpu.memory_space<hbm>> -> memref<64xi32, #tpu.memory_space<hbm>>
        %dma_wait3A_256 = tpu.memref_slice %arg3[%add3A_254] : memref<320000xi32, #tpu.memory_space<hbm>> -> memref<64xi32, #tpu.memory_space<hbm>>
        tpu.wait_dma2 semaphore(%arg34 : memref<!tpu.dma_semaphore, #tpu.memory_space<semaphore_mem>>) src(%dma_wait3A_256 : memref<64xi32, #tpu.memory_space<hbm>>) dst(%arg8 : memref<64xi32, #tpu.memory_space<vmem>>)
        %dma_wait3A_257 = tpu.memref_slice %arg4[%add3A_254] : memref<320000xi32, #tpu.memory_space<hbm>> -> memref<64xi32, #tpu.memory_space<hbm>>
        %dma_wait3A_258 = tpu.memref_slice %arg4[%add3A_254] : memref<320000xi32, #tpu.memory_space<hbm>> -> memref<64xi32, #tpu.memory_space<hbm>>
        tpu.wait_dma2 semaphore(%arg34 : memref<!tpu.dma_semaphore, #tpu.memory_space<semaphore_mem>>) src(%dma_wait3A_258 : memref<64xi32, #tpu.memory_space<hbm>>) dst(%arg14 : memref<64xi32, #tpu.memory_space<vmem>>)
        %dma_start3A_259 = arith.constant 0 : i32
        %dma_start3A_260 = arith.constant 0 : i32
        %dma_start3A_261 = tpu.memref_slice %arg2[%dma_start3A_259, %dma_start3A_260] : memref<10000x128xf32, #tpu.memory_space<hbm>> -> memref<10000x128xf32, #tpu.memory_space<hbm>>
        tpu.enqueue_indirect_dma source(%dma_start3A_261 : memref<10000x128xf32, #tpu.memory_space<hbm>>) target(%arg20 : memref<64x128xf32, #tpu.memory_space<vmem>>) offsets(%arg8 : memref<64xi32, #tpu.memory_space<vmem>>) semaphore(%arg28 : memref<!tpu.dma_semaphore, #tpu.memory_space<semaphore_mem>>)
      } else {
      }
      %dma_wait3A_244 = arith.constant 0 : i32
      %dma_wait3A_245 = arith.constant 0 : i32
      %dma_wait3A_246 = tpu.memref_slice %arg2[%dma_wait3A_244, %dma_wait3A_245] : memref<10000x128xf32, #tpu.memory_space<hbm>> -> memref<10000x128xf32, #tpu.memory_space<hbm>>
      tpu.wait_indirect_dma semaphore(%arg32 : memref<!tpu.dma_semaphore, #tpu.memory_space<semaphore_mem>>) src(%dma_wait3A_246 : memref<10000x128xf32, #tpu.memory_space<hbm>>) dst(%arg24 : memref<64x128xf32, #tpu.memory_space<vmem>>)
      %dma_start3A_247 = arith.constant 0 : i32
      %dma_start3A_248 = arith.constant 0 : i32
      %dma_start3A_249 = tpu.memref_slice %arg6[%dma_start3A_247, %dma_start3A_248] : memref<10000x128xf32, #tpu.memory_space<vmem_shared>> -> memref<10000x128xf32, #tpu.memory_space<vmem_shared>>
      tpu.enqueue_indirect_dma source(%arg24 : memref<64x128xf32, #tpu.memory_space<vmem>>) target(%dma_start3A_249 : memref<10000x128xf32, #tpu.memory_space<vmem_shared>>) offsets(%arg18 : memref<64xi32, #tpu.memory_space<vmem>>) semaphore(%arg44 : memref<!tpu.dma_semaphore, #tpu.memory_space<semaphore_mem>>) {add = true}
    }
    %scan3A_48 = arith.constant 26 : i32
    %dma_wait3A = arith.constant 0 : i32
    %dma_wait3A_49 = arith.constant 0 : i32
    %dma_wait3A_50 = tpu.memref_slice %arg6[%dma_wait3A, %dma_wait3A_49] : memref<10000x128xf32, #tpu.memory_space<vmem_shared>> -> memref<10000x128xf32, #tpu.memory_space<vmem_shared>>
    tpu.wait_indirect_dma semaphore(%arg42 : memref<!tpu.dma_semaphore, #tpu.memory_space<semaphore_mem>>) src(%arg22 : memref<64x128xf32, #tpu.memory_space<vmem>>) dst(%dma_wait3A_50 : memref<10000x128xf32, #tpu.memory_space<vmem_shared>>)
    %dma_wait3A_51 = arith.constant 0 : i32
    %dma_wait3A_52 = arith.constant 0 : i32
    %dma_wait3A_53 = tpu.memref_slice %arg6[%dma_wait3A_51, %dma_wait3A_52] : memref<10000x128xf32, #tpu.memory_space<vmem_shared>> -> memref<10000x128xf32, #tpu.memory_space<vmem_shared>>
    tpu.wait_indirect_dma semaphore(%arg43 : memref<!tpu.dma_semaphore, #tpu.memory_space<semaphore_mem>>) src(%arg23 : memref<64x128xf32, #tpu.memory_space<vmem>>) dst(%dma_wait3A_53 : memref<10000x128xf32, #tpu.memory_space<vmem_shared>>)
    %dma_wait3A_54 = arith.constant 0 : i32
    %dma_wait3A_55 = arith.constant 0 : i32
    %dma_wait3A_56 = tpu.memref_slice %arg6[%dma_wait3A_54, %dma_wait3A_55] : memref<10000x128xf32, #tpu.memory_space<vmem_shared>> -> memref<10000x128xf32, #tpu.memory_space<vmem_shared>>
    tpu.wait_indirect_dma semaphore(%arg44 : memref<!tpu.dma_semaphore, #tpu.memory_space<semaphore_mem>>) src(%arg24 : memref<64x128xf32, #tpu.memory_space<vmem>>) dst(%dma_wait3A_56 : memref<10000x128xf32, #tpu.memory_space<vmem_shared>>)
    %add3A_57 = arith.constant 9984 : i32
    %add3A_58 = arith.addi %mul3A_2, %add3A_57 : i32
    "tpu.region"() ({
      %run_scoped3A = tpu.sem_alloc : memref<!tpu.dma_semaphore, #tpu.memory_space<semaphore_mem>>
      %dma_start3A_71 = tpu.memref_slice %arg3[%add3A_58] : memref<320000xi32, #tpu.memory_space<hbm>> -> memref<16xi32, #tpu.memory_space<hbm>>
      %dma_start3A_72 = tpu.memref_slice %arg3[%add3A_58] : memref<320000xi32, #tpu.memory_space<hbm>> -> memref<16xi32, #tpu.memory_space<hbm>>
      tpu.enqueue_dma source(%dma_start3A_72 : memref<16xi32, #tpu.memory_space<hbm>>) target(%arg25 : memref<16xi32, #tpu.memory_space<vmem>>) target_semaphore(%run_scoped3A : memref<!tpu.dma_semaphore, #tpu.memory_space<semaphore_mem>>)
      %dma_wait3A_73 = tpu.memref_slice %arg3[%add3A_58] : memref<320000xi32, #tpu.memory_space<hbm>> -> memref<16xi32, #tpu.memory_space<hbm>>
      %dma_wait3A_74 = tpu.memref_slice %arg3[%add3A_58] : memref<320000xi32, #tpu.memory_space<hbm>> -> memref<16xi32, #tpu.memory_space<hbm>>
      tpu.wait_dma2 semaphore(%run_scoped3A : memref<!tpu.dma_semaphore, #tpu.memory_space<semaphore_mem>>) src(%dma_wait3A_74 : memref<16xi32, #tpu.memory_space<hbm>>) dst(%arg25 : memref<16xi32, #tpu.memory_space<vmem>>)
      tpu.yield
    }) : () -> ()
    %add3A_59 = arith.constant 9984 : i32
    %add3A_60 = arith.addi %mul3A_2, %add3A_59 : i32
    "tpu.region"() ({
      %run_scoped3A = tpu.sem_alloc : memref<!tpu.dma_semaphore, #tpu.memory_space<semaphore_mem>>
      %dma_start3A_71 = tpu.memref_slice %arg4[%add3A_60] : memref<320000xi32, #tpu.memory_space<hbm>> -> memref<16xi32, #tpu.memory_space<hbm>>
      %dma_start3A_72 = tpu.memref_slice %arg4[%add3A_60] : memref<320000xi32, #tpu.memory_space<hbm>> -> memref<16xi32, #tpu.memory_space<hbm>>
      tpu.enqueue_dma source(%dma_start3A_72 : memref<16xi32, #tpu.memory_space<hbm>>) target(%arg26 : memref<16xi32, #tpu.memory_space<vmem>>) target_semaphore(%run_scoped3A : memref<!tpu.dma_semaphore, #tpu.memory_space<semaphore_mem>>)
      %dma_wait3A_73 = tpu.memref_slice %arg4[%add3A_60] : memref<320000xi32, #tpu.memory_space<hbm>> -> memref<16xi32, #tpu.memory_space<hbm>>
      %dma_wait3A_74 = tpu.memref_slice %arg4[%add3A_60] : memref<320000xi32, #tpu.memory_space<hbm>> -> memref<16xi32, #tpu.memory_space<hbm>>
      tpu.wait_dma2 semaphore(%run_scoped3A : memref<!tpu.dma_semaphore, #tpu.memory_space<semaphore_mem>>) src(%dma_wait3A_74 : memref<16xi32, #tpu.memory_space<hbm>>) dst(%arg26 : memref<16xi32, #tpu.memory_space<vmem>>)
      tpu.yield
    }) : () -> ()
    "tpu.region"() ({
      %run_scoped3A = tpu.sem_alloc : memref<!tpu.dma_semaphore, #tpu.memory_space<semaphore_mem>>
      %dma_start3A_71 = arith.constant 0 : i32
      %dma_start3A_72 = arith.constant 0 : i32
      %dma_start3A_73 = tpu.memref_slice %arg19[%dma_start3A_71, %dma_start3A_72] : memref<64x128xf32, #tpu.memory_space<vmem>> -> memref<16x128xf32, #tpu.memory_space<vmem>>
      %dma_start3A_74 = arith.constant 0 : i32
      %dma_start3A_75 = arith.constant 0 : i32
      %dma_start3A_76 = tpu.memref_slice %arg2[%dma_start3A_74, %dma_start3A_75] : memref<10000x128xf32, #tpu.memory_space<hbm>> -> memref<10000x128xf32, #tpu.memory_space<hbm>>
      tpu.enqueue_indirect_dma source(%dma_start3A_76 : memref<10000x128xf32, #tpu.memory_space<hbm>>) target(%dma_start3A_73 : memref<16x128xf32, #tpu.memory_space<vmem>>) offsets(%arg25 : memref<16xi32, #tpu.memory_space<vmem>>) semaphore(%run_scoped3A : memref<!tpu.dma_semaphore, #tpu.memory_space<semaphore_mem>>)
      %dma_wait3A_77 = arith.constant 0 : i32
      %dma_wait3A_78 = arith.constant 0 : i32
      %dma_wait3A_79 = tpu.memref_slice %arg19[%dma_wait3A_77, %dma_wait3A_78] : memref<64x128xf32, #tpu.memory_space<vmem>> -> memref<16x128xf32, #tpu.memory_space<vmem>>
      %dma_wait3A_80 = arith.constant 0 : i32
      %dma_wait3A_81 = arith.constant 0 : i32
      %dma_wait3A_82 = tpu.memref_slice %arg2[%dma_wait3A_80, %dma_wait3A_81] : memref<10000x128xf32, #tpu.memory_space<hbm>> -> memref<10000x128xf32, #tpu.memory_space<hbm>>
      tpu.wait_indirect_dma semaphore(%run_scoped3A : memref<!tpu.dma_semaphore, #tpu.memory_space<semaphore_mem>>) src(%dma_wait3A_82 : memref<10000x128xf32, #tpu.memory_space<hbm>>) dst(%dma_wait3A_79 : memref<16x128xf32, #tpu.memory_space<vmem>>)
      tpu.yield
    }) : () -> ()
    "tpu.region"() ({
      %run_scoped3A = tpu.sem_alloc : memref<!tpu.dma_semaphore, #tpu.memory_space<semaphore_mem>>
      %dma_start3A_71 = arith.constant 0 : i32
      %dma_start3A_72 = arith.constant 0 : i32
      %dma_start3A_73 = tpu.memref_slice %arg19[%dma_start3A_71, %dma_start3A_72] : memref<64x128xf32, #tpu.memory_space<vmem>> -> memref<16x128xf32, #tpu.memory_space<vmem>>
      %dma_start3A_74 = arith.constant 0 : i32
      %dma_start3A_75 = arith.constant 0 : i32
      %dma_start3A_76 = tpu.memref_slice %arg6[%dma_start3A_74, %dma_start3A_75] : memref<10000x128xf32, #tpu.memory_space<vmem_shared>> -> memref<10000x128xf32, #tpu.memory_space<vmem_shared>>
      tpu.enqueue_indirect_dma source(%dma_start3A_73 : memref<16x128xf32, #tpu.memory_space<vmem>>) target(%dma_start3A_76 : memref<10000x128xf32, #tpu.memory_space<vmem_shared>>) offsets(%arg26 : memref<16xi32, #tpu.memory_space<vmem>>) semaphore(%run_scoped3A : memref<!tpu.dma_semaphore, #tpu.memory_space<semaphore_mem>>) {add = true}
      %dma_wait3A_77 = arith.constant 0 : i32
      %dma_wait3A_78 = arith.constant 0 : i32
      %dma_wait3A_79 = tpu.memref_slice %arg19[%dma_wait3A_77, %dma_wait3A_78] : memref<64x128xf32, #tpu.memory_space<vmem>> -> memref<16x128xf32, #tpu.memory_space<vmem>>
      %dma_wait3A_80 = arith.constant 0 : i32
      %dma_wait3A_81 = arith.constant 0 : i32
      %dma_wait3A_82 = tpu.memref_slice %arg6[%dma_wait3A_80, %dma_wait3A_81] : memref<10000x128xf32, #tpu.memory_space<vmem_shared>> -> memref<10000x128xf32, #tpu.memory_space<vmem_shared>>
      tpu.wait_indirect_dma semaphore(%run_scoped3A : memref<!tpu.dma_semaphore, #tpu.memory_space<semaphore_mem>>) src(%dma_wait3A_79 : memref<16x128xf32, #tpu.memory_space<vmem>>) dst(%dma_wait3A_82 : memref<10000x128xf32, #tpu.memory_space<vmem_shared>>)
      tpu.yield
    }) : () -> ()
    %barrier3A_61 = arith.constant 0 : index
    tpu.barrier barrier_id(%barrier3A_61)
    %lt3A_62 = arith.constant 14 : i32
    %lt3A_63 = arith.cmpi slt, %arg1, %lt3A_62 : i32
    %convert_element_type3A_64 = arith.extui %lt3A_63 : i1 to i32
    %cond3A_65 = arith.constant 0 : i32
    %cond3A_66 = arith.cmpi ne, %convert_element_type3A_64, %cond3A_65 : i32
    scf.if %cond3A_66 {
      "tpu.region"() ({
        %run_scoped3A = tpu.sem_alloc : memref<!tpu.dma_semaphore, #tpu.memory_space<semaphore_mem>>
        %dma_start3A_71 = arith.constant 0 : i32
        %dma_start3A_72 = tpu.memref_slice %arg5[%arg0, %select_n3A, %dma_start3A_71] : memref<2x10000x128xf32, #tpu.memory_space<hbm>> -> memref<1x632x128xf32, #tpu.memory_space<hbm>>
        %dma_start3A_73 = tpu.memref_squeeze %dma_start3A_72 : memref<1x632x128xf32, #tpu.memory_space<hbm>> -> memref<632x128xf32, #tpu.memory_space<hbm>>
        %dma_start3A_74 = arith.constant 0 : i32
        %dma_start3A_75 = tpu.memref_slice %arg6[%select_n3A, %dma_start3A_74] : memref<10000x128xf32, #tpu.memory_space<vmem_shared>> -> memref<632x128xf32, #tpu.memory_space<vmem_shared>>
        tpu.enqueue_dma source(%dma_start3A_75 : memref<632x128xf32, #tpu.memory_space<vmem_shared>>) target(%dma_start3A_73 : memref<632x128xf32, #tpu.memory_space<hbm>>) target_semaphore(%run_scoped3A : memref<!tpu.dma_semaphore, #tpu.memory_space<semaphore_mem>>)
        %dma_wait3A_76 = arith.constant 0 : i32
        %dma_wait3A_77 = tpu.memref_slice %arg5[%arg0, %select_n3A, %dma_wait3A_76] : memref<2x10000x128xf32, #tpu.memory_space<hbm>> -> memref<1x632x128xf32, #tpu.memory_space<hbm>>
        %dma_wait3A_78 = tpu.memref_squeeze %dma_wait3A_77 : memref<1x632x128xf32, #tpu.memory_space<hbm>> -> memref<632x128xf32, #tpu.memory_space<hbm>>
        %dma_wait3A_79 = arith.constant 0 : i32
        %dma_wait3A_80 = tpu.memref_slice %arg6[%select_n3A, %dma_wait3A_79] : memref<10000x128xf32, #tpu.memory_space<vmem_shared>> -> memref<632x128xf32, #tpu.memory_space<vmem_shared>>
        tpu.wait_dma2 semaphore(%run_scoped3A : memref<!tpu.dma_semaphore, #tpu.memory_space<semaphore_mem>>) src(%dma_wait3A_80 : memref<632x128xf32, #tpu.memory_space<vmem_shared>>) dst(%dma_wait3A_78 : memref<632x128xf32, #tpu.memory_space<hbm>>)
        tpu.yield
      }) : () -> ()
    } else {
    }
    %ge3A = arith.constant 14 : i32
    %ge3A_67 = arith.cmpi sge, %arg1, %ge3A : i32
    %convert_element_type3A_68 = arith.extui %ge3A_67 : i1 to i32
    %cond3A_69 = arith.constant 0 : i32
    %cond3A_70 = arith.cmpi ne, %convert_element_type3A_68, %cond3A_69 : i32
    scf.if %cond3A_70 {
      "tpu.region"() ({
        %run_scoped3A = tpu.sem_alloc : memref<!tpu.dma_semaphore, #tpu.memory_space<semaphore_mem>>
        %dma_start3A_71 = arith.constant 0 : i32
        %dma_start3A_72 = tpu.memref_slice %arg5[%arg0, %select_n3A, %dma_start3A_71] : memref<2x10000x128xf32, #tpu.memory_space<hbm>> -> memref<1x576x128xf32, #tpu.memory_space<hbm>>
        %dma_start3A_73 = tpu.memref_squeeze %dma_start3A_72 : memref<1x576x128xf32, #tpu.memory_space<hbm>> -> memref<576x128xf32, #tpu.memory_space<hbm>>
        %dma_start3A_74 = arith.constant 0 : i32
        %dma_start3A_75 = tpu.memref_slice %arg6[%select_n3A, %dma_start3A_74] : memref<10000x128xf32, #tpu.memory_space<vmem_shared>> -> memref<576x128xf32, #tpu.memory_space<vmem_shared>>
        tpu.enqueue_dma source(%dma_start3A_75 : memref<576x128xf32, #tpu.memory_space<vmem_shared>>) target(%dma_start3A_73 : memref<576x128xf32, #tpu.memory_space<hbm>>) target_semaphore(%run_scoped3A : memref<!tpu.dma_semaphore, #tpu.memory_space<semaphore_mem>>)
        %dma_wait3A_76 = arith.constant 0 : i32
        %dma_wait3A_77 = tpu.memref_slice %arg5[%arg0, %select_n3A, %dma_wait3A_76] : memref<2x10000x128xf32, #tpu.memory_space<hbm>> -> memref<1x576x128xf32, #tpu.memory_space<hbm>>
        %dma_wait3A_78 = tpu.memref_squeeze %dma_wait3A_77 : memref<1x576x128xf32, #tpu.memory_space<hbm>> -> memref<576x128xf32, #tpu.memory_space<hbm>>
        %dma_wait3A_79 = arith.constant 0 : i32
        %dma_wait3A_80 = tpu.memref_slice %arg6[%select_n3A, %dma_wait3A_79] : memref<10000x128xf32, #tpu.memory_space<vmem_shared>> -> memref<576x128xf32, #tpu.memory_space<vmem_shared>>
        tpu.wait_dma2 semaphore(%run_scoped3A : memref<!tpu.dma_semaphore, #tpu.memory_space<semaphore_mem>>) src(%dma_wait3A_80 : memref<576x128xf32, #tpu.memory_space<vmem_shared>>) dst(%dma_wait3A_78 : memref<576x128xf32, #tpu.memory_space<hbm>>)
        tpu.yield
      }) : () -> ()
    } else {
    }
    return
  }
}

module attributes {stable_mosaic.version = 14 : i64} {
  func.func @body(%arg0: memref<10000x128xf32, #tpu.memory_space<vmem>>, %arg1: memref<128x128xf32, #tpu.memory_space<vmem>>, %arg2: memref<2x10240xf32, #tpu.memory_space<vmem>>, %arg3: memref<10000x128xf32, #tpu.memory_space<vmem>>, %arg4: memref<10000x1xf32, #tpu.memory_space<vmem>>) attributes {dimension_semantics = [], scalar_prefetch = 0 : i64, scratch_operands = 0 : i64, tpu.core_type = #tpu.core_type<tc>} {
    %get3A = arith.constant 0 : index
    %get3A_0 = arith.constant 0 : index
    %get3A_1 = vector.load %arg2[%get3A, %get3A_0] : memref<2x10240xf32, #tpu.memory_space<vmem>>, vector<1x10000xf32>
    %get3A_2 = vector.shape_cast %get3A_1 : vector<1x10000xf32> to vector<10000xf32>
    %get3A_3 = arith.constant 1 : index
    %get3A_4 = arith.constant 0 : index
    %get3A_5 = vector.load %arg2[%get3A_3, %get3A_4] : memref<2x10240xf32, #tpu.memory_space<vmem>>, vector<1x10000xf32>
    %get3A_6 = vector.shape_cast %get3A_5 : vector<1x10000xf32> to vector<10000xf32>
    %add3A = arith.addf %get3A_2, %get3A_6 : vector<10000xf32>
    %add3A_7 = arith.constant 1.000000e+00 : f32
    %add3A_8 = vector.broadcast %add3A_7 : f32 to vector<10000xf32>
    %add3A_9 = arith.addf %add3A, %add3A_8 : vector<10000xf32>
    %rsqrt3A = math.rsqrt %add3A_9 : vector<10000xf32>
    %broadcast_in_dim3A = vector.shape_cast %rsqrt3A : vector<10000xf32> to vector<10000x1xf32>
    %swap3A = arith.constant 0 : index
    %swap3A_10 = arith.constant 0 : index
    %swap3A_11 = vector.load %arg4[%swap3A, %swap3A_10] : memref<10000x1xf32, #tpu.memory_space<vmem>>, vector<10000x1xf32>
    tpu.vector_store %arg4[%swap3A, %swap3A_10], %broadcast_in_dim3A {strides = array<i32>} : memref<10000x1xf32, #tpu.memory_space<vmem>>, vector<10000x1xf32>,
    %get3A_12 = arith.constant 0 : index
    %get3A_13 = arith.constant 0 : index
    %get3A_14 = vector.load %arg0[%get3A_12, %get3A_13] : memref<10000x128xf32, #tpu.memory_space<vmem>>, vector<10000x128xf32>
    %get3A_15 = arith.constant 0 : index
    %get3A_16 = arith.constant 0 : index
    %get3A_17 = vector.load %arg1[%get3A_15, %get3A_16] : memref<128x128xf32, #tpu.memory_space<vmem>>, vector<128x128xf32>
    %dot_general3A = arith.constant dense<0.000000e+00> : vector<10000x128xf32>
    %dot_general3A_18 = tpu.matmul %get3A_14, %get3A_17, %dot_general3A {dimension_numbers = #tpu.dot_dimension_numbers<[1], [0], [0], [1], [0, 0, 1, 1], [], []>, transpose_lhs_hint = false} : vector<10000x128xf32>, vector<128x128xf32>, vector<10000x128xf32> -> vector<10000x128xf32>
    %broadcast_in_dim3A_19 = vector.shape_cast %rsqrt3A : vector<10000xf32> to vector<10000x1xf32>
    %mul3A = vector.broadcast %broadcast_in_dim3A_19 : vector<10000x1xf32> to vector<10000x128xf32>
    %mul3A_20 = arith.mulf %dot_general3A_18, %mul3A : vector<10000x128xf32>
    %swap3A_21 = arith.constant 0 : index
    %swap3A_22 = arith.constant 0 : index
    %swap3A_23 = vector.load %arg3[%swap3A_21, %swap3A_22] : memref<10000x128xf32, #tpu.memory_space<vmem>>, vector<10000x128xf32>
    tpu.vector_store %arg3[%swap3A_21, %swap3A_22], %mul3A_20 {strides = array<i32>} : memref<10000x128xf32, #tpu.memory_space<vmem>>, vector<10000x128xf32>,
    return
  }
}

module attributes {stable_mosaic.version = 14 : i64} {
  func.func @body(%arg0: memref<10000x128xf32, #tpu.memory_space<vmem>>, %arg1: memref<10000x128xf32, #tpu.memory_space<vmem>>, %arg2: memref<10000x1xf32, #tpu.memory_space<vmem>>, %arg3: memref<2x10000x128xf32, #tpu.memory_space<vmem>>, %arg4: memref<128xf32, #tpu.memory_space<vmem>>, %arg5: memref<128xf32, #tpu.memory_space<vmem>>, %arg6: memref<128xf32, #tpu.memory_space<vmem>>, %arg7: memref<128x256xf32, #tpu.memory_space<vmem>>, %arg8: memref<256xf32, #tpu.memory_space<vmem>>, %arg9: memref<256x128xf32, #tpu.memory_space<vmem>>, %arg10: memref<128xf32, #tpu.memory_space<vmem>>, %arg11: memref<128xf32, #tpu.memory_space<vmem>>, %arg12: memref<128xf32, #tpu.memory_space<vmem>>, %arg13: memref<10000x128xf32, #tpu.memory_space<vmem>>) attributes {dimension_semantics = [], scalar_prefetch = 0 : i64, scratch_operands = 0 : i64, tpu.core_type = #tpu.core_type<tc>} {
    %get3A = arith.constant 0 : index
    %get3A_0 = arith.constant 0 : index
    %get3A_1 = arith.constant 0 : index
    %get3A_2 = vector.load %arg3[%get3A, %get3A_0, %get3A_1] : memref<2x10000x128xf32, #tpu.memory_space<vmem>>, vector<1x10000x128xf32>
    %get3A_3 = vector.shape_cast %get3A_2 : vector<1x10000x128xf32> to vector<10000x128xf32>
    %get3A_4 = arith.constant 1 : index
    %get3A_5 = arith.constant 0 : index
    %get3A_6 = arith.constant 0 : index
    %get3A_7 = vector.load %arg3[%get3A_4, %get3A_5, %get3A_6] : memref<2x10000x128xf32, #tpu.memory_space<vmem>>, vector<1x10000x128xf32>
    %get3A_8 = vector.shape_cast %get3A_7 : vector<1x10000x128xf32> to vector<10000x128xf32>
    %add3A = arith.addf %get3A_3, %get3A_8 : vector<10000x128xf32>
    %get3A_9 = arith.constant 0 : index
    %get3A_10 = arith.constant 0 : index
    %get3A_11 = vector.load %arg1[%get3A_9, %get3A_10] : memref<10000x128xf32, #tpu.memory_space<vmem>>, vector<10000x128xf32>
    %add3A_12 = arith.addf %add3A, %get3A_11 : vector<10000x128xf32>
    %get3A_13 = arith.constant 0 : index
    %get3A_14 = arith.constant 0 : index
    %get3A_15 = vector.load %arg2[%get3A_13, %get3A_14] : memref<10000x1xf32, #tpu.memory_space<vmem>>, vector<10000x1xf32>
    %mul3A = vector.broadcast %get3A_15 : vector<10000x1xf32> to vector<10000x128xf32>
    %mul3A_16 = arith.mulf %mul3A, %add3A_12 : vector<10000x128xf32>
    %get3A_17 = arith.constant 0 : index
    %get3A_18 = vector.load %arg4[%get3A_17] : memref<128xf32, #tpu.memory_space<vmem>>, vector<128xf32>
    %broadcast_in_dim3A = vector.shape_cast %get3A_18 : vector<128xf32> to vector<1x128xf32>
    %add3A_19 = vector.broadcast %broadcast_in_dim3A : vector<1x128xf32> to vector<10000x128xf32>
    %add3A_20 = arith.addf %mul3A_16, %add3A_19 : vector<10000x128xf32>
    %reduce_sum3A = arith.constant dense<0.000000e+00> : vector<128xf32>
    %reduce_sum3A_21 = vector.multi_reduction <add>, %add3A_20, %reduce_sum3A [0] : vector<10000x128xf32> to vector<128xf32>
    %div3A = arith.constant 1.000000e+04 : f32
    %div3A_22 = vector.broadcast %div3A : f32 to vector<128xf32>
    %div3A_23 = arith.divf %reduce_sum3A_21, %div3A_22 : vector<128xf32>
    %broadcast_in_dim3A_24 = vector.shape_cast %div3A_23 : vector<128xf32> to vector<1x128xf32>
    %sub3A = vector.broadcast %broadcast_in_dim3A_24 : vector<1x128xf32> to vector<10000x128xf32>
    %sub3A_25 = arith.subf %add3A_20, %sub3A : vector<10000x128xf32>
    %integer_pow3A = arith.mulf %sub3A_25, %sub3A_25 : vector<10000x128xf32>
    %reduce_sum3A_26 = arith.constant dense<0.000000e+00> : vector<128xf32>
    %reduce_sum3A_27 = vector.multi_reduction <add>, %integer_pow3A, %reduce_sum3A_26 [0] : vector<10000x128xf32> to vector<128xf32>
    %div3A_28 = arith.constant 1.000000e+04 : f32
    %div3A_29 = vector.broadcast %div3A_28 : f32 to vector<128xf32>
    %div3A_30 = arith.divf %reduce_sum3A_27, %div3A_29 : vector<128xf32>
    %broadcast_in_dim3A_31 = vector.shape_cast %div3A_23 : vector<128xf32> to vector<1x128xf32>
    %sub3A_32 = vector.broadcast %broadcast_in_dim3A_31 : vector<1x128xf32> to vector<10000x128xf32>
    %sub3A_33 = arith.subf %add3A_20, %sub3A_32 : vector<10000x128xf32>
    %add3A_34 = arith.constant 9.99999974E-6 : f32
    %add3A_35 = vector.broadcast %add3A_34 : f32 to vector<128xf32>
    %add3A_36 = arith.addf %div3A_30, %add3A_35 : vector<128xf32>
    %rsqrt3A = math.rsqrt %add3A_36 : vector<128xf32>
    %broadcast_in_dim3A_37 = vector.shape_cast %rsqrt3A : vector<128xf32> to vector<1x128xf32>
    %mul3A_38 = vector.broadcast %broadcast_in_dim3A_37 : vector<1x128xf32> to vector<10000x128xf32>
    %mul3A_39 = arith.mulf %sub3A_33, %mul3A_38 : vector<10000x128xf32>
    %get3A_40 = arith.constant 0 : index
    %get3A_41 = vector.load %arg5[%get3A_40] : memref<128xf32, #tpu.memory_space<vmem>>, vector<128xf32>
    %broadcast_in_dim3A_42 = vector.shape_cast %get3A_41 : vector<128xf32> to vector<1x128xf32>
    %mul3A_43 = vector.broadcast %broadcast_in_dim3A_42 : vector<1x128xf32> to vector<10000x128xf32>
    %mul3A_44 = arith.mulf %mul3A_39, %mul3A_43 : vector<10000x128xf32>
    %get3A_45 = arith.constant 0 : index
    %get3A_46 = vector.load %arg6[%get3A_45] : memref<128xf32, #tpu.memory_space<vmem>>, vector<128xf32>
    %broadcast_in_dim3A_47 = vector.shape_cast %get3A_46 : vector<128xf32> to vector<1x128xf32>
    %add3A_48 = vector.broadcast %broadcast_in_dim3A_47 : vector<1x128xf32> to vector<10000x128xf32>
    %add3A_49 = arith.addf %mul3A_44, %add3A_48 : vector<10000x128xf32>
    %max3A = arith.constant 0.000000e+00 : f32
    %max3A_50 = vector.broadcast %max3A : f32 to vector<10000x128xf32>
    %max3A_51 = arith.maximumf %add3A_49, %max3A_50 : vector<10000x128xf32>
    %get3A_52 = arith.constant 0 : index
    %get3A_53 = arith.constant 0 : index
    %get3A_54 = vector.load %arg0[%get3A_52, %get3A_53] : memref<10000x128xf32, #tpu.memory_space<vmem>>, vector<10000x128xf32>
    %add3A_55 = arith.addf %max3A_51, %get3A_54 : vector<10000x128xf32>
    %get3A_56 = arith.constant 0 : index
    %get3A_57 = arith.constant 0 : index
    %get3A_58 = vector.load %arg7[%get3A_56, %get3A_57] : memref<128x256xf32, #tpu.memory_space<vmem>>, vector<128x256xf32>
    %dot_general3A = arith.constant dense<0.000000e+00> : vector<10000x256xf32>
    %dot_general3A_59 = tpu.matmul %add3A_55, %get3A_58, %dot_general3A {dimension_numbers = #tpu.dot_dimension_numbers<[1], [0], [0], [1], [0, 0, 1, 1], [], []>, transpose_lhs_hint = false} : vector<10000x128xf32>, vector<128x256xf32>, vector<10000x256xf32> -> vector<10000x256xf32>
    %get3A_60 = arith.constant 0 : index
    %get3A_61 = vector.load %arg8[%get3A_60] : memref<256xf32, #tpu.memory_space<vmem>>, vector<256xf32>
    %broadcast_in_dim3A_62 = vector.shape_cast %get3A_61 : vector<256xf32> to vector<1x256xf32>
    %add3A_63 = vector.broadcast %broadcast_in_dim3A_62 : vector<1x256xf32> to vector<10000x256xf32>
    %add3A_64 = arith.addf %dot_general3A_59, %add3A_63 : vector<10000x256xf32>
    %max3A_65 = arith.constant 0.000000e+00 : f32
    %max3A_66 = vector.broadcast %max3A_65 : f32 to vector<10000x256xf32>
    %max3A_67 = arith.maximumf %add3A_64, %max3A_66 : vector<10000x256xf32>
    %get3A_68 = arith.constant 0 : index
    %get3A_69 = arith.constant 0 : index
    %get3A_70 = vector.load %arg9[%get3A_68, %get3A_69] : memref<256x128xf32, #tpu.memory_space<vmem>>, vector<256x128xf32>
    %dot_general3A_71 = arith.constant dense<0.000000e+00> : vector<10000x128xf32>
    %dot_general3A_72 = tpu.matmul %max3A_67, %get3A_70, %dot_general3A_71 {dimension_numbers = #tpu.dot_dimension_numbers<[1], [0], [0], [1], [0, 0, 1, 1], [], []>, transpose_lhs_hint = false} : vector<10000x256xf32>, vector<256x128xf32>, vector<10000x128xf32> -> vector<10000x128xf32>
    %get3A_73 = arith.constant 0 : index
    %get3A_74 = vector.load %arg10[%get3A_73] : memref<128xf32, #tpu.memory_space<vmem>>, vector<128xf32>
    %broadcast_in_dim3A_75 = vector.shape_cast %get3A_74 : vector<128xf32> to vector<1x128xf32>
    %add3A_76 = vector.broadcast %broadcast_in_dim3A_75 : vector<1x128xf32> to vector<10000x128xf32>
    %add3A_77 = arith.addf %dot_general3A_72, %add3A_76 : vector<10000x128xf32>
    %add3A_78 = arith.addf %add3A_77, %add3A_55 : vector<10000x128xf32>
    %reduce_sum3A_79 = arith.constant dense<0.000000e+00> : vector<128xf32>
    %reduce_sum3A_80 = vector.multi_reduction <add>, %add3A_78, %reduce_sum3A_79 [0] : vector<10000x128xf32> to vector<128xf32>
    %div3A_81 = arith.constant 1.000000e+04 : f32
    %div3A_82 = vector.broadcast %div3A_81 : f32 to vector<128xf32>
    %div3A_83 = arith.divf %reduce_sum3A_80, %div3A_82 : vector<128xf32>
    %broadcast_in_dim3A_84 = vector.shape_cast %div3A_83 : vector<128xf32> to vector<1x128xf32>
    %sub3A_85 = vector.broadcast %broadcast_in_dim3A_84 : vector<1x128xf32> to vector<10000x128xf32>
    %sub3A_86 = arith.subf %add3A_78, %sub3A_85 : vector<10000x128xf32>
    %integer_pow3A_87 = arith.mulf %sub3A_86, %sub3A_86 : vector<10000x128xf32>
    %reduce_sum3A_88 = arith.constant dense<0.000000e+00> : vector<128xf32>
    %reduce_sum3A_89 = vector.multi_reduction <add>, %integer_pow3A_87, %reduce_sum3A_88 [0] : vector<10000x128xf32> to vector<128xf32>
    %div3A_90 = arith.constant 1.000000e+04 : f32
    %div3A_91 = vector.broadcast %div3A_90 : f32 to vector<128xf32>
    %div3A_92 = arith.divf %reduce_sum3A_89, %div3A_91 : vector<128xf32>
    %broadcast_in_dim3A_93 = vector.shape_cast %div3A_83 : vector<128xf32> to vector<1x128xf32>
    %sub3A_94 = vector.broadcast %broadcast_in_dim3A_93 : vector<1x128xf32> to vector<10000x128xf32>
    %sub3A_95 = arith.subf %add3A_78, %sub3A_94 : vector<10000x128xf32>
    %add3A_96 = arith.constant 9.99999974E-6 : f32
    %add3A_97 = vector.broadcast %add3A_96 : f32 to vector<128xf32>
    %add3A_98 = arith.addf %div3A_92, %add3A_97 : vector<128xf32>
    %rsqrt3A_99 = math.rsqrt %add3A_98 : vector<128xf32>
    %broadcast_in_dim3A_100 = vector.shape_cast %rsqrt3A_99 : vector<128xf32> to vector<1x128xf32>
    %mul3A_101 = vector.broadcast %broadcast_in_dim3A_100 : vector<1x128xf32> to vector<10000x128xf32>
    %mul3A_102 = arith.mulf %sub3A_95, %mul3A_101 : vector<10000x128xf32>
    %get3A_103 = arith.constant 0 : index
    %get3A_104 = vector.load %arg11[%get3A_103] : memref<128xf32, #tpu.memory_space<vmem>>, vector<128xf32>
    %broadcast_in_dim3A_105 = vector.shape_cast %get3A_104 : vector<128xf32> to vector<1x128xf32>
    %mul3A_106 = vector.broadcast %broadcast_in_dim3A_105 : vector<1x128xf32> to vector<10000x128xf32>
    %mul3A_107 = arith.mulf %mul3A_102, %mul3A_106 : vector<10000x128xf32>
    %get3A_108 = arith.constant 0 : index
    %get3A_109 = vector.load %arg12[%get3A_108] : memref<128xf32, #tpu.memory_space<vmem>>, vector<128xf32>
    %broadcast_in_dim3A_110 = vector.shape_cast %get3A_109 : vector<128xf32> to vector<1x128xf32>
    %add3A_111 = vector.broadcast %broadcast_in_dim3A_110 : vector<1x128xf32> to vector<10000x128xf32>
    %add3A_112 = arith.addf %mul3A_107, %add3A_111 : vector<10000x128xf32>
    %swap3A = arith.constant 0 : index
    %swap3A_113 = arith.constant 0 : index
    %swap3A_114 = vector.load %arg13[%swap3A, %swap3A_113] : memref<10000x128xf32, #tpu.memory_space<vmem>>, vector<10000x128xf32>
    tpu.vector_store %arg13[%swap3A, %swap3A_113], %add3A_112 {strides = array<i32>} : memref<10000x128xf32, #tpu.memory_space<vmem>>, vector<10000x128xf32>,
    return
  }
}

</mosaic_0001>

<sc_bundles>
// kernel: kernel.6.cloned.1.call-start
scs
__scs_entry_jumppad:
0x0: {  	(pc) =	sbr.rel $0x88, $3  }
0x1: {  	(tag) =	ssettag $0x0;
	lr =	simm.s32 $0x1  }
0x2: {  	[smem:$0x3F95] =	sst lr;
	_ =	strace $0xD0000000  }
0x3: {  	_ = 	snop  }
0x4: {  	_ = 	snop  }
0x5: {  	_ = 	snop  }
0x6: {  	_ = 	snop  }
0x7: {  	_ = 	snop  }
__scs_overlays_trampoline_lowered:
0x8: {  	[smem:$0x3FA4] =	sst s0  }
0x9: {  	[smem:$0x3FA5] =	sst s1  }
0xa: {  	[smem:$0x3FA6] =	sst s2  }
0xb: {  	[smem:$0x3FA7] =	sst s3  }
0xc: {  	[smem:$0x3FA8] =	sst s4  }
0xd: {  	[smem:$0x3FA9] =	sst s5  }
0xe: {  	[smem:$0x3FAA] =	sst s6  }
0xf: {  	[smem:$0x3FAB] =	sst s7  }
0x10: {  	[smem:$0x3FAC] =	sst s8  }
0x11: {  	[smem:$0x3FAD] =	sst s9;
	s0 =	simm.s32 @!p0 $0x0  }
0x12: {  	s1 =	sld [smem:$0x3F93];
	s0 =	simm.s32 @p0 $0x1  }
0x13: {  	[smem:$0x3FAE] =	sst s0;
	s0 =	simm.s32 @!p1 $0x0  }
0x14: {  	s2 =	sld [smem:$0x3F92];
	s0 =	simm.s32 @p1 $0x1  }
0x15: {  	[smem:$0x3FAF] =	sst s0;
	s0 =	simm.s32 @!p2 $0x0  }
0x16: {  	s3 =	sld [smem:$0x3FDB];
	s0 =	simm.s32 @p2 $0x1  }
0x17: {  	s4 =	simm.s32 $0x1BF5;
	[smem:$0x3FB1] =	sst s0  }
0x18: {  	s0 =	sld [smem:$0x3F94];
	_ =	swait.ge [sflag:s4], $0x0  }
0x19: {  	s7 =	sld [smem:$0x3F95]  }
0x1a: {  	s8 =	sadd.s32 $0xFFFFE003, lr  }
0x1b: {  	s9 =	sadd.s32 $0xFFFFFEF7, lr;
	s5 =	simm.s32 $0xFFFFFFFF;
	p2 =	slt.u32 s8, $0xFFFFF086  }
0x1c: {  	p1 =	slt.u32 s9, $0xF7A;
	s5 =	simm.s32 @!p2 $0x0  }
0x1d: {  	s5 =	simm.s32 @p1 $0x1;
	p0 =	seq.s32 s7, s2  }
0x1e: {  	s7 =	smul.u32 @!p0 $0xF7A, s2;
	p2 =	seq.s32 @!p0 s5, $0x0  }
0x1f: {  	s9 =	smul.u32 $0xF7A, s1;
	s8 =	simm.s32 @!p0 $0x1BF5;
	p2 =	por !p2, p0  }
0x20: {  	[sflag:s8] =	ssyncset.s32 @!p0 $0xFFFFF086;
	s6 =	sadd.s32 @!p0 s3, s7;
	s7 =	simm.s32 @!p0 $0x108  }
0x21: {  	s3 =	sadd.s32 s3, s9;
	s6 =	sadd.s32 @!p0 $0x88, s6;
	s7 =	simm.s32 @p2 $0x1082  }
0x22: {  	[simem:s7], [sflag:s8] =	dma.local @!p0 [hbm:s6], $0xF7A  }
0x23: {  	s9 =	sor.u32 $0xD0000000, s2;
	s6 =	simm.s32 $0x108;
	_ =	swait.ge @!p0 [sflag:s8], $0x0  }
0x24: {  	s3 =	sadd.s32 $0x88, s3;
	s6 =	simm.s32 @!p1 $0x1082;
	[sflag:s4] =	ssyncset.s32 $0xFFFFF086  }
0x25: {  	[simem:s6], [sflag:s4] =	dma.local [hbm:s3], $0xF7A  }
0x26: {  	[smem:$0x3F95] =	sst s1;
	(tag) =	ssettag s2;
	_ =	strace s9  }
0x27: {  	s1 =	sld [smem:$0x3FA5]  }
0x28: {  	s2 =	sld [smem:$0x3FA6]  }
0x29: {  	s4 =	sld [smem:$0x3FA8]  }
0x2a: {  	p0 =	seq.s32 s5, $0x0;
	s5 =	sld [smem:$0x3FA9]  }
0x2b: {  	s6 =	sld [smem:$0x3FAA]  }
0x2c: {  	s7 =	sld [smem:$0x3FAB]  }
0x2d: {  	s3 =	simm.s32 $0x108;
	s8 =	sld [smem:$0x3FAC]  }
0x2e: {  	s3 =	simm.s32 @!p0 $0x1082;
	s9 =	sld [smem:$0x3FAD]  }
0x2f: {  	lr =	sadd.s32 s0, s3;
	s0 =	sld [smem:$0x3FA4]  }
0x30: {  	s3 =	sld [smem:$0x3FA7]  }
0x31: {  	[smem:$0x3FB0] =	sst s10  }
0x32: {  	s10 =	sld [smem:$0x3FAE];
	_ =	sdelay $0x3  }
0x33: {  	p0 =	seq.s32 s10, $0x1;
	s10 =	sld [smem:$0x3FB0];
	_ =	sdelay $0x3  }
0x34: {  	[smem:$0x3FB0] =	sst s10  }
0x35: {  	s10 =	sld [smem:$0x3FAF];
	_ =	sdelay $0x3  }
0x36: {  	p1 =	seq.s32 s10, $0x1;
	s10 =	sld [smem:$0x3FB0];
	_ =	sdelay $0x3  }
0x37: {  	[smem:$0x3FB0] =	sst s10  }
0x38: {  	s10 =	sld [smem:$0x3FB1]  }
0x39: {  	_ = 	snop;
	(pc) =	sbr.ind lr, $3  }
0x3a: {  	_ = 	snop  }
0x3b: {  	_ = 	snop  }
0x3c: {  	p2 =	seq.s32 s10, $0x1;
	s10 =	sld [smem:$0x3FB0]  }
0x3d: {  	_ =	shalt  }
0x3e: {  	_ =	shalt  }
0x3f: {  	_ =	shalt  }
0x40: {  	_ =	shalt  }
0x41: {  	_ =	shalt  }
0x42: {  	_ =	shalt  }
0x43: {  	_ =	shalt  }
0x44: {  	_ =	shalt  }
0x45: {  	_ =	shalt  }
0x46: {  	_ =	shalt  }
0x47: {  	_ =	shalt  }
0x48: {  	_ =	shalt  }
0x49: {  	_ =	shalt  }
0x4a: {  	_ =	shalt  }
0x4b: {  	_ =	shalt  }
0x4c: {  	_ =	shalt  }
0x4d: {  	_ =	shalt  }
0x4e: {  	_ =	shalt  }
0x4f: {  	_ =	shalt  }
0x50: {  	_ =	shalt  }
0x51: {  	_ =	shalt  }
0x52: {  	_ =	shalt  }
0x53: {  	_ =	shalt  }
0x54: {  	_ =	shalt  }
0x55: {  	_ =	shalt  }
0x56: {  	_ =	shalt  }
0x57: {  	_ =	shalt  }
0x58: {  	_ =	shalt  }
0x59: {  	_ =	shalt  }
0x5a: {  	_ =	shalt  }
0x5b: {  	_ =	shalt  }
0x5c: {  	_ =	shalt  }
0x5d: {  	_ =	shalt  }
0x5e: {  	_ =	shalt  }
0x5f: {  	_ =	shalt  }
0x60: {  	_ =	shalt  }
0x61: {  	_ =	shalt  }
0x62: {  	_ =	shalt  }
0x63: {  	_ =	shalt  }
0x64: {  	_ =	shalt  }
0x65: {  	_ =	shalt  }
0x66: {  	_ =	shalt  }
0x67: {  	_ =	shalt  }
0x68: {  	_ =	shalt  }
0x69: {  	_ =	shalt  }
0x6a: {  	_ =	shalt  }
0x6b: {  	_ =	shalt  }
0x6c: {  	_ =	shalt  }
0x6d: {  	_ =	shalt  }
0x6e: {  	_ =	shalt  }
0x6f: {  	_ =	shalt  }
0x70: {  	_ =	shalt  }
0x71: {  	_ =	shalt  }
0x72: {  	_ =	shalt  }
0x73: {  	_ =	shalt  }
0x74: {  	_ =	shalt  }
0x75: {  	_ =	shalt  }
0x76: {  	_ =	shalt  }
0x77: {  	_ =	shalt  }
0x78: {  	_ =	shalt  }
0x79: {  	_ =	shalt  }
0x7a: {  	_ =	shalt  }
0x7b: {  	_ =	shalt  }
0x7c: {  	_ =	shalt  }
0x7d: {  	_ =	shalt  }
0x7e: {  	_ =	shalt  }
0x7f: {  	_ =	shalt  }
0x80: {  	_ =	shalt  }
0x81: {  	_ =	shalt  }
0x82: {  	_ =	shalt  }
0x83: {  	_ =	shalt  }
0x84: {  	_ =	shalt  }
0x85: {  	_ =	shalt  }
0x86: {  	_ =	shalt  }
0x87: {  	_ =	shalt  }
.Lfunc_end0:
.L_simem_size_0:
called_computation_lowered:
.L_overlay_start_0:
0x88: {  	s2 =	sld [smem:$0x3FD9]  }
0x89: {  	s3 =	sld [smem:$0x3FFE];
	_ =	sdelay $0x1  }
0x8a: {  	s1 =	srdreg.scid  }
0x8b: {  	s0 =	sand.u32 $0x1, s1  }
0x8c: {  	s17 =	sshll.u32 s0, $0xA;
	s2 =	sadd.s32 s3, s2  }
0x8d: {  	s2 =	sadd.s32 s2, s17  }
0x8e: {  	[smem:$0x3FBC] =	sst s2  }
0x8f: {  	_ = 	snop  }
0x90: {  	s2 =	sld [smem:$0x3FD0];
	(tm) =	ssettm $0x1  }
0x91: {  	s18 =	sld [smem:$0x3FFB];
	_ =	sdelay $0x3  }
0x92: {  	_ =	strace s18  }
0x93: {  	s3 =	sld [smem:$0x3FFC];
	_ =	sdelay $0x3  }
0x94: {  	_ =	strace s3  }
0x95: {  	s3 =	sld [smem:$0x3FFD];
	_ =	sdelay $0x3  }
0x96: {  	_ =	strace s3  }
0x97: {  	_ =	strace $0x8FFFFFFF  }
0x98: {  	s19 =	sld [smem:$0x3FDB];
	_ =	sdelay $0x1  }
0x99: {  	s4 =	simm.s32 $_scs_section_size  }
0x9a: {  	s5 =	simm.s32 $_size__tile_overlayer_lowered;
	s6 =	simm.s32 $_tile_overlayer_lowered  }
0x9b: {  	s22 =	simm.s32 $0x1BFF;
	s21 =	sshll.u32 s6, $0x1;
	s3 =	sadd.s32 s4, s19  }
0x9c: {  	s7 =	simm.s32 $0x0;
	s20 =	sshll.u32 s5, $0x1;
	s5 =	sadd.s32 s21, s3  }
0x9d: {  	[timem:s7], [sflag:s22] =	dma.local [hbm:s5], s20  }
0x9e: {  	_ =	swait.ge [sflag:s22], s20  }
0x9f: {  	s4 =	ssub.s32 $0x0, s20;
	[sflag:s22] =	ssyncset.done $0x0  }
0xa0: {  	[sflag:s22] =	ssyncadd.s32 s4;
	_ =	sdelay $0x1  }
0xa1: {  	s23 =	simm.s32 $0x1B8B  }
0xa2: {  	_ =	swait.ge [sflag:s23], $0x1  }
0xa3: {  	[sflag:s23] =	ssyncset.done $0x0  }
0xa4: {  	s25 =	simm.s32 $0x1B8E;
	s24 =	sld [smem:$0x3FFE];
	[sflag:s23] =	ssyncadd.s32 $0xFFFFFFFF  }
0xa5: {  	s26 =	simm.s32 $execute0_lowered;
	[smem:$0x3FD2] =	sst s25  }
0xa6: {  	s5 =	sshll.u32 s26, $0x1;
	_ =	strace $0x80000046;
	[dreg:$0x1] =	wrdreg $0xFFFFFFFF  }
0xa7: {  	s28 =	simm.s32 $_size_execute0_lowered;
	s3 =	sadd.s32 s3, s5;
	[dreg:$0x0] =	wrdreg $0x0  }
0xa8: {  	s5 =	sshll.u32 s28, $0x1;
	[dreg:$0x2] =	wrdreg s3  }
0xa9: {  	[dreg:$0x3] =	wrdreg s5  }
0xaa: {  	[dreg:$0x4] =	wrdreg $0xC0  }
0xab: {  	_ =	task [dreg:s7], $0x5FFFF  }
0xac: {  	[dreg:$0x1] =	wrdreg $0xFFFFFFFF  }
0xad: {  	[dreg:$0x0] =	wrdreg $0x60  }
0xae: {  	[dreg:$0x2] =	wrdreg s24  }
0xaf: {  	[dreg:$0x3] =	wrdreg s2  }
0xb0: {  	[dreg:$0x4] =	wrdreg $0x0  }
0xb1: {  	[dreg:$0x5] =	wrdreg $0x9  }
0xb2: {  	_ =	task.clear_ibuf [dreg:s7], $0x6FFFF;
	_ =	strace $0x90000046  }
0xb3: {  	s29 =	simm.s32 $0x9;
	_ =	strace $0x80000048  }
0xb4: {  	_ =	swait.ge [sflag:s29], $0x1  }
0xb5: {  	[sflag:s29] =	ssyncadd.s32 $0xFFFFFFFF  }
0xb6: {  	_ =	strace $0x90000048  }
0xb7: {  	_ =	sfence  }
0xb8: {  	s30 =	sld [smem:$0x0];
	_ =	sdelay $0x2  }
0xb9: {  	s31 =	sshll.u32 s1, $0xD;
	s1 =	sshrl.u32 s1, $0x2  }
0xba: {  	s3 =	sand.u32 $0x4000, s31;
	s1 =	sadd.s32 s1, s30  }
0xbb: {  	s0 =	sor.u32 s3, s0;
	s1 =	sshll.u32 s1, $0x11  }
0xbc: {  	s0 =	sor.u32 s1, s0  }
0xbd: {  	s0 =	sadd.s32 $0x8F2B, s0  }
0xbe: {  	[sflag:s0] =	ssyncadd.remote.s32 $0x1  }
0xbf: {  	_ =	sfence.sel $0xFFFF  }
0xc0: {  	[dreg:$0x0] =	wrdreg $0xFFFFFFFF;
	(pc) =	sbr.abs _section_cstart, $3  }
0xc1: {  	[dreg:$0x1] =	wrdreg $0xFFFFFFFF  }
0xc2: {  	_ =	task.clear_ibuf [dreg:s7], $0x2FFFF;
	_ =	strace $0x9FFFFFFF  }
0xc3: {  	(tm) =	ssettm $0x7FFFFFFF  }
tec
execute0_lowered:
.L_overlay_start_1:
0x0: {  	(tag) =	ssettag $0x1  }
0x1: {  	s0 =	rddreg [dreg:$0x0]  }
0x2: {  	s6 =	rddreg [dreg:$0x1]  }
0x3: {  	s1 =	srdreg.scid;
	s2 =	rddreg [dreg:$0x2]  }
0x4: {  	s11 =	stileid.u32;
	s3 =	simm.s32 $0x0;
	s28 =	simm.s32 $0x9  }
0x5: {  	s29 =	simm.s32 $0x6;
	s1 =	sand.u32 $0x1, s1;
	s31 =	smul.u32 $0xA00, s11  }
0x6: {  	[smem:$0x7FF] =	sst s3;
	s9 =	smul.u32 $0x500, s11;
	s4 =	sshll.u32 s1, $0x4  }
0x7: {  	_ =	strace $0x80000047;
	s7 =	ssub.s32 $0x2, s1;
	s10 =	smul.u32 $0x27100, s1  }
0x8: {  	s1 =	sshll.u32 s1, $0x7;
	s4 =	sor.u32 s11, s4;
	s11 =	smul.u32 $0x2710, s11  }
0x9: {  	s8 =	sshrl.u32 s7, $0x1;
	s14 =	sor.u32 s1, s9;
	s5 =	smul.u32 $0x2710, s4  }
0xa: {  	s4 =	sadd.s32 $0xC800, s0;
	s7 =	ssub.s32 s7, s8;
	s0 =	sshrl.u32 s31, $0x2  }
0xb: {  	s31 =	simm.s32 $0x400;
	s8 =	sadd.s32 s0, s2;
	s15 =	sadd.s32 s11, s10  }
0xc: {  	s0 =	sshrl.u32 s14, $0x3;
	s19 =	smax.u32 s7, $0x1;
	s14 =	simm.s32 $0x300  }
0xd: {  	[dreg:$0x9] =	wrdreg s31;
	s5 =	sshrl.u32 s5, $0x3;
	s16 =	sadd.s32 $0x400, s15  }
0xe: {  	s0 =	sadd.s32 s6, s0;
	s18 =	sadd.s32 $0x380, s15;
	[dreg:$0xf] =	wrdreg s19  }
0xf: {  	s21 =	sadd.s32 $0x280, s15;
	s23 =	sadd.s32 $0x200, s15;
	s24 =	sadd.s32 $0x180, s15  }
0x10: {  	s19 =	simm.s32 $0x80;
	s5 =	sadd.s32 s4, s5;
	[dreg:$0xe] =	wrdreg s0  }
0x11: {  	s17 =	sshrl.u32 s16, $0x3;
	s6 =	sshrl.u32 s18, $0x3;
	s22 =	sshrl.u32 s21, $0x3  }
0x12: {  	s26 =	sshrl.u32 s24, $0x3;
	s18 =	simm.s32 $0x1;
	s21 =	simm.s32 $0x480  }
0x13: {  	s24 =	simm.s32 $0x3;
	s12 =	sadd.s32 $0x10, s5;
	[dreg:$0xa] =	wrdreg s5  }
0x14: {  	s13 =	sadd.s32 $0x20, s5;
	s5 =	sadd.s32 $0x4E0, s5;
	[dreg:$0xb] =	wrdreg s12  }
0x15: {  	s0 =	sadd.s32 s17, s4;
	s20 =	sadd.s32 s6, s4;
	[dreg:$0xc] =	wrdreg s13  }
0x16: {  	s6 =	sshrl.u32 s23, $0x3;
	s30 =	sadd.s32 s26, s4;
	[dreg:$0xd] =	wrdreg s5  }
0x17: {  	s17 =	simm.s32 $0xD;
	s23 =	simm.s32 $0x500;
	[dreg:$0x4] =	wrdreg s0  }
0x18: {  	s26 =	simm.s32 $0x5;
	[dreg:$0x5] =	wrdreg s20;
	s0 =	sadd.s32 s22, s4  }
0x19: {  	s25 =	sadd.s32 s6, s4;
	s12 =	sadd.s32 $0x300, s15;
	[dreg:$0x8] =	wrdreg s30  }
0x1a: {  	s13 =	simm.s32 $0x280;
	s15 =	simm.s32 $0x380;
	s20 =	simm.s32 $0x600  }
0x1b: {  	s22 =	simm.s32 $0x2;
	s6 =	simm.s32 $0x0;
	[dreg:$0x6] =	wrdreg s0  }
0x1c: {  	v0 =	vimm.f32 $1.000000000e+00;
	v1 =	vimm.f32 $0.0e+00;
	[dreg:$0x7] =	wrdreg s25;
	s25 =	simm.s32 $0x7;
	s0 =	simm.s32 $0xC  }
.LBB2_1:
0x1d: {  	s1 =	rddreg [dreg:$0xa]  }
0x1e: {  	[tilespmem:s13], [sflag:$0x1] =	stream.linear.gather [hbm4b:s1+s3], $0x80, $0x38;
	[tilespmem:$0x980] =	vst v63  }
0x1f: {  	s31 =	rddreg [dreg:$0xb]  }
0x20: {  	[tilespmem:s14], [sflag:$0x2] =	stream.linear.gather [hbm4b:s31+s3], $0x80, $0x38;
	[tilespmem:$0x980] =	vst v63  }
0x21: {  	s5 =	rddreg [dreg:$0xc]  }
0x22: {  	[tilespmem:s15], [sflag:$0x3] =	stream.linear.gather [hbm4b:s5+s3], $0x80, $0x38;
	[tilespmem:$0x980] =	vst v63  }
0x23: {  	[tilespmem:$0x600] =	vst v0  }
0x24: {  	[tilespmem:$0x610] =	vst v0  }
0x25: {  	[tilespmem:$0x620] =	vst v0  }
0x26: {  	[tilespmem:$0x630] =	vst v0  }
0x27: {  	[tilespmem:$0x640] =	vst v0  }
0x28: {  	[tilespmem:$0x650] =	vst v0  }
0x29: {  	[tilespmem:$0x660] =	vst v0  }
0x2a: {  	[tilespmem:$0x670] =	vst v0  }
0x2b: {  	[tilespmem:$0x680] =	vst v0  }
0x2c: {  	[tilespmem:$0x700] =	vst v1  }
0x2d: {  	[tilespmem:$0x710] =	vst v1  }
0x2e: {  	[tilespmem:$0x720] =	vst v1  }
0x2f: {  	[tilespmem:$0x730] =	vst v1  }
0x30: {  	[tilespmem:$0x740] =	vst v1  }
0x31: {  	[tilespmem:$0x750] =	vst v1  }
0x32: {  	[tilespmem:$0x760] =	vst v1  }
0x33: {  	[tilespmem:$0x770] =	vst v1  }
0x34: {  	[tilespmem:$0x780] =	vst v1  }
0x35: {  	[tilespmem:$0x790] =	vst v1  }
0x36: {  	[tilespmem:$0x7A0] =	vst v1  }
0x37: {  	[tilespmem:$0x7B0] =	vst v1  }
0x38: {  	[tilespmem:$0x7C0] =	vst v1  }
0x39: {  	[tilespmem:$0x7D0] =	vst v1  }
0x3a: {  	[tilespmem:$0x7E0] =	vst v1  }
0x3b: {  	[tilespmem:$0x7F0] =	vst v1  }
0x3c: {  	[tilespmem:$0x800] =	vst v1  }
0x3d: {  	[tilespmem:$0x810] =	vst v1  }
0x3e: {  	[tilespmem:$0x820] =	vst v1  }
0x3f: {  	[tilespmem:$0x830] =	vst v1  }
0x40: {  	[tilespmem:$0x840] =	vst v1  }
0x41: {  	[tilespmem:$0x850] =	vst v1  }
0x42: {  	[tilespmem:$0x860] =	vst v1  }
0x43: {  	[tilespmem:$0x870] =	vst v1  }
0x44: {  	[tilespmem:$0x880] =	vst v1  }
0x45: {  	[tilespmem:$0x890] =	vst v1  }
0x46: {  	[tilespmem:$0x8A0] =	vst v1  }
0x47: {  	[tilespmem:$0x8B0] =	vst v1  }
0x48: {  	[tilespmem:$0x8C0] =	vst v1  }
0x49: {  	[tilespmem:$0x8D0] =	vst v1  }
0x4a: {  	[tilespmem:$0x8E0] =	vst v1  }
0x4b: {  	[tilespmem:$0x8F0] =	vst v1  }
0x4c: {  	[tilespmem:$0x900] =	vst v1  }
0x4d: {  	[tilespmem:$0x910] =	vst v1  }
0x4e: {  	[tilespmem:$0x920] =	vst v1  }
0x4f: {  	[tilespmem:$0x930] =	vst v1  }
0x50: {  	[tilespmem:$0x940] =	vst v1  }
0x51: {  	[tilespmem:$0x950] =	vst v1  }
0x52: {  	[tilespmem:$0x960] =	vst v1  }
0x53: {  	s7 =	simm.s32 $0x700;
	[tilespmem:$0x970] =	vst v1  }
0x54: {  	[spmem:s8] =	stream.linear.scatter [tilespmem:s7], [sflag:$0xD], $0x280, $0x38;
	[tilespmem:$0x980] =	vst v63  }
0x55: {  	_ =	swait.ge [sflag:s17], $0x280  }
0x56: {  	[sflag:s17] =	ssyncset.done $0x0  }
0x57: {  	p0 =	por $0x1, $0x1;
	[sflag:s17] =	ssyncadd.s32 $0xFFFFFD80  }
0x58: {  	s7 =	simm.s32 @!p0 $0xA;
	[bflag:$0x0] =	sbarrier.arrive $0xFFFF  }
0x59: {  	_ =	swait.ge @!p0 [sflag:s7], $0x80  }
0x5a: {  	s9 =	rddreg [dreg:$0x8];
	[sflag:s7] =	ssyncset.done @!p0 $0x0  }
0x5b: {  	s10 =	rddreg [dreg:$0x9];
	[sflag:s7] =	ssyncadd.s32 @!p0 $0xFFFFFF80;
	s9 =	sadd.s32 $0x0, s9  }
0x5c: {  	[tilespmem:s10], [sflag:$0x4] =	stream.linear.gather [hbm4b:s9+s3], $0x80, $0x38;
	[tilespmem:$0x980] =	vst v63  }
0x5d: {  	_ =	swait.ge [sflag:s18], $0x80  }
0x5e: {  	[sflag:s18] =	ssyncset.done $0x0  }
0x5f: {  	s7 =	simm.s32 @!p0 $0xB;
	[sflag:s18] =	ssyncadd.s32 $0xFFFFFF80  }
0x60: {  	[spmem:s2] =	stream.indirect.scatter.add.f32 [tilespmem:s20], [sflag:$0x7], $0x1, s13, s19, $0xb8;
	[tilespmem:$0x980] =	vst v63  }
0x61: {  	_ =	swait.ge @!p0 [sflag:s7], $0x80  }
0x62: {  	s11 =	rddreg [dreg:$0x7];
	[sflag:s7] =	ssyncset.done @!p0 $0x0  }
0x63: {  	[sflag:s7] =	ssyncadd.s32 @!p0 $0xFFFFFF80;
	s16 =	sadd.s32 $0x0, s11  }
0x64: {  	[tilespmem:s21], [sflag:$0x5] =	stream.linear.gather [hbm4b:s16+s3], $0x80, $0x38;
	[tilespmem:$0x980] =	vst v63  }
0x65: {  	_ =	swait.ge [sflag:s22], $0x80  }
0x66: {  	[sflag:s22] =	ssyncset.done $0x0  }
0x67: {  	s7 =	simm.s32 @!p0 $0xC;
	[sflag:s22] =	ssyncadd.s32 $0xFFFFFF80  }
0x68: {  	[spmem:s2] =	stream.indirect.scatter.add.f32 [tilespmem:s20], [sflag:$0x8], $0x1, s14, s19, $0xb8;
	[tilespmem:$0x980] =	vst v63  }
0x69: {  	_ =	swait.ge @!p0 [sflag:s7], $0x80  }
0x6a: {  	s30 =	rddreg [dreg:$0x6];
	[sflag:s7] =	ssyncset.done @!p0 $0x0  }
0x6b: {  	[sflag:s7] =	ssyncadd.s32 @!p0 $0xFFFFFF80;
	s31 =	sadd.s32 $0x0, s30  }
0x6c: {  	[tilespmem:s23], [sflag:$0x6] =	stream.linear.gather [hbm4b:s31+s3], $0x80, $0x38;
	[tilespmem:$0x980] =	vst v63  }
0x6d: {  	_ =	swait.ge [sflag:s24], $0x80  }
0x6e: {  	[sflag:s24] =	ssyncset.done $0x0  }
0x6f: {  	[sflag:s24] =	ssyncadd.s32 $0xFFFFFF80  }
0x70: {  	[spmem:s2] =	stream.indirect.scatter.add.f32 [tilespmem:s20], [sflag:$0x9], $0x1, s15, s19, $0xb8;
	[tilespmem:$0x980] =	vst v63  }
0x71: {  	_ =	swait.ge [sflag:s25], $0x80  }
0x72: {  	p0 =	por $0x0, $0x0;
	[sflag:s25] =	ssyncset.done $0x0  }
0x73: {  	s7 =	simm.s32 @p0 $0x4;
	[sflag:s25] =	ssyncadd.s32 $0xFFFFFF80  }
0x74: {  	_ =	swait.ge @p0 [sflag:s7], $0x80  }
0x75: {  	s9 =	simm.s32 @p0 $0x600;
	s10 =	simm.s32 @p0 $0x8;
	[sflag:s7] =	ssyncset.done @p0 $0x0  }
0x76: {  	s11 =	simm.s32 @p0 $0x400;
	[sflag:s7] =	ssyncadd.s32 @p0 $0xFFFFFF80;
	s7 =	simm.s32 @p0 $0x80  }
0x77: {  	[spmem:s2] =	stream.indirect.scatter.add.f32 @p0 [tilespmem:s9], [sflag:$0xA], $0x1, s11, s7, $0xb8;
	[tilespmem:$0x980] =	vst v63  }
0x78: {  	s7 =	sshrl.u32 @!p0 s12, $0x3;
	_ =	swait.ge @p0 [sflag:s10], $0x80  }
0x79: {  	s9 =	simm.s32 @!p0 $0x4;
	s11 =	simm.s32 @!p0 $0x280;
	[sflag:s10] =	ssyncset.done @p0 $0x0  }
0x7a: {  	s7 =	sadd.s32 @!p0 s4, s7;
	[sflag:s10] =	ssyncadd.s32 @p0 $0xFFFFFF80;
	s10 =	simm.s32 @!p0 $0x0  }
0x7b: {  	[tilespmem:s11], [sflag:$0x1] =	stream.linear.gather @!p0 [hbm4b:s7+s10], $0x80, $0x38;
	[tilespmem:$0x980] =	vst v63  }
0x7c: {  	_ =	swait.ge @!p0 [sflag:s9], $0x80  }
0x7d: {  	s7 =	simm.s32 @!p0 $0x600;
	[sflag:s9] =	ssyncset.done @!p0 $0x0  }
0x7e: {  	s11 =	simm.s32 @!p0 $0x400;
	[sflag:s9] =	ssyncadd.s32 @!p0 $0xFFFFFF80;
	s9 =	simm.s32 @!p0 $0x80  }
0x7f: {  	[spmem:s2] =	stream.indirect.scatter.add.f32 @!p0 [tilespmem:s7], [sflag:$0xA], $0x1, s11, s9, $0xb8;
	[tilespmem:$0x980] =	vst v63  }
0x80: {  	s7 =	simm.s32 @!p0 $0x8  }
0x81: {  	_ =	swait.ge @!p0 [sflag:s7], $0x80  }
0x82: {  	s9 =	rddreg [dreg:$0x5];
	[sflag:s7] =	ssyncset.done @!p0 $0x0  }
0x83: {  	[sflag:s7] =	ssyncadd.s32 @!p0 $0xFFFFFF80;
	s7 =	sadd.s32 @!p0 $0x0, s9;
	s9 =	simm.s32 @!p0 $0x300  }
0x84: {  	[tilespmem:s9], [sflag:$0x2] =	stream.linear.gather @!p0 [hbm4b:s7+s10], $0x80, $0x38;
	[tilespmem:$0x980] =	vst v63  }
0x85: {  	_ =	swait.ge [sflag:s26], $0x80  }
0x86: {  	[sflag:s26] =	ssyncset.done $0x0  }
0x87: {  	[sflag:s26] =	ssyncadd.s32 $0xFFFFFF80  }
0x88: {  	[spmem:s2] =	stream.indirect.scatter.add.f32 [tilespmem:s20], [sflag:$0xB], $0x1, s21, s19, $0xb8;
	[tilespmem:$0x980] =	vst v63  }
0x89: {  	_ =	swait.ge [sflag:s28], $0x80  }
0x8a: {  	s7 =	rddreg [dreg:$0x4];
	[sflag:s28] =	ssyncset.done $0x0  }
0x8b: {  	s9 =	simm.s32 @!p0 $0x380;
	[sflag:s28] =	ssyncadd.s32 $0xFFFFFF80;
	s7 =	sadd.s32 @!p0 $0x0, s7  }
0x8c: {  	[tilespmem:s9], [sflag:$0x3] =	stream.linear.gather @!p0 [hbm4b:s7+s10], $0x80, $0x38;
	[tilespmem:$0x980] =	vst v63  }
0x8d: {  	p1 =	por $0x0, $0x0;
	s7 =	simm.s32 $0x60;
	_ =	swait.ge [sflag:s29], $0x80  }
0x8e: {  	s10 =	simm.s32 $0xC0;
	s9 =	sadd.s32 $0x300, s12;
	[sflag:s29] =	ssyncset.done $0x0  }
.LBB2_2:
0x8f: {  	s5 =	simm.s32 @!p1 $0xA;
	[sflag:s29] =	ssyncadd.s32 $0xFFFFFF80  }
0x90: {  	[spmem:s2] =	stream.indirect.scatter.add.f32 [tilespmem:s20], [sflag:$0xC], $0x1, s23, s19, $0xb8;
	[tilespmem:$0x980] =	vst v63  }
0x91: {  	_ =	swait.ge @!p1 [sflag:s5], $0x80  }
0x92: {  	[sflag:s5] =	ssyncset.done @!p1 $0x0;
	s16 =	rddreg [dreg:$0x8]  }
0x93: {  	s31 =	rddreg [dreg:$0x9];
	[sflag:s5] =	ssyncadd.s32 @!p1 $0xFFFFFF80;
	s16 =	sadd.s32 s7, s16  }
0x94: {  	[tilespmem:s31], [sflag:$0x4] =	stream.linear.gather [hbm4b:s16+s3], $0x80, $0x38;
	[tilespmem:$0x980] =	vst v63  }
0x95: {  	_ =	swait.ge [sflag:s18], $0x80  }
0x96: {  	[sflag:s18] =	ssyncset.done $0x0  }
0x97: {  	s5 =	simm.s32 @!p1 $0xB;
	[sflag:s18] =	ssyncadd.s32 $0xFFFFFF80  }
0x98: {  	[spmem:s2] =	stream.indirect.scatter.add.f32 [tilespmem:s20], [sflag:$0x7], $0x1, s13, s19, $0xb8;
	[tilespmem:$0x980] =	vst v63  }
0x99: {  	_ =	swait.ge @!p1 [sflag:s5], $0x80  }
0x9a: {  	[sflag:s5] =	ssyncset.done @!p1 $0x0;
	s1 =	rddreg [dreg:$0x7]  }
0x9b: {  	[sflag:s5] =	ssyncadd.s32 @!p1 $0xFFFFFF80;
	s16 =	sadd.s32 s7, s1  }
0x9c: {  	[tilespmem:s21], [sflag:$0x5] =	stream.linear.gather [hbm4b:s16+s3], $0x80, $0x38;
	[tilespmem:$0x980] =	vst v63  }
0x9d: {  	_ =	swait.ge [sflag:s22], $0x80  }
0x9e: {  	[sflag:s22] =	ssyncset.done $0x0  }
0x9f: {  	s5 =	simm.s32 @!p1 $0xC;
	[sflag:s22] =	ssyncadd.s32 $0xFFFFFF80  }
0xa0: {  	[spmem:s2] =	stream.indirect.scatter.add.f32 [tilespmem:s20], [sflag:$0x8], $0x1, s14, s19, $0xb8;
	[tilespmem:$0x980] =	vst v63  }
0xa1: {  	_ =	swait.ge @!p1 [sflag:s5], $0x80  }
0xa2: {  	[sflag:s5] =	ssyncset.done @!p1 $0x0;
	s30 =	rddreg [dreg:$0x6]  }
0xa3: {  	[sflag:s5] =	ssyncadd.s32 @!p1 $0xFFFFFF80;
	s31 =	sadd.s32 s7, s30  }
0xa4: {  	[tilespmem:s23], [sflag:$0x6] =	stream.linear.gather [hbm4b:s31+s3], $0x80, $0x38;
	[tilespmem:$0x980] =	vst v63  }
0xa5: {  	_ =	swait.ge [sflag:s24], $0x80  }
0xa6: {  	[sflag:s24] =	ssyncset.done $0x0  }
0xa7: {  	[sflag:s24] =	ssyncadd.s32 $0xFFFFFF80  }
0xa8: {  	[spmem:s2] =	stream.indirect.scatter.add.f32 [tilespmem:s20], [sflag:$0x9], $0x1, s15, s19, $0xb8;
	[tilespmem:$0x980] =	vst v63  }
0xa9: {  	_ =	swait.ge [sflag:s25], $0x80  }
0xaa: {  	p1 =	seq.s32 s7, $0x480;
	[sflag:s25] =	ssyncset.done $0x0  }
0xab: {  	s5 =	simm.s32 @p1 $0x4;
	[sflag:s25] =	ssyncadd.s32 $0xFFFFFF80  }
0xac: {  	_ =	swait.ge @p1 [sflag:s5], $0x80  }
0xad: {  	s1 =	simm.s32 @p1 $0x600;
	s30 =	simm.s32 @p1 $0x8;
	[sflag:s5] =	ssyncset.done @p1 $0x0  }
0xae: {  	s31 =	simm.s32 @p1 $0x400;
	[sflag:s5] =	ssyncadd.s32 @p1 $0xFFFFFF80;
	s5 =	simm.s32 @p1 $0x80  }
0xaf: {  	[spmem:s2] =	stream.indirect.scatter.add.f32 @p1 [tilespmem:s1], [sflag:$0xA], $0x1, s31, s5, $0xb8;
	[tilespmem:$0x980] =	vst v63  }
0xb0: {  	s16 =	sshrl.u32 @!p1 s9, $0x3;
	_ =	swait.ge @p1 [sflag:s30], $0x80  }
0xb1: {  	s16 =	sadd.s32 @!p1 s4, s16;
	s1 =	simm.s32 @!p1 $0x4;
	[sflag:s30] =	ssyncset.done @p1 $0x0  }
0xb2: {  	s5 =	simm.s32 @!p1 $0x0;
	[sflag:s30] =	ssyncadd.s32 @p1 $0xFFFFFF80;
	s30 =	simm.s32 @!p1 $0x280  }
0xb3: {  	[tilespmem:s30], [sflag:$0x1] =	stream.linear.gather @!p1 [hbm4b:s16+s5], $0x80, $0x38;
	[tilespmem:$0x980] =	vst v63  }
0xb4: {  	_ =	swait.ge @!p1 [sflag:s1], $0x80  }
0xb5: {  	s31 =	simm.s32 @!p1 $0x400;
	s16 =	simm.s32 @!p1 $0x600;
	[sflag:s1] =	ssyncset.done @!p1 $0x0  }
0xb6: {  	s30 =	simm.s32 @!p1 $0x8;
	[sflag:s1] =	ssyncadd.s32 @!p1 $0xFFFFFF80;
	s1 =	simm.s32 @!p1 $0x80  }
0xb7: {  	[spmem:s2] =	stream.indirect.scatter.add.f32 @!p1 [tilespmem:s16], [sflag:$0xA], $0x1, s31, s1, $0xb8;
	[tilespmem:$0x980] =	vst v63  }
0xb8: {  	_ =	swait.ge @!p1 [sflag:s30], $0x80  }
0xb9: {  	s1 =	rddreg [dreg:$0x5];
	[sflag:s30] =	ssyncset.done @!p1 $0x0  }
0xba: {  	s16 =	simm.s32 @!p1 $0x300;
	[sflag:s30] =	ssyncadd.s32 @!p1 $0xFFFFFF80;
	s1 =	sadd.s32 @!p1 s7, s1  }
0xbb: {  	[tilespmem:s16], [sflag:$0x2] =	stream.linear.gather @!p1 [hbm4b:s1+s5], $0x80, $0x38;
	[tilespmem:$0x980] =	vst v63  }
0xbc: {  	_ =	swait.ge [sflag:s26], $0x80  }
0xbd: {  	[sflag:s26] =	ssyncset.done $0x0  }
0xbe: {  	s11 =	smov.u32 s10;
	s10 =	sadd.s32 $0x60, s10;
	[sflag:s26] =	ssyncadd.s32 $0xFFFFFF80  }
0xbf: {  	[spmem:s2] =	stream.indirect.scatter.add.f32 [tilespmem:s20], [sflag:$0xB], $0x1, s21, s19, $0xb8;
	[tilespmem:$0x980] =	vst v63  }
0xc0: {  	p0 =	sne.s32 s10, $0x4E0;
	_ =	swait.ge [sflag:s28], $0x80  }
.Ltmp0:
0xc1: {  	s1 =	rddreg [dreg:$0x4];
	[sflag:s28] =	ssyncset.done $0x0;
	(pc) =	sbr.rel @p0 .LBB2_2-.Ltmp0, $4  }
0xc2: {  	[sflag:s28] =	ssyncadd.s32 $0xFFFFFF80;
	s1 =	sadd.s32 @!p1 s7, s1;
	s7 =	simm.s32 @!p1 $0x380  }
0xc3: {  	[tilespmem:s7], [sflag:$0x3] =	stream.linear.gather @!p1 [hbm4b:s1+s5], $0x80, $0x38;
	[tilespmem:$0x980] =	vst v63  }
0xc4: {  	s7 =	smov.u32 s11;
	_ =	swait.ge [sflag:s29], $0x80  }
0xc5: {  	s9 =	sadd.s32 $0x300, s9;
	p1 =	seq.s32 s7, $0x0;
	[sflag:s29] =	ssyncset.done $0x0  }
0xc6: {  	s1 =	simm.s32 @!p1 $0xA;
	[sflag:s29] =	ssyncadd.s32 $0xFFFFFF80  }
0xc7: {  	[spmem:s2] =	stream.indirect.scatter.add.f32 [tilespmem:s20], [sflag:$0xC], $0x1, s23, s19, $0xb8;
	[tilespmem:$0x980] =	vst v63  }
0xc8: {  	_ =	swait.ge @!p1 [sflag:s1], $0x80  }
0xc9: {  	s5 =	rddreg [dreg:$0x8];
	[sflag:s1] =	ssyncset.done @!p1 $0x0  }
0xca: {  	s10 =	rddreg [dreg:$0x9];
	[sflag:s1] =	ssyncadd.s32 @!p1 $0xFFFFFF80;
	s11 =	sadd.s32 s7, s5  }
0xcb: {  	[tilespmem:s10], [sflag:$0x4] =	stream.linear.gather [hbm4b:s11+s3], $0x80, $0x38;
	[tilespmem:$0x980] =	vst v63  }
0xcc: {  	_ =	swait.ge [sflag:s18], $0x80  }
0xcd: {  	[sflag:s18] =	ssyncset.done $0x0  }
0xce: {  	s1 =	simm.s32 @!p1 $0xB;
	[sflag:s18] =	ssyncadd.s32 $0xFFFFFF80  }
0xcf: {  	[spmem:s2] =	stream.indirect.scatter.add.f32 [tilespmem:s20], [sflag:$0x7], $0x1, s13, s19, $0xb8;
	[tilespmem:$0x980] =	vst v63  }
0xd0: {  	_ =	swait.ge @!p1 [sflag:s1], $0x80  }
0xd1: {  	s16 =	rddreg [dreg:$0x7];
	[sflag:s1] =	ssyncset.done @!p1 $0x0  }
0xd2: {  	[sflag:s1] =	ssyncadd.s32 @!p1 $0xFFFFFF80;
	s30 =	sadd.s32 s7, s16  }
0xd3: {  	[tilespmem:s21], [sflag:$0x5] =	stream.linear.gather [hbm4b:s30+s3], $0x80, $0x38;
	[tilespmem:$0x980] =	vst v63  }
0xd4: {  	_ =	swait.ge [sflag:s22], $0x80  }
0xd5: {  	[sflag:s22] =	ssyncset.done $0x0  }
0xd6: {  	s1 =	simm.s32 @!p1 $0xC;
	[sflag:s22] =	ssyncadd.s32 $0xFFFFFF80  }
0xd7: {  	[spmem:s2] =	stream.indirect.scatter.add.f32 [tilespmem:s20], [sflag:$0x8], $0x1, s14, s19, $0xb8;
	[tilespmem:$0x980] =	vst v63  }
0xd8: {  	_ =	swait.ge @!p1 [sflag:s1], $0x80  }
0xd9: {  	s31 =	rddreg [dreg:$0x6];
	[sflag:s1] =	ssyncset.done @!p1 $0x0  }
0xda: {  	[sflag:s1] =	ssyncadd.s32 @!p1 $0xFFFFFF80;
	s5 =	sadd.s32 s7, s31  }
0xdb: {  	[tilespmem:s23], [sflag:$0x6] =	stream.linear.gather [hbm4b:s5+s3], $0x80, $0x38;
	[tilespmem:$0x980] =	vst v63  }
0xdc: {  	_ =	swait.ge [sflag:s24], $0x80  }
0xdd: {  	[sflag:s24] =	ssyncset.done $0x0  }
0xde: {  	[sflag:s24] =	ssyncadd.s32 $0xFFFFFF80  }
0xdf: {  	[spmem:s2] =	stream.indirect.scatter.add.f32 [tilespmem:s20], [sflag:$0x9], $0x1, s15, s19, $0xb8;
	[tilespmem:$0x980] =	vst v63  }
0xe0: {  	_ =	swait.ge [sflag:s25], $0x80  }
0xe1: {  	p0 =	seq.s32 s7, $0x480;
	[sflag:s25] =	ssyncset.done $0x0  }
0xe2: {  	s1 =	simm.s32 @p0 $0x4;
	[sflag:s25] =	ssyncadd.s32 $0xFFFFFF80  }
0xe3: {  	_ =	swait.ge @p0 [sflag:s1], $0x80  }
0xe4: {  	s10 =	simm.s32 @p0 $0x400;
	[sflag:s1] =	ssyncset.done @p0 $0x0  }
0xe5: {  	s5 =	simm.s32 @p0 $0x600;
	[sflag:s1] =	ssyncadd.s32 @p0 $0xFFFFFF80;
	s1 =	simm.s32 @p0 $0x80  }
0xe6: {  	[spmem:s2] =	stream.indirect.scatter.add.f32 @p0 [tilespmem:s5], [sflag:$0xA], $0x1, s10, s1, $0xb8;
	[tilespmem:$0x980] =	vst v63  }
0xe7: {  	s1 =	simm.s32 @p0 $0x8  }
0xe8: {  	s5 =	sshrl.u32 @!p0 s9, $0x3;
	_ =	swait.ge @p0 [sflag:s1], $0x80  }
0xe9: {  	s9 =	simm.s32 @!p0 $0x4;
	s10 =	simm.s32 @!p0 $0x280;
	[sflag:s1] =	ssyncset.done @p0 $0x0  }
0xea: {  	s5 =	sadd.s32 @!p0 s4, s5;
	[sflag:s1] =	ssyncadd.s32 @p0 $0xFFFFFF80;
	s1 =	simm.s32 @!p0 $0x0  }
0xeb: {  	[tilespmem:s10], [sflag:$0x1] =	stream.linear.gather @!p0 [hbm4b:s5+s1], $0x80, $0x38;
	[tilespmem:$0x980] =	vst v63  }
0xec: {  	_ =	swait.ge @!p0 [sflag:s9], $0x80  }
0xed: {  	s5 =	simm.s32 @!p0 $0x600;
	[sflag:s9] =	ssyncset.done @!p0 $0x0  }
0xee: {  	s10 =	simm.s32 @!p0 $0x400;
	[sflag:s9] =	ssyncadd.s32 @!p0 $0xFFFFFF80;
	s9 =	simm.s32 @!p0 $0x80  }
0xef: {  	[spmem:s2] =	stream.indirect.scatter.add.f32 @!p0 [tilespmem:s5], [sflag:$0xA], $0x1, s10, s9, $0xb8;
	[tilespmem:$0x980] =	vst v63  }
0xf0: {  	s5 =	simm.s32 @!p0 $0x8  }
0xf1: {  	_ =	swait.ge @!p0 [sflag:s5], $0x80  }
0xf2: {  	s9 =	rddreg [dreg:$0x5];
	[sflag:s5] =	ssyncset.done @!p0 $0x0  }
0xf3: {  	[sflag:s5] =	ssyncadd.s32 @!p0 $0xFFFFFF80;
	s5 =	sadd.s32 @!p0 s7, s9;
	s9 =	simm.s32 @!p0 $0x300  }
0xf4: {  	[tilespmem:s9], [sflag:$0x2] =	stream.linear.gather @!p0 [hbm4b:s5+s1], $0x80, $0x38;
	[tilespmem:$0x980] =	vst v63  }
0xf5: {  	_ =	swait.ge [sflag:s26], $0x80  }
0xf6: {  	[sflag:s26] =	ssyncset.done $0x0  }
0xf7: {  	[sflag:s26] =	ssyncadd.s32 $0xFFFFFF80  }
0xf8: {  	[spmem:s2] =	stream.indirect.scatter.add.f32 [tilespmem:s20], [sflag:$0xB], $0x1, s21, s19, $0xb8;
	[tilespmem:$0x980] =	vst v63  }
0xf9: {  	_ =	swait.ge [sflag:s28], $0x80  }
0xfa: {  	s5 =	rddreg [dreg:$0x4];
	[sflag:s28] =	ssyncset.done $0x0  }
0xfb: {  	[sflag:s28] =	ssyncadd.s32 $0xFFFFFF80;
	s5 =	sadd.s32 @!p0 s7, s5;
	s7 =	simm.s32 @!p0 $0x380  }
0xfc: {  	[tilespmem:s7], [sflag:$0x3] =	stream.linear.gather @!p0 [hbm4b:s5+s1], $0x80, $0x38;
	[tilespmem:$0x980] =	vst v63  }
0xfd: {  	_ =	swait.ge [sflag:s29], $0x80  }
0xfe: {  	[sflag:s29] =	ssyncset.done $0x0  }
0xff: {  	s10 =	simm.s32 $0xA;
	[sflag:s29] =	ssyncadd.s32 $0xFFFFFF80  }
0x100: {  	[spmem:s2] =	stream.indirect.scatter.add.f32 [tilespmem:s20], [sflag:$0xC], $0x1, s23, s19, $0xb8;
	[tilespmem:$0x980] =	vst v63  }
0x101: {  	_ =	swait.ge [sflag:s10], $0x80  }
0x102: {  	[sflag:s10] =	ssyncset.done $0x0  }
0x103: {  	s11 =	simm.s32 $0xB;
	[sflag:s10] =	ssyncadd.s32 $0xFFFFFF80  }
0x104: {  	_ =	swait.ge [sflag:s11], $0x80  }
0x105: {  	[sflag:s11] =	ssyncset.done $0x0  }
0x106: {  	[sflag:s11] =	ssyncadd.s32 $0xFFFFFF80  }
0x107: {  	_ =	swait.ge [sflag:s0], $0x80  }
0x108: {  	[sflag:s0] =	ssyncset.done $0x0  }
0x109: {  	s30 =	simm.s32 $0x580;
	s16 =	rddreg [dreg:$0xd];
	[sflag:s0] =	ssyncadd.s32 $0xFFFFFF80  }
0x10a: {  	[tilespmem:s30], [sflag:$0xD] =	stream.linear.gather [hbm4b:s16+s3], $0x10, $0x38;
	[tilespmem:$0x980] =	vst v63  }
0x10b: {  	_ =	swait.ge [sflag:s17], $0x10  }
0x10c: {  	[sflag:s17] =	ssyncset.done $0x0  }
0x10d: {  	s31 =	simm.s32 $0x10;
	s7 =	simm.s32 $0x680;
	[sflag:s17] =	ssyncadd.s32 $0xFFFFFFF0  }
0x10e: {  	[spmem:s2] =	stream.indirect.scatter.add.f32 [tilespmem:s7], [sflag:$0xD], $0x1, s30, s31, $0xb8;
	[tilespmem:$0x980] =	vst v63  }
0x10f: {  	_ =	swait.ge [sflag:s17], $0x10  }
0x110: {  	s10 =	stileid.u32;
	[sflag:s17] =	ssyncset.done $0x0  }
0x111: {  	s1 =	sshll.u32 s10, $0x6;
	[sflag:s17] =	ssyncadd.s32 $0xFFFFFFF0  }
0x112: {  	s1 =	sor.u32 $0x1C0D, s1;
	[bflag:$0x0] =	sbarrier.arrive $0xFFFF  }
0x113: {  	s11 =	sshrl.u32 s8, $0x3;
	s30 =	simm.s32 $0x20;
	s16 =	rddreg [dreg:$0xe]  }
0x114: {  	[hbm:s16@s30], [sflag:s1] =	dma.strided [spmem:s11@s31], $0x50, s18, $0x10   }
0x115: {  	_ =	swait.ge [sflag:s17], $0x50  }
0x116: {  	s6 =	sadd.s32 $0x1, s6;
	s31 =	rddreg [dreg:$0xf]  }
0x117: {  	p0 =	sne.s32 s6, s31  }
.Ltmp1:
0x118: {  	_ = 	snop;
	(pc) =	sbr.rel @p0 .LBB2_1-.Ltmp1, $3  }
0x119: {  	_ =	sdelay $0x1  }
0x11a: {  	[sflag:s17] =	ssyncset.done $0x0  }
0x11b: {  	[sflag:s17] =	ssyncadd.s32 $0xFFFFFFB0  }
0x11c: {  	_ =	sfence.sel $0x180000  }
0x11d: {  	[bflag:$0x0] =	sbarrier.arrive $0xFFFF  }
0x11e: {  	_ =	strace $0x90000047  }
0x11f: {  	s0 =	stileid.u32;
	[bflag:$0x2] =	sbarrier.arrive $0xFFFF  }
0x120: {  	p0 =	sne.s32 s0, $0x0;
	s0 =	rddreg [dreg:$0x3]  }
0x121: {  	s0 =	sadd.s32 @!p0 $0x100000, s0  }
0x122: {  	[sflag:s0] =	ssyncadd.tile.s32 @!p0 $0x1;
	_ =	shalt  }
.Lfunc_end2:
_tile_overlayer_lowered:
.L_overlay_start_2:
0x123: {  	(tag) =	ssettag $0x2  }
0x124: {  	s0 =	rddreg [dreg:$0x0];
	s2 =	stileid.u32  }
0x125: {  	s1 =	rddreg [dreg:$0x1];
	p0 =	sne.s32 s2, $0x0  }
0x126: {  	s3 =	rddreg [dreg:$0x2];
	[bflag:$0x3] =	sbarrier.arrive $0xFFFF;
	s2 =	simm.s32 @!p0 $0x1C0D  }
0x127: {  	[timem:s3], [sflag:s2] =	dma.local @!p0 [hbm:s0], s1  }
0x128: {  	s0 =	simm.s32 @!p0 $0xD  }
0x129: {  	_ =	swait.ge @!p0 [sflag:s0], s1  }
0x12a: {  	s1 =	ssub.s32 @!p0 $0x0, s1;
	[sflag:s0] =	ssyncset.done @!p0 $0x0  }
0x12b: {  	[sflag:s0] =	ssyncadd.s32 @!p0 s1  }
0x12c: {  	[bflag:$0x3] =	sbarrier.arrive $0xFFFF  }
0x12d: {  	_ =	shalt  }

// kernel: kernel.9.cloned.1.call-start
scs
__scs_entry_jumppad:
0x0: {  	(pc) =	sbr.rel $0x88, $3  }
0x1: {  	(tag) =	ssettag $0x0;
	lr =	simm.s32 $0x1  }
0x2: {  	[smem:$0x3F95] =	sst lr;
	_ =	strace $0xD0000000  }
0x3: {  	_ = 	snop  }
0x4: {  	_ = 	snop  }
0x5: {  	_ = 	snop  }
0x6: {  	_ = 	snop  }
0x7: {  	_ = 	snop  }
__scs_overlays_trampoline_lowered:
0x8: {  	[smem:$0x3FA4] =	sst s0  }
0x9: {  	[smem:$0x3FA5] =	sst s1  }
0xa: {  	[smem:$0x3FA6] =	sst s2  }
0xb: {  	[smem:$0x3FA7] =	sst s3  }
0xc: {  	[smem:$0x3FA8] =	sst s4  }
0xd: {  	[smem:$0x3FA9] =	sst s5  }
0xe: {  	[smem:$0x3FAA] =	sst s6  }
0xf: {  	[smem:$0x3FAB] =	sst s7  }
0x10: {  	[smem:$0x3FAC] =	sst s8  }
0x11: {  	[smem:$0x3FAD] =	sst s9;
	s0 =	simm.s32 @!p0 $0x0  }
0x12: {  	s1 =	sld [smem:$0x3F93];
	s0 =	simm.s32 @p0 $0x1  }
0x13: {  	[smem:$0x3FAE] =	sst s0;
	s0 =	simm.s32 @!p1 $0x0  }
0x14: {  	s2 =	sld [smem:$0x3F92];
	s0 =	simm.s32 @p1 $0x1  }
0x15: {  	[smem:$0x3FAF] =	sst s0;
	s0 =	simm.s32 @!p2 $0x0  }
0x16: {  	s3 =	sld [smem:$0x3FDB];
	s0 =	simm.s32 @p2 $0x1  }
0x17: {  	s4 =	simm.s32 $0x1BF5;
	[smem:$0x3FB1] =	sst s0  }
0x18: {  	s0 =	sld [smem:$0x3F94];
	_ =	swait.ge [sflag:s4], $0x0  }
0x19: {  	s7 =	sld [smem:$0x3F95]  }
0x1a: {  	s8 =	sadd.s32 $0xFFFFE003, lr  }
0x1b: {  	s9 =	sadd.s32 $0xFFFFFEF7, lr;
	s5 =	simm.s32 $0xFFFFFFFF;
	p2 =	slt.u32 s8, $0xFFFFF086  }
0x1c: {  	p1 =	slt.u32 s9, $0xF7A;
	s5 =	simm.s32 @!p2 $0x0  }
0x1d: {  	s5 =	simm.s32 @p1 $0x1;
	p0 =	seq.s32 s7, s2  }
0x1e: {  	s7 =	smul.u32 @!p0 $0xF7A, s2;
	p2 =	seq.s32 @!p0 s5, $0x0  }
0x1f: {  	s9 =	smul.u32 $0xF7A, s1;
	s8 =	simm.s32 @!p0 $0x1BF5;
	p2 =	por !p2, p0  }
0x20: {  	[sflag:s8] =	ssyncset.s32 @!p0 $0xFFFFF086;
	s6 =	sadd.s32 @!p0 s3, s7;
	s7 =	simm.s32 @!p0 $0x108  }
0x21: {  	s3 =	sadd.s32 s3, s9;
	s6 =	sadd.s32 @!p0 $0x88, s6;
	s7 =	simm.s32 @p2 $0x1082  }
0x22: {  	[simem:s7], [sflag:s8] =	dma.local @!p0 [hbm:s6], $0xF7A  }
0x23: {  	s9 =	sor.u32 $0xD0000000, s2;
	s6 =	simm.s32 $0x108;
	_ =	swait.ge @!p0 [sflag:s8], $0x0  }
0x24: {  	s3 =	sadd.s32 $0x88, s3;
	s6 =	simm.s32 @!p1 $0x1082;
	[sflag:s4] =	ssyncset.s32 $0xFFFFF086  }
0x25: {  	[simem:s6], [sflag:s4] =	dma.local [hbm:s3], $0xF7A  }
0x26: {  	[smem:$0x3F95] =	sst s1;
	(tag) =	ssettag s2;
	_ =	strace s9  }
0x27: {  	s1 =	sld [smem:$0x3FA5]  }
0x28: {  	s2 =	sld [smem:$0x3FA6]  }
0x29: {  	s4 =	sld [smem:$0x3FA8]  }
0x2a: {  	p0 =	seq.s32 s5, $0x0;
	s5 =	sld [smem:$0x3FA9]  }
0x2b: {  	s6 =	sld [smem:$0x3FAA]  }
0x2c: {  	s7 =	sld [smem:$0x3FAB]  }
0x2d: {  	s3 =	simm.s32 $0x108;
	s8 =	sld [smem:$0x3FAC]  }
0x2e: {  	s3 =	simm.s32 @!p0 $0x1082;
	s9 =	sld [smem:$0x3FAD]  }
0x2f: {  	lr =	sadd.s32 s0, s3;
	s0 =	sld [smem:$0x3FA4]  }
0x30: {  	s3 =	sld [smem:$0x3FA7]  }
0x31: {  	[smem:$0x3FB0] =	sst s10  }
0x32: {  	s10 =	sld [smem:$0x3FAE];
	_ =	sdelay $0x3  }
0x33: {  	p0 =	seq.s32 s10, $0x1;
	s10 =	sld [smem:$0x3FB0];
	_ =	sdelay $0x3  }
0x34: {  	[smem:$0x3FB0] =	sst s10  }
0x35: {  	s10 =	sld [smem:$0x3FAF];
	_ =	sdelay $0x3  }
0x36: {  	p1 =	seq.s32 s10, $0x1;
	s10 =	sld [smem:$0x3FB0];
	_ =	sdelay $0x3  }
0x37: {  	[smem:$0x3FB0] =	sst s10  }
0x38: {  	s10 =	sld [smem:$0x3FB1]  }
0x39: {  	_ = 	snop;
	(pc) =	sbr.ind lr, $3  }
0x3a: {  	_ = 	snop  }
0x3b: {  	_ = 	snop  }
0x3c: {  	p2 =	seq.s32 s10, $0x1;
	s10 =	sld [smem:$0x3FB0]  }
0x3d: {  	_ =	shalt  }
0x3e: {  	_ =	shalt  }
0x3f: {  	_ =	shalt  }
0x40: {  	_ =	shalt  }
0x41: {  	_ =	shalt  }
0x42: {  	_ =	shalt  }
0x43: {  	_ =	shalt  }
0x44: {  	_ =	shalt  }
0x45: {  	_ =	shalt  }
0x46: {  	_ =	shalt  }
0x47: {  	_ =	shalt  }
0x48: {  	_ =	shalt  }
0x49: {  	_ =	shalt  }
0x4a: {  	_ =	shalt  }
0x4b: {  	_ =	shalt  }
0x4c: {  	_ =	shalt  }
0x4d: {  	_ =	shalt  }
0x4e: {  	_ =	shalt  }
0x4f: {  	_ =	shalt  }
0x50: {  	_ =	shalt  }
0x51: {  	_ =	shalt  }
0x52: {  	_ =	shalt  }
0x53: {  	_ =	shalt  }
0x54: {  	_ =	shalt  }
0x55: {  	_ =	shalt  }
0x56: {  	_ =	shalt  }
0x57: {  	_ =	shalt  }
0x58: {  	_ =	shalt  }
0x59: {  	_ =	shalt  }
0x5a: {  	_ =	shalt  }
0x5b: {  	_ =	shalt  }
0x5c: {  	_ =	shalt  }
0x5d: {  	_ =	shalt  }
0x5e: {  	_ =	shalt  }
0x5f: {  	_ =	shalt  }
0x60: {  	_ =	shalt  }
0x61: {  	_ =	shalt  }
0x62: {  	_ =	shalt  }
0x63: {  	_ =	shalt  }
0x64: {  	_ =	shalt  }
0x65: {  	_ =	shalt  }
0x66: {  	_ =	shalt  }
0x67: {  	_ =	shalt  }
0x68: {  	_ =	shalt  }
0x69: {  	_ =	shalt  }
0x6a: {  	_ =	shalt  }
0x6b: {  	_ =	shalt  }
0x6c: {  	_ =	shalt  }
0x6d: {  	_ =	shalt  }
0x6e: {  	_ =	shalt  }
0x6f: {  	_ =	shalt  }
0x70: {  	_ =	shalt  }
0x71: {  	_ =	shalt  }
0x72: {  	_ =	shalt  }
0x73: {  	_ =	shalt  }
0x74: {  	_ =	shalt  }
0x75: {  	_ =	shalt  }
0x76: {  	_ =	shalt  }
0x77: {  	_ =	shalt  }
0x78: {  	_ =	shalt  }
0x79: {  	_ =	shalt  }
0x7a: {  	_ =	shalt  }
0x7b: {  	_ =	shalt  }
0x7c: {  	_ =	shalt  }
0x7d: {  	_ =	shalt  }
0x7e: {  	_ =	shalt  }
0x7f: {  	_ =	shalt  }
0x80: {  	_ =	shalt  }
0x81: {  	_ =	shalt  }
0x82: {  	_ =	shalt  }
0x83: {  	_ =	shalt  }
0x84: {  	_ =	shalt  }
0x85: {  	_ =	shalt  }
0x86: {  	_ =	shalt  }
0x87: {  	_ =	shalt  }
.Lfunc_end0:
.L_simem_size_0:
called_computation.1_lowered:
.L_overlay_start_0:
0x88: {  	s2 =	sld [smem:$0x3FD9]  }
0x89: {  	s3 =	sld [smem:$0x3FFE];
	_ =	sdelay $0x1  }
0x8a: {  	s1 =	srdreg.scid  }
0x8b: {  	s0 =	sand.u32 $0x1, s1  }
0x8c: {  	s17 =	sshll.u32 s0, $0xA;
	s2 =	sadd.s32 s3, s2  }
0x8d: {  	s2 =	sadd.s32 s2, s17  }
0x8e: {  	[smem:$0x3FBC] =	sst s2  }
0x8f: {  	_ = 	snop  }
0x90: {  	s2 =	sld [smem:$0x3FD0];
	(tm) =	ssettm $0x1  }
0x91: {  	s18 =	sld [smem:$0x3FFB];
	_ =	sdelay $0x3  }
0x92: {  	_ =	strace s18  }
0x93: {  	s3 =	sld [smem:$0x3FFC];
	_ =	sdelay $0x3  }
0x94: {  	_ =	strace s3  }
0x95: {  	s3 =	sld [smem:$0x3FFD];
	_ =	sdelay $0x3  }
0x96: {  	_ =	strace s3  }
0x97: {  	_ =	strace $0x8FFFFFFF  }
0x98: {  	s19 =	sld [smem:$0x3FDB];
	_ =	sdelay $0x1  }
0x99: {  	s4 =	simm.s32 $_scs_section_size  }
0x9a: {  	s5 =	simm.s32 $_size__tile_overlayer_lowered;
	s6 =	simm.s32 $_tile_overlayer_lowered  }
0x9b: {  	s22 =	simm.s32 $0x1BFF;
	s21 =	sshll.u32 s6, $0x1;
	s3 =	sadd.s32 s4, s19  }
0x9c: {  	s7 =	simm.s32 $0x0;
	s20 =	sshll.u32 s5, $0x1;
	s5 =	sadd.s32 s21, s3  }
0x9d: {  	[timem:s7], [sflag:s22] =	dma.local [hbm:s5], s20  }
0x9e: {  	_ =	swait.ge [sflag:s22], s20  }
0x9f: {  	s4 =	ssub.s32 $0x0, s20;
	[sflag:s22] =	ssyncset.done $0x0  }
0xa0: {  	[sflag:s22] =	ssyncadd.s32 s4;
	_ =	sdelay $0x1  }
0xa1: {  	s23 =	simm.s32 $0x1B8B  }
0xa2: {  	_ =	swait.ge [sflag:s23], $0x1  }
0xa3: {  	[sflag:s23] =	ssyncset.done $0x0  }
0xa4: {  	s25 =	simm.s32 $0x1B8E;
	s24 =	sld [smem:$0x3FFE];
	[sflag:s23] =	ssyncadd.s32 $0xFFFFFFFF  }
0xa5: {  	s26 =	simm.s32 $execute0_lowered;
	[smem:$0x3FD2] =	sst s25  }
0xa6: {  	s5 =	sshll.u32 s26, $0x1;
	_ =	strace $0x80000049;
	[dreg:$0x1] =	wrdreg $0xFFFFFFFF  }
0xa7: {  	s28 =	simm.s32 $_size_execute0_lowered;
	s3 =	sadd.s32 s3, s5;
	[dreg:$0x0] =	wrdreg $0x0  }
0xa8: {  	s5 =	sshll.u32 s28, $0x1;
	[dreg:$0x2] =	wrdreg s3  }
0xa9: {  	[dreg:$0x3] =	wrdreg s5  }
0xaa: {  	[dreg:$0x4] =	wrdreg $0xC0  }
0xab: {  	_ =	task [dreg:s7], $0x5FFFF  }
0xac: {  	[dreg:$0x1] =	wrdreg $0xFFFFFFFF  }
0xad: {  	[dreg:$0x0] =	wrdreg $0x60  }
0xae: {  	[dreg:$0x2] =	wrdreg s2  }
0xaf: {  	[dreg:$0x3] =	wrdreg s24  }
0xb0: {  	[dreg:$0x4] =	wrdreg $0x0  }
0xb1: {  	[dreg:$0x5] =	wrdreg $0x9  }
0xb2: {  	_ =	task.clear_ibuf [dreg:s7], $0x6FFFF;
	_ =	strace $0x90000049  }
0xb3: {  	s29 =	simm.s32 $0x9;
	_ =	strace $0x8000004B  }
0xb4: {  	_ =	swait.ge [sflag:s29], $0x1  }
0xb5: {  	[sflag:s29] =	ssyncadd.s32 $0xFFFFFFFF  }
0xb6: {  	_ =	strace $0x9000004B  }
0xb7: {  	_ =	sfence  }
0xb8: {  	s30 =	sld [smem:$0x0];
	_ =	sdelay $0x2  }
0xb9: {  	s31 =	sshll.u32 s1, $0xD;
	s1 =	sshrl.u32 s1, $0x2  }
0xba: {  	s3 =	sand.u32 $0x4000, s31;
	s1 =	sadd.s32 s1, s30  }
0xbb: {  	s0 =	sor.u32 s3, s0;
	s1 =	sshll.u32 s1, $0x11  }
0xbc: {  	s0 =	sor.u32 s1, s0  }
0xbd: {  	s0 =	sadd.s32 $0x8F2B, s0  }
0xbe: {  	[sflag:s0] =	ssyncadd.remote.s32 $0x1  }
0xbf: {  	_ =	sfence.sel $0xFFFF  }
0xc0: {  	[dreg:$0x0] =	wrdreg $0xFFFFFFFF;
	(pc) =	sbr.abs _section_cstart, $3  }
0xc1: {  	[dreg:$0x1] =	wrdreg $0xFFFFFFFF  }
0xc2: {  	_ =	task.clear_ibuf [dreg:s7], $0x2FFFF;
	_ =	strace $0x9FFFFFFF  }
0xc3: {  	(tm) =	ssettm $0x7FFFFFFF  }
tec
execute0_lowered:
.L_overlay_start_1:
0x0: {  	(tag) =	ssettag $0x1  }
0x1: {  	s1 =	rddreg [dreg:$0x0]  }
0x2: {  	s0 =	rddreg [dreg:$0x1]  }
0x3: {  	s2 =	rddreg [dreg:$0x2];
	s6 =	stileid.u32  }
0x4: {  	s3 =	srdreg.scid;
	s4 =	simm.s32 $0x0;
	s10 =	smul.u32 $0x240, s6  }
0x5: {  	s28 =	simm.s32 $0xB;
	s5 =	sand.u32 $0x1, s3;
	s23 =	smul.u32 $0x4F000, s6  }
0x6: {  	[smem:$0x7FF] =	sst s4;
	s18 =	sadd.s32 $0x2A00, s0;
	s14 =	smul.u32 $0x2710, s6  }
0x7: {  	s19 =	sadd.s32 $0xC800, s0;
	s17 =	smul.u32 $0x13C00, s6;
	s3 =	sshll.u32 s5, $0x4  }
0x8: {  	s0 =	sadd.s32 $0x16600, s0;
	s12 =	smul.u32 $0x27100, s5;
	s3 =	sor.u32 s6, s3  }
0x9: {  	p0 =	slt.u32 s6, $0xE;
	_ =	strace $0x8000004A;
	s3 =	smul.u32 $0x2710, s3  }
0xa: {  	s7 =	ssub.s32 $0x2, s5;
	s5 =	smul.u32 $0x138800, s5;
	s10 =	sadd.s32 $0x310, s10  }
0xb: {  	s8 =	sshrl.u32 s7, $0x1;
	s13 =	sshll.u32 s10, $0x7;
	s9 =	sshrl.u32 s3, $0x3  }
0xc: {  	s3 =	ssub.s32 s7, s8;
	s7 =	smul.u32 $0x278, s6;
	s20 =	sadd.s32 s18, s9  }
0xd: {  	s21 =	sadd.s32 s19, s9;
	s22 =	sadd.s32 $0x8, s9;
	[dreg:$0x10] =	wrdreg s20  }
0xe: {  	s24 =	sadd.s32 $0x10, s9;
	s3 =	smax.u32 s3, $0x1;
	[dreg:$0x11] =	wrdreg s21  }
0xf: {  	s26 =	sadd.s32 $0x4E0, s9;
	s11 =	sadd.s32 s18, s22;
	[dreg:$0x1d] =	wrdreg s3  }
0x10: {  	s8 =	sadd.s32 s19, s22;
	s15 =	sadd.s32 s18, s24;
	[dreg:$0x12] =	wrdreg s11  }
0x11: {  	s10 =	smov.u32 @p0 s7;
	s9 =	sadd.s32 s18, s26;
	[dreg:$0x13] =	wrdreg s8  }
0x12: {  	s22 =	sadd.s32 s17, s5;
	s5 =	sadd.s32 s5, s13;
	[dreg:$0x14] =	wrdreg s15  }
0x13: {  	s17 =	simm.s32 $0x1BE80;
	s11 =	sadd.s32 s19, s24;
	[dreg:$0x19] =	wrdreg s9  }
0x14: {  	s7 =	sshll.u32 s10, $0x7;
	s8 =	sshrl.u32 s23, $0x2;
	[dreg:$0xf] =	wrdreg s17  }
0x15: {  	s5 =	sshrl.u32 s5, $0x3;
	[dreg:$0x15] =	wrdreg s11;
	s8 =	sadd.s32 s8, s2  }
0x16: {  	s9 =	sshrl.u32 s22, $0x3;
	s5 =	sadd.s32 s0, s5;
	[dreg:$0x17] =	wrdreg s8  }
0x17: {  	s10 =	sadd.s32 s14, s12;
	s0 =	sadd.s32 s0, s9;
	[dreg:$0x1b] =	wrdreg s5  }
0x18: {  	s12 =	sadd.s32 s7, s2;
	s25 =	sadd.s32 $0x200, s10;
	[dreg:$0x1c] =	wrdreg s0  }
0x19: {  	s14 =	sadd.s32 $0x1C0, s10;
	s8 =	sadd.s32 $0x12000, s8;
	[dreg:$0x16] =	wrdreg s12  }
0x1a: {  	s15 =	sshrl.u32 s14, $0x3;
	s14 =	sadd.s32 $0x2000, s12;
	[dreg:$0x18] =	wrdreg s8  }
0x1b: {  	s7 =	sshrl.u32 s25, $0x3;
	s22 =	sadd.s32 $0x8000, s12;
	[dreg:$0x1e] =	wrdreg s14  }
0x1c: {  	s31 =	simm.s32 $0x13A80;
	s11 =	sadd.s32 s7, s19;
	[smem:$0x7F9] =	sst s22  }
0x1d: {  	s29 =	simm.s32 $0x2;
	s7 =	sadd.s32 s7, s18;
	[dreg:$0x4] =	wrdreg s11  }
0x1e: {  	s30 =	simm.s32 $0x3;
	s16 =	sadd.s32 s15, s19;
	[dreg:$0x5] =	wrdreg s7  }
0x1f: {  	p0 =	sgt.u32 s6, $0xD;
	s8 =	sadd.s32 s19, s26;
	[dreg:$0x6] =	wrdreg s16  }
0x20: {  	s3 =	simm.s32 $0xC;
	s21 =	sadd.s32 s15, s18;
	[dreg:$0x1a] =	wrdreg s8  }
0x21: {  	s20 =	sadd.s32 $0x140, s10;
	s15 =	simm.s32 $0x13D80;
	[dreg:$0x7] =	wrdreg s21  }
0x22: {  	s24 =	sadd.s32 $0x100, s10;
	s16 =	sadd.s32 $0x4000, s12;
	[dreg:$0xe] =	wrdreg s15  }
0x23: {  	s7 =	sshrl.u32 s20, $0x3;
	s20 =	sadd.s32 $0x6000, s12;
	[dreg:$0x1f] =	wrdreg s16  }
0x24: {  	s26 =	sadd.s32 $0xC0, s10;
	s21 =	sadd.s32 $0x180, s10;
	[smem:$0x7F6] =	sst s20  }
0x25: {  	s8 =	sshrl.u32 s24, $0x3;
	s24 =	sadd.s32 $0xC000, s12;
	[smem:$0x7F7] =	sst s21  }
0x26: {  	s5 =	sshrl.u32 s26, $0x3;
	s26 =	sadd.s32 $0x10000, s12;
	[smem:$0x7FB] =	sst s24  }
0x27: {  	s17 =	simm.s32 $0x13E80;
	s23 =	sadd.s32 s7, s19;
	[smem:$0x7FD] =	sst s26  }
0x28: {  	s9 =	simm.s32 $0x0;
	s7 =	sadd.s32 s7, s18;
	[dreg:$0x8] =	wrdreg s23  }
0x29: {  	s14 =	simm.s32 $0x13B80;
	s25 =	sadd.s32 s8, s19;
	[dreg:$0x9] =	wrdreg s7  }
0x2a: {  	s22 =	simm.s32 $0x13C00;
	s8 =	sadd.s32 s8, s18;
	[dreg:$0xa] =	wrdreg s25  }
0x2b: {  	s11 =	sadd.s32 s5, s19;
	s20 =	simm.s32 $0x9;
	[dreg:$0xb] =	wrdreg s8  }
0x2c: {  	s7 =	sadd.s32 s13, s2;
	[dreg:$0xc] =	wrdreg s11;
	s13 =	sadd.s32 s5, s18  }
0x2d: {  	s16 =	simm.s32 $0x13E00;
	s23 =	sadd.s32 $0xA000, s12;
	[dreg:$0xd] =	wrdreg s13  }
0x2e: {  	s25 =	sadd.s32 $0xE000, s12;
	s12 =	simm.s32 $0x13;
	[smem:$0x7FA] =	sst s23  }
0x2f: {  	s11 =	simm.s32 $0x40;
	s0 =	sshrl.u32 @p0 s7, $0x3;
	[smem:$0x7FC] =	sst s25  }
0x30: {  	v0 =	vimm.f32 $0.0e+00;
	s7 =	simm.s32 $0x6;
	[smem:$0x7F8] =	sst s0;
	s0 =	simm.s32 $0xA  }
.LBB2_1:
0x31: {  	[smem:$0x7F5] =	sst s9;
	s5 =	simm.s32 $0x0;
	s8 =	simm.s32 $0x200  }
.LBB2_2:
0x32: {  	p1 =	sne.s32 s8, $0x7E00;
	[tilespmem:s5+$0x17EF0] =	vst v0  }
0x33: {  	[tilespmem:s5+$0x17E80] =	vst v0  }
0x34: {  	[tilespmem:s5+$0x17E90] =	vst v0  }
.Ltmp0:
0x35: {  	[tilespmem:s5+$0x17EA0] =	vst v0;
	(pc) =	sbr.rel @p1 .LBB2_2-.Ltmp0, $4  }
0x36: {  	[tilespmem:s5+$0x17EB0] =	vst v0  }
0x37: {  	[tilespmem:s5+$0x17EC0] =	vst v0  }
0x38: {  	[tilespmem:s5+$0x17ED0] =	vst v0  }
0x39: {  	[tilespmem:s5+$0x17EE0] =	vst v0;
	s5 =	sshra.s32 s8, $0x2;
	s8 =	sadd.s32 $0x200, s8  }
0x3a: {  	[tilespmem:s5+$0x17EF0] =	vst v0  }
0x3b: {  	[tilespmem:s5+$0x17E80] =	vst v0  }
0x3c: {  	[tilespmem:s5+$0x17E90] =	vst v0  }
0x3d: {  	[tilespmem:s5+$0x17EA0] =	vst v0  }
0x3e: {  	[tilespmem:s5+$0x17EB0] =	vst v0  }
0x3f: {  	[tilespmem:s5+$0x17EC0] =	vst v0  }
0x40: {  	[tilespmem:s5+$0x17ED0] =	vst v0  }
0x41: {  	[tilespmem:s5+$0x17EE0] =	vst v0;
	s23 =	rddreg [dreg:$0x10];
	s6 =	simm.s32 $0x13880  }
0x42: {  	[tilespmem:s6], [sflag:$0x13] =	stream.linear.gather [hbm4b:s23+s4], $0x40, $0x38;
	[tilespmem:$0x1FF80] =	vst v63  }
0x43: {  	_ =	swait.ge [sflag:s12], $0x40  }
0x44: {  	[sflag:s12] =	ssyncset.done $0x0  }
0x45: {  	s24 =	rddreg [dreg:$0x11];
	[sflag:s12] =	ssyncadd.s32 $0xFFFFFFC0  }
0x46: {  	[tilespmem:s14], [sflag:$0x13] =	stream.linear.gather [hbm4b:s24+s4], $0x40, $0x38;
	[tilespmem:$0x1FF80] =	vst v63  }
0x47: {  	_ =	swait.ge [sflag:s12], $0x40  }
0x48: {  	[sflag:s12] =	ssyncset.done $0x0  }
0x49: {  	s8 =	simm.s32 $0x13900;
	s25 =	rddreg [dreg:$0x12];
	[sflag:s12] =	ssyncadd.s32 $0xFFFFFFC0  }
0x4a: {  	[tilespmem:s8], [sflag:$0x13] =	stream.linear.gather [hbm4b:s25+s4], $0x40, $0x38;
	[tilespmem:$0x1FF80] =	vst v63  }
0x4b: {  	_ =	swait.ge [sflag:s12], $0x40  }
0x4c: {  	[sflag:s12] =	ssyncset.done $0x0  }
0x4d: {  	s26 =	rddreg [dreg:$0x13];
	[sflag:s12] =	ssyncadd.s32 $0xFFFFFFC0  }
0x4e: {  	[tilespmem:s22], [sflag:$0x13] =	stream.linear.gather [hbm4b:s26+s4], $0x40, $0x38;
	[tilespmem:$0x1FF80] =	vst v63  }
0x4f: {  	_ =	swait.ge [sflag:s12], $0x40  }
0x50: {  	[sflag:s12] =	ssyncset.done $0x0  }
0x51: {  	[sflag:s12] =	ssyncadd.s32 $0xFFFFFFC0  }
0x52: {  	[tilespmem:s17], [sflag:$0x1] =	stream.indirect.gather [hbm4b:s1+s11], $0x80, s6, s11, $0xb8;
	[tilespmem:$0x1FF80] =	vst v63  }
0x53: {  	s26 =	simm.s32 $0x15E80  }
0x54: {  	[tilespmem:s26], [sflag:$0x2] =	stream.indirect.gather [hbm4b:s1+s11], $0x80, s8, s11, $0xb8;
	[tilespmem:$0x1FF80] =	vst v63  }
0x55: {  	s9 =	simm.s32 $0x13980;
	s6 =	rddreg [dreg:$0x14]  }
0x56: {  	[tilespmem:s9], [sflag:$0x9] =	stream.linear.gather [hbm4b:s6+s4], $0x40, $0x38;
	[tilespmem:$0x1FF80] =	vst v63  }
0x57: {  	s10 =	simm.s32 $0x13C80;
	s8 =	rddreg [dreg:$0x15]  }
0x58: {  	[tilespmem:s10], [sflag:$0x9] =	stream.linear.gather [hbm4b:s8+s4], $0x40, $0x38;
	[tilespmem:$0x1FF80] =	vst v63  }
0x59: {  	s15 =	simm.s32 $0x17E80;
	s13 =	rddreg [dreg:$0x16]  }
0x5a: {  	[spmem:s13] =	stream.linear.scatter [tilespmem:s15], [sflag:$0x13], $0x2000, $0x38;
	[tilespmem:$0x1FF80] =	vst v63  }
0x5b: {  	_ =	swait.ge [sflag:s12], $0x2000  }
0x5c: {  	[sflag:s12] =	ssyncset.done $0x0  }
0x5d: {  	s21 =	rddreg [dreg:$0x1e];
	[sflag:s12] =	ssyncadd.s32 $0xFFFFE000  }
0x5e: {  	[spmem:s21] =	stream.linear.scatter [tilespmem:s15], [sflag:$0x13], $0x2000, $0x38;
	[tilespmem:$0x1FF80] =	vst v63  }
0x5f: {  	_ =	swait.ge [sflag:s12], $0x2000  }
0x60: {  	[sflag:s12] =	ssyncset.done $0x0  }
0x61: {  	s23 =	rddreg [dreg:$0x1f];
	[sflag:s12] =	ssyncadd.s32 $0xFFFFE000  }
0x62: {  	[spmem:s23] =	stream.linear.scatter [tilespmem:s15], [sflag:$0x13], $0x2000, $0x38;
	[tilespmem:$0x1FF80] =	vst v63  }
0x63: {  	_ =	swait.ge [sflag:s12], $0x2000  }
0x64: {  	s24 =	sld [smem:$0x7F6]  }
0x65: {  	[sflag:s12] =	ssyncset.done $0x0  }
0x66: {  	[sflag:s12] =	ssyncadd.s32 $0xFFFFE000  }
0x67: {  	[spmem:s24] =	stream.linear.scatter [tilespmem:s15], [sflag:$0x13], $0x2000, $0x38;
	[tilespmem:$0x1FF80] =	vst v63  }
0x68: {  	_ =	swait.ge [sflag:s12], $0x2000  }
0x69: {  	s25 =	sld [smem:$0x7F9]  }
0x6a: {  	[sflag:s12] =	ssyncset.done $0x0  }
0x6b: {  	[sflag:s12] =	ssyncadd.s32 $0xFFFFE000  }
0x6c: {  	[spmem:s25] =	stream.linear.scatter [tilespmem:s15], [sflag:$0x13], $0x2000, $0x38;
	[tilespmem:$0x1FF80] =	vst v63  }
0x6d: {  	_ =	swait.ge [sflag:s12], $0x2000  }
0x6e: {  	s6 =	sld [smem:$0x7FA]  }
0x6f: {  	[sflag:s12] =	ssyncset.done $0x0  }
0x70: {  	[sflag:s12] =	ssyncadd.s32 $0xFFFFE000  }
0x71: {  	[spmem:s6] =	stream.linear.scatter [tilespmem:s15], [sflag:$0x13], $0x2000, $0x38;
	[tilespmem:$0x1FF80] =	vst v63  }
0x72: {  	_ =	swait.ge [sflag:s12], $0x2000  }
0x73: {  	s8 =	sld [smem:$0x7FB]  }
0x74: {  	[sflag:s12] =	ssyncset.done $0x0  }
0x75: {  	[sflag:s12] =	ssyncadd.s32 $0xFFFFE000  }
0x76: {  	[spmem:s8] =	stream.linear.scatter [tilespmem:s15], [sflag:$0x13], $0x2000, $0x38;
	[tilespmem:$0x1FF80] =	vst v63  }
0x77: {  	_ =	swait.ge [sflag:s12], $0x2000  }
0x78: {  	s10 =	sld [smem:$0x7FC]  }
0x79: {  	[sflag:s12] =	ssyncset.done $0x0  }
0x7a: {  	[sflag:s12] =	ssyncadd.s32 $0xFFFFE000  }
0x7b: {  	[spmem:s10] =	stream.linear.scatter [tilespmem:s15], [sflag:$0x13], $0x2000, $0x38;
	[tilespmem:$0x1FF80] =	vst v63  }
0x7c: {  	_ =	swait.ge [sflag:s12], $0x2000  }
0x7d: {  	s13 =	sld [smem:$0x7FD]  }
0x7e: {  	[sflag:s12] =	ssyncset.done $0x0  }
0x7f: {  	[sflag:s12] =	ssyncadd.s32 $0xFFFFE000  }
0x80: {  	[spmem:s13] =	stream.linear.scatter [tilespmem:s15], [sflag:$0x13], $0x2000, $0x38;
	[tilespmem:$0x1FF80] =	vst v63  }
0x81: {  	_ =	swait.ge [sflag:s12], $0x2000  }
0x82: {  	[sflag:s12] =	ssyncset.done $0x0  }
0x83: {  	s5 =	simm.s32 @!p0 $0x17E80;
	s6 =	rddreg [dreg:$0x18];
	[sflag:s12] =	ssyncadd.s32 $0xFFFFE000  }
0x84: {  	[spmem:s6] =	stream.linear.scatter @!p0 [tilespmem:s5], [sflag:$0x13], $0x1C00, $0x38;
	[tilespmem:$0x1FF80] =	vst v63  }
0x85: {  	s5 =	simm.s32 @!p0 $0x13  }
0x86: {  	_ =	swait.ge @!p0 [sflag:s5], $0x1C00  }
0x87: {  	[sflag:s5] =	ssyncset.done @!p0 $0x0  }
0x88: {  	p1 =	por $0x1, $0x1;
	[sflag:s5] =	ssyncadd.s32 @!p0 $0xFFFFE400  }
0x89: {  	s5 =	simm.s32 @!p1 $0x10;
	[bflag:$0x0] =	sbarrier.arrive $0xFFFF  }
0x8a: {  	_ =	swait.ge @!p1 [sflag:s5], $0x2000  }
0x8b: {  	s25 =	simm.s32 $0x13A00;
	s21 =	rddreg [dreg:$0xd];
	[sflag:s5] =	ssyncset.done @!p1 $0x0  }
0x8c: {  	s10 =	rddreg [dreg:$0xc];
	[sflag:s5] =	ssyncadd.s32 @!p1 $0xFFFFE000;
	s23 =	sadd.s32 $0x0, s21  }
0x8d: {  	[tilespmem:s25], [sflag:$0xA] =	stream.linear.gather [hbm4b:s23+s4], $0x40, $0x38;
	[tilespmem:$0x1FF80] =	vst v63  }
0x8e: {  	s24 =	sadd.s32 $0x0, s10;
	s21 =	simm.s32 $0x13D00  }
0x8f: {  	[tilespmem:s21], [sflag:$0xA] =	stream.linear.gather [hbm4b:s24+s4], $0x40, $0x38;
	[tilespmem:$0x1FF80] =	vst v63  }
0x90: {  	_ =	swait.ge [sflag:s20], $0x40  }
0x91: {  	[sflag:s20] =	ssyncset.done $0x0  }
0x92: {  	[sflag:s20] =	ssyncadd.s32 $0xFFFFFFC0  }
0x93: {  	_ =	swait.ge [sflag:s20], $0x40  }
0x94: {  	[sflag:s20] =	ssyncset.done $0x0  }
0x95: {  	s23 =	simm.s32 $0x1;
	[sflag:s20] =	ssyncadd.s32 $0xFFFFFFC0  }
0x96: {  	[tilespmem:s15], [sflag:$0x3] =	stream.indirect.gather [hbm4b:s1+s11], $0x80, s9, s11, $0xb8;
	[tilespmem:$0x1FF80] =	vst v63  }
0x97: {  	_ =	swait.ge [sflag:s23], $0x2000  }
0x98: {  	[sflag:s23] =	ssyncset.done $0x0  }
0x99: {  	s5 =	simm.s32 @!p1 $0x11;
	[sflag:s23] =	ssyncadd.s32 $0xFFFFE000  }
0x9a: {  	[spmem:s2] =	stream.indirect.scatter.add.f32 [tilespmem:s17], [sflag:$0xD], $0x80, s14, s11, $0xb8;
	[tilespmem:$0x1FF80] =	vst v63  }
0x9b: {  	_ =	swait.ge @!p1 [sflag:s5], $0x2000  }
0x9c: {  	s6 =	rddreg [dreg:$0xb];
	[sflag:s5] =	ssyncset.done @!p1 $0x0  }
0x9d: {  	s9 =	rddreg [dreg:$0xa];
	[sflag:s5] =	ssyncadd.s32 @!p1 $0xFFFFE000;
	s12 =	sadd.s32 $0x0, s6  }
0x9e: {  	[tilespmem:s31], [sflag:$0xB] =	stream.linear.gather [hbm4b:s12+s4], $0x40, $0x38;
	[tilespmem:$0x1FF80] =	vst v63  }
0x9f: {  	s13 =	rddreg [dreg:$0xe];
	s24 =	sadd.s32 $0x0, s9  }
0xa0: {  	[tilespmem:s13], [sflag:$0xB] =	stream.linear.gather [hbm4b:s24+s4], $0x40, $0x38;
	[tilespmem:$0x1FF80] =	vst v63  }
0xa1: {  	_ =	swait.ge [sflag:s0], $0x40  }
0xa2: {  	[sflag:s0] =	ssyncset.done $0x0  }
0xa3: {  	[sflag:s0] =	ssyncadd.s32 $0xFFFFFFC0  }
0xa4: {  	_ =	swait.ge [sflag:s0], $0x40  }
0xa5: {  	[sflag:s0] =	ssyncset.done $0x0  }
0xa6: {  	s13 =	simm.s32 $0x19E80;
	[sflag:s0] =	ssyncadd.s32 $0xFFFFFFC0  }
0xa7: {  	[tilespmem:s13], [sflag:$0x4] =	stream.indirect.gather [hbm4b:s1+s11], $0x80, s25, s11, $0xb8;
	[tilespmem:$0x1FF80] =	vst v63  }
0xa8: {  	_ =	swait.ge [sflag:s29], $0x2000  }
0xa9: {  	[sflag:s29] =	ssyncset.done $0x0  }
0xaa: {  	s5 =	simm.s32 @!p1 $0x12;
	[sflag:s29] =	ssyncadd.s32 $0xFFFFE000  }
0xab: {  	[spmem:s2] =	stream.indirect.scatter.add.f32 [tilespmem:s26], [sflag:$0xE], $0x80, s22, s11, $0xb8;
	[tilespmem:$0x1FF80] =	vst v63  }
0xac: {  	_ =	swait.ge @!p1 [sflag:s5], $0x2000  }
0xad: {  	s24 =	simm.s32 $0x13B00;
	s26 =	rddreg [dreg:$0x9];
	[sflag:s5] =	ssyncset.done @!p1 $0x0  }
0xae: {  	s6 =	rddreg [dreg:$0x8];
	[sflag:s5] =	ssyncadd.s32 @!p1 $0xFFFFE000;
	s8 =	sadd.s32 $0x0, s26  }
0xaf: {  	[tilespmem:s24], [sflag:$0xC] =	stream.linear.gather [hbm4b:s8+s4], $0x40, $0x38;
	[tilespmem:$0x1FF80] =	vst v63  }
0xb0: {  	s9 =	sadd.s32 $0x0, s6  }
0xb1: {  	[tilespmem:s16], [sflag:$0xC] =	stream.linear.gather [hbm4b:s9+s4], $0x40, $0x38;
	[tilespmem:$0x1FF80] =	vst v63  }
0xb2: {  	_ =	swait.ge [sflag:s28], $0x40  }
0xb3: {  	[sflag:s28] =	ssyncset.done $0x0  }
0xb4: {  	[sflag:s28] =	ssyncadd.s32 $0xFFFFFFC0  }
0xb5: {  	_ =	swait.ge [sflag:s28], $0x40  }
0xb6: {  	[sflag:s28] =	ssyncset.done $0x0  }
0xb7: {  	s10 =	rddreg [dreg:$0xf];
	[sflag:s28] =	ssyncadd.s32 $0xFFFFFFC0  }
0xb8: {  	[tilespmem:s10], [sflag:$0x5] =	stream.indirect.gather [hbm4b:s1+s11], $0x80, s31, s11, $0xb8;
	[tilespmem:$0x1FF80] =	vst v63  }
0xb9: {  	_ =	swait.ge [sflag:s30], $0x2000  }
0xba: {  	[sflag:s30] =	ssyncset.done $0x0  }
0xbb: {  	s12 =	simm.s32 $0x13C80;
	s9 =	simm.s32 $0xD;
	[sflag:s30] =	ssyncadd.s32 $0xFFFFE000  }
0xbc: {  	[spmem:s2] =	stream.indirect.scatter.add.f32 [tilespmem:s15], [sflag:$0xF], $0x80, s12, s11, $0xb8;
	[tilespmem:$0x1FF80] =	vst v63  }
0xbd: {  	_ =	swait.ge [sflag:s9], $0x2000  }
0xbe: {  	s6 =	sld [smem:$0x7F7];
	_ =	sdelay $0x1  }
0xbf: {  	p1 =	por $0x0, $0x0  }
0xc0: {  	s5 =	simm.s32 @!p1 $0x0;
	[sflag:s9] =	ssyncset.done $0x0;
	s8 =	sshrl.u32 @!p1 s6, $0x3  }
0xc1: {  	s10 =	simm.s32 @!p1 $0x13880;
	[sflag:s9] =	ssyncadd.s32 $0xFFFFE000;
	s12 =	sadd.s32 @!p1 s18, s8  }
0xc2: {  	[tilespmem:s10], [sflag:$0x7] =	stream.linear.gather @!p1 [hbm4b:s12+s5], $0x40, $0x38;
	[tilespmem:$0x1FF80] =	vst v63  }
0xc3: {  	s8 =	sadd.s32 @!p1 s19, s8;
	s12 =	simm.s32 @!p1 $0x13B80  }
0xc4: {  	[tilespmem:s12], [sflag:$0x7] =	stream.linear.gather @!p1 [hbm4b:s8+s5], $0x40, $0x38;
	[tilespmem:$0x1FF80] =	vst v63  }
0xc5: {  	_ =	swait.ge [sflag:s3], $0x40  }
0xc6: {  	[sflag:s3] =	ssyncset.done $0x0  }
0xc7: {  	[sflag:s3] =	ssyncadd.s32 $0xFFFFFFC0  }
0xc8: {  	_ =	swait.ge [sflag:s3], $0x40  }
0xc9: {  	[sflag:s3] =	ssyncset.done $0x0  }
0xca: {  	s16 =	simm.s32 $0x1DE80;
	[sflag:s3] =	ssyncadd.s32 $0xFFFFFFC0  }
0xcb: {  	[tilespmem:s16], [sflag:$0x6] =	stream.indirect.gather [hbm4b:s1+s11], $0x80, s24, s11, $0xb8;
	[tilespmem:$0x1FF80] =	vst v63  }
0xcc: {  	s24 =	simm.s32 $0x4  }
0xcd: {  	_ =	swait.ge [sflag:s24], $0x2000  }
0xce: {  	[sflag:s24] =	ssyncset.done $0x0  }
0xcf: {  	s26 =	simm.s32 $0xE;
	[sflag:s24] =	ssyncadd.s32 $0xFFFFE000  }
0xd0: {  	[spmem:s2] =	stream.indirect.scatter.add.f32 [tilespmem:s13], [sflag:$0x10], $0x80, s21, s11, $0xb8;
	[tilespmem:$0x1FF80] =	vst v63  }
0xd1: {  	_ =	swait.ge [sflag:s26], $0x2000  }
0xd2: {  	[sflag:s26] =	ssyncset.done $0x0  }
0xd3: {  	s8 =	simm.s32 @p1 $0x5;
	[sflag:s26] =	ssyncadd.s32 $0xFFFFE000  }
0xd4: {  	_ =	swait.ge @p1 [sflag:s8], $0x2000  }
0xd5: {  	s15 =	simm.s32 @p1 $0xF;
	s12 =	simm.s32 @p1 $0x1BE80;
	[sflag:s8] =	ssyncset.done @p1 $0x0  }
0xd6: {  	s16 =	simm.s32 @p1 $0x13D80;
	[sflag:s8] =	ssyncadd.s32 @p1 $0xFFFFE000;
	s8 =	simm.s32 @p1 $0x40  }
0xd7: {  	[spmem:s2] =	stream.indirect.scatter.add.f32 @p1 [tilespmem:s12], [sflag:$0x11], $0x80, s16, s8, $0xb8;
	[tilespmem:$0x1FF80] =	vst v63  }
0xd8: {  	_ =	swait.ge @p1 [sflag:s15], $0x2000  }
0xd9: {  	s8 =	rddreg [dreg:$0x7]  }
0xda: {  	[sflag:s15] =	ssyncset.done @p1 $0x0;
	s12 =	rddreg [dreg:$0x6]  }
0xdb: {  	[sflag:s15] =	ssyncadd.s32 @p1 $0xFFFFE000;
	s8 =	sadd.s32 @!p1 $0x0, s8;
	s15 =	simm.s32 @!p1 $0x13900  }
0xdc: {  	[tilespmem:s15], [sflag:$0x8] =	stream.linear.gather @!p1 [hbm4b:s8+s5], $0x40, $0x38;
	[tilespmem:$0x1FF80] =	vst v63  }
0xdd: {  	s16 =	simm.s32 @!p1 $0x7;
	s8 =	sadd.s32 @!p1 $0x0, s12;
	s12 =	simm.s32 @!p1 $0x13C00  }
0xde: {  	[tilespmem:s12], [sflag:$0x8] =	stream.linear.gather @!p1 [hbm4b:s8+s5], $0x40, $0x38;
	[tilespmem:$0x1FF80] =	vst v63  }
0xdf: {  	_ =	swait.ge @!p1 [sflag:s16], $0x40  }
0xe0: {  	[sflag:s16] =	ssyncset.done @!p1 $0x0  }
0xe1: {  	[sflag:s16] =	ssyncadd.s32 @!p1 $0xFFFFFFC0  }
0xe2: {  	_ =	swait.ge @!p1 [sflag:s16], $0x40  }
0xe3: {  	s8 =	simm.s32 @!p1 $0x5;
	[sflag:s16] =	ssyncset.done @!p1 $0x0  }
0xe4: {  	s12 =	simm.s32 @!p1 $0x40;
	[sflag:s16] =	ssyncadd.s32 @!p1 $0xFFFFFFC0;
	s16 =	simm.s32 @!p1 $0x13E80  }
0xe5: {  	[tilespmem:s16], [sflag:$0x1] =	stream.indirect.gather @!p1 [hbm4b:s1+s12], $0x80, s10, s12, $0xb8;
	[tilespmem:$0x1FF80] =	vst v63  }
0xe6: {  	_ =	swait.ge @!p1 [sflag:s8], $0x2000  }
0xe7: {  	s10 =	simm.s32 @!p1 $0xF;
	[sflag:s8] =	ssyncset.done @!p1 $0x0  }
0xe8: {  	s16 =	simm.s32 @!p1 $0x1BE80;
	[sflag:s8] =	ssyncadd.s32 @!p1 $0xFFFFE000;
	s8 =	simm.s32 @!p1 $0x13D80  }
0xe9: {  	[spmem:s2] =	stream.indirect.scatter.add.f32 @!p1 [tilespmem:s16], [sflag:$0x11], $0x80, s8, s12, $0xb8;
	[tilespmem:$0x1FF80] =	vst v63  }
0xea: {  	_ =	swait.ge @!p1 [sflag:s10], $0x2000  }
0xeb: {  	s8 =	rddreg [dreg:$0x5]  }
0xec: {  	[sflag:s10] =	ssyncset.done @!p1 $0x0;
	s16 =	rddreg [dreg:$0x4]  }
0xed: {  	[sflag:s10] =	ssyncadd.s32 @!p1 $0xFFFFE000;
	s8 =	sadd.s32 @!p1 $0x0, s8;
	s10 =	simm.s32 @!p1 $0x13980  }
0xee: {  	[tilespmem:s10], [sflag:$0x9] =	stream.linear.gather @!p1 [hbm4b:s8+s5], $0x40, $0x38;
	[tilespmem:$0x1FF80] =	vst v63  }
0xef: {  	s8 =	sadd.s32 @!p1 $0x0, s16;
	s10 =	simm.s32 @!p1 $0x13C80  }
0xf0: {  	[tilespmem:s10], [sflag:$0x9] =	stream.linear.gather @!p1 [hbm4b:s8+s5], $0x40, $0x38;
	[tilespmem:$0x1FF80] =	vst v63  }
0xf1: {  	s5 =	simm.s32 @!p1 $0x8  }
0xf2: {  	_ =	swait.ge @!p1 [sflag:s5], $0x40  }
0xf3: {  	[sflag:s5] =	ssyncset.done @!p1 $0x0  }
0xf4: {  	[sflag:s5] =	ssyncadd.s32 @!p1 $0xFFFFFFC0  }
0xf5: {  	_ =	swait.ge @!p1 [sflag:s5], $0x40  }
0xf6: {  	[sflag:s5] =	ssyncset.done @!p1 $0x0  }
0xf7: {  	[sflag:s5] =	ssyncadd.s32 @!p1 $0xFFFFFFC0;
	s5 =	simm.s32 @!p1 $0x15E80  }
0xf8: {  	[tilespmem:s5], [sflag:$0x2] =	stream.indirect.gather @!p1 [hbm4b:s1+s12], $0x80, s15, s12, $0xb8;
	[tilespmem:$0x1FF80] =	vst v63  }
0xf9: {  	p2 =	por $0x0, $0x0;
	s8 =	simm.s32 $0x30;
	_ =	swait.ge [sflag:s7], $0x2000  }
0xfa: {  	s10 =	sadd.s32 $0x180, s6;
	s15 =	simm.s32 $0x60;
	[sflag:s7] =	ssyncset.done $0x0  }
.LBB2_4:
0xfb: {  	s5 =	simm.s32 @!p2 $0x10  }
0xfc: {  	[sflag:s7] =	ssyncadd.s32 $0xFFFFE000;
	s13 =	simm.s32 $0x1DE80;
	s7 =	simm.s32 $0x13E00  }
0xfd: {  	[spmem:s2] =	stream.indirect.scatter.add.f32 [tilespmem:s13], [sflag:$0x12], $0x80, s7, s11, $0xb8;
	[tilespmem:$0x1FF80] =	vst v63  }
0xfe: {  	_ =	swait.ge @!p2 [sflag:s5], $0x2000  }
0xff: {  	[sflag:s5] =	ssyncset.done @!p2 $0x0;
	s16 =	rddreg [dreg:$0xd]  }
0x100: {  	s6 =	rddreg [dreg:$0xc];
	[sflag:s5] =	ssyncadd.s32 @!p2 $0xFFFFE000;
	s16 =	sadd.s32 s8, s16  }
0x101: {  	[tilespmem:s25], [sflag:$0xA] =	stream.linear.gather [hbm4b:s16+s4], $0x40, $0x38;
	[tilespmem:$0x1FF80] =	vst v63  }
0x102: {  	s21 =	simm.s32 $0x13D00;
	s5 =	sadd.s32 s8, s6  }
0x103: {  	[tilespmem:s21], [sflag:$0xA] =	stream.linear.gather [hbm4b:s5+s4], $0x40, $0x38;
	[tilespmem:$0x1FF80] =	vst v63  }
0x104: {  	_ =	swait.ge [sflag:s20], $0x40  }
0x105: {  	[sflag:s20] =	ssyncset.done $0x0  }
0x106: {  	[sflag:s20] =	ssyncadd.s32 $0xFFFFFFC0  }
0x107: {  	_ =	swait.ge [sflag:s20], $0x40  }
0x108: {  	[sflag:s20] =	ssyncset.done $0x0  }
0x109: {  	s6 =	simm.s32 $0x17E80;
	s16 =	simm.s32 $0x13980;
	[sflag:s20] =	ssyncadd.s32 $0xFFFFFFC0  }
0x10a: {  	[tilespmem:s6], [sflag:$0x3] =	stream.indirect.gather [hbm4b:s1+s11], $0x80, s16, s11, $0xb8;
	[tilespmem:$0x1FF80] =	vst v63  }
0x10b: {  	_ =	swait.ge [sflag:s23], $0x2000  }
0x10c: {  	[sflag:s23] =	ssyncset.done $0x0  }
0x10d: {  	s5 =	simm.s32 @!p2 $0x11;
	[sflag:s23] =	ssyncadd.s32 $0xFFFFE000  }
0x10e: {  	[spmem:s2] =	stream.indirect.scatter.add.f32 [tilespmem:s17], [sflag:$0xD], $0x80, s14, s11, $0xb8;
	[tilespmem:$0x1FF80] =	vst v63  }
0x10f: {  	_ =	swait.ge @!p2 [sflag:s5], $0x2000  }
0x110: {  	s26 =	rddreg [dreg:$0xb];
	[sflag:s5] =	ssyncset.done @!p2 $0x0  }
0x111: {  	s14 =	rddreg [dreg:$0xa];
	[sflag:s5] =	ssyncadd.s32 @!p2 $0xFFFFE000;
	s16 =	sadd.s32 s8, s26  }
0x112: {  	[tilespmem:s31], [sflag:$0xB] =	stream.linear.gather [hbm4b:s16+s4], $0x40, $0x38;
	[tilespmem:$0x1FF80] =	vst v63  }
0x113: {  	s26 =	rddreg [dreg:$0xe];
	s14 =	sadd.s32 s8, s14  }
0x114: {  	[tilespmem:s26], [sflag:$0xB] =	stream.linear.gather [hbm4b:s14+s4], $0x40, $0x38;
	[tilespmem:$0x1FF80] =	vst v63  }
0x115: {  	_ =	swait.ge [sflag:s0], $0x40  }
0x116: {  	[sflag:s0] =	ssyncset.done $0x0  }
0x117: {  	[sflag:s0] =	ssyncadd.s32 $0xFFFFFFC0  }
0x118: {  	_ =	swait.ge [sflag:s0], $0x40  }
0x119: {  	[sflag:s0] =	ssyncset.done $0x0  }
0x11a: {  	s26 =	simm.s32 $0x19E80;
	[sflag:s0] =	ssyncadd.s32 $0xFFFFFFC0  }
0x11b: {  	[tilespmem:s26], [sflag:$0x4] =	stream.indirect.gather [hbm4b:s1+s11], $0x80, s25, s11, $0xb8;
	[tilespmem:$0x1FF80] =	vst v63  }
0x11c: {  	_ =	swait.ge [sflag:s29], $0x2000  }
0x11d: {  	[sflag:s29] =	ssyncset.done $0x0  }
0x11e: {  	s17 =	simm.s32 $0x15E80;
	s5 =	simm.s32 @!p2 $0x12;
	[sflag:s29] =	ssyncadd.s32 $0xFFFFE000  }
0x11f: {  	[spmem:s2] =	stream.indirect.scatter.add.f32 [tilespmem:s17], [sflag:$0xE], $0x80, s22, s11, $0xb8;
	[tilespmem:$0x1FF80] =	vst v63  }
0x120: {  	_ =	swait.ge @!p2 [sflag:s5], $0x2000  }
0x121: {  	s14 =	rddreg [dreg:$0x9]  }
0x122: {  	[sflag:s5] =	ssyncset.done @!p2 $0x0;
	s17 =	rddreg [dreg:$0x8]  }
0x123: {  	[sflag:s5] =	ssyncadd.s32 @!p2 $0xFFFFE000;
	s22 =	sadd.s32 s8, s14;
	s14 =	simm.s32 $0x13B00  }
0x124: {  	[tilespmem:s14], [sflag:$0xC] =	stream.linear.gather [hbm4b:s22+s4], $0x40, $0x38;
	[tilespmem:$0x1FF80] =	vst v63  }
0x125: {  	s16 =	sadd.s32 s8, s17  }
0x126: {  	[tilespmem:s7], [sflag:$0xC] =	stream.linear.gather [hbm4b:s16+s4], $0x40, $0x38;
	[tilespmem:$0x1FF80] =	vst v63  }
0x127: {  	_ =	swait.ge [sflag:s28], $0x40  }
0x128: {  	[sflag:s28] =	ssyncset.done $0x0  }
0x129: {  	[sflag:s28] =	ssyncadd.s32 $0xFFFFFFC0  }
0x12a: {  	_ =	swait.ge [sflag:s28], $0x40  }
0x12b: {  	[sflag:s28] =	ssyncset.done $0x0  }
0x12c: {  	s17 =	rddreg [dreg:$0xf];
	[sflag:s28] =	ssyncadd.s32 $0xFFFFFFC0  }
0x12d: {  	[tilespmem:s17], [sflag:$0x5] =	stream.indirect.gather [hbm4b:s1+s11], $0x80, s31, s11, $0xb8;
	[tilespmem:$0x1FF80] =	vst v63  }
0x12e: {  	_ =	swait.ge [sflag:s30], $0x2000  }
0x12f: {  	[sflag:s30] =	ssyncset.done $0x0  }
0x130: {  	s22 =	simm.s32 $0x13C80;
	[sflag:s30] =	ssyncadd.s32 $0xFFFFE000  }
0x131: {  	[spmem:s2] =	stream.indirect.scatter.add.f32 [tilespmem:s6], [sflag:$0xF], $0x80, s22, s11, $0xb8;
	[tilespmem:$0x1FF80] =	vst v63  }
0x132: {  	p2 =	seq.s32 s8, $0x4B0;
	_ =	swait.ge [sflag:s9], $0x2000  }
0x133: {  	s5 =	sshrl.u32 @!p2 s10, $0x3;
	s16 =	simm.s32 @!p2 $0x0;
	[sflag:s9] =	ssyncset.done $0x0  }
0x134: {  	s17 =	simm.s32 @!p2 $0x13880;
	s6 =	sadd.s32 @!p2 s18, s5;
	[sflag:s9] =	ssyncadd.s32 $0xFFFFE000  }
0x135: {  	[tilespmem:s17], [sflag:$0x7] =	stream.linear.gather @!p2 [hbm4b:s6+s16], $0x40, $0x38;
	[tilespmem:$0x1FF80] =	vst v63  }
0x136: {  	s5 =	sadd.s32 @!p2 s19, s5;
	s6 =	simm.s32 @!p2 $0x13B80  }
0x137: {  	[tilespmem:s6], [sflag:$0x7] =	stream.linear.gather @!p2 [hbm4b:s5+s16], $0x40, $0x38;
	[tilespmem:$0x1FF80] =	vst v63  }
0x138: {  	_ =	swait.ge [sflag:s3], $0x40  }
0x139: {  	[sflag:s3] =	ssyncset.done $0x0  }
0x13a: {  	[sflag:s3] =	ssyncadd.s32 $0xFFFFFFC0  }
0x13b: {  	_ =	swait.ge [sflag:s3], $0x40  }
0x13c: {  	[sflag:s3] =	ssyncset.done $0x0  }
0x13d: {  	[sflag:s3] =	ssyncadd.s32 $0xFFFFFFC0  }
0x13e: {  	[tilespmem:s13], [sflag:$0x6] =	stream.indirect.gather [hbm4b:s1+s11], $0x80, s14, s11, $0xb8;
	[tilespmem:$0x1FF80] =	vst v63  }
0x13f: {  	_ =	swait.ge [sflag:s24], $0x2000  }
0x140: {  	[sflag:s24] =	ssyncset.done $0x0  }
0x141: {  	[sflag:s24] =	ssyncadd.s32 $0xFFFFE000  }
0x142: {  	[spmem:s2] =	stream.indirect.scatter.add.f32 [tilespmem:s26], [sflag:$0x10], $0x80, s21, s11, $0xb8;
	[tilespmem:$0x1FF80] =	vst v63  }
0x143: {  	s21 =	simm.s32 $0xE  }
0x144: {  	_ =	swait.ge [sflag:s21], $0x2000  }
0x145: {  	[sflag:s21] =	ssyncset.done $0x0  }
0x146: {  	s5 =	simm.s32 @p2 $0x5;
	[sflag:s21] =	ssyncadd.s32 $0xFFFFE000  }
0x147: {  	s6 =	simm.s32 @p2 $0x1BE80;
	s13 =	smov.u32 s18;
	_ =	swait.ge @p2 [sflag:s5], $0x2000  }
0x148: {  	s18 =	simm.s32 @p2 $0xF;
	s26 =	smov.u32 s19;
	[sflag:s5] =	ssyncset.done @p2 $0x0  }
0x149: {  	s19 =	simm.s32 @p2 $0x13D80;
	[sflag:s5] =	ssyncadd.s32 @p2 $0xFFFFE000;
	s5 =	simm.s32 @p2 $0x40  }
0x14a: {  	[spmem:s2] =	stream.indirect.scatter.add.f32 @p2 [tilespmem:s6], [sflag:$0x11], $0x80, s19, s5, $0xb8;
	[tilespmem:$0x1FF80] =	vst v63  }
0x14b: {  	_ =	swait.ge @p2 [sflag:s18], $0x2000  }
0x14c: {  	s5 =	rddreg [dreg:$0x7]  }
0x14d: {  	[sflag:s18] =	ssyncset.done @p2 $0x0;
	s6 =	rddreg [dreg:$0x6]  }
0x14e: {  	[sflag:s18] =	ssyncadd.s32 @p2 $0xFFFFE000;
	s18 =	sadd.s32 @!p2 s8, s5;
	s5 =	simm.s32 @!p2 $0x13900  }
0x14f: {  	[tilespmem:s5], [sflag:$0x8] =	stream.linear.gather @!p2 [hbm4b:s18+s16], $0x40, $0x38;
	[tilespmem:$0x1FF80] =	vst v63  }
0x150: {  	s19 =	simm.s32 @!p2 $0x7;
	s6 =	sadd.s32 @!p2 s8, s6;
	s18 =	simm.s32 @!p2 $0x13C00  }
0x151: {  	[tilespmem:s18], [sflag:$0x8] =	stream.linear.gather @!p2 [hbm4b:s6+s16], $0x40, $0x38;
	[tilespmem:$0x1FF80] =	vst v63  }
0x152: {  	_ =	swait.ge @!p2 [sflag:s19], $0x40  }
0x153: {  	[sflag:s19] =	ssyncset.done @!p2 $0x0  }
0x154: {  	[sflag:s19] =	ssyncadd.s32 @!p2 $0xFFFFFFC0  }
0x155: {  	_ =	swait.ge @!p2 [sflag:s19], $0x40  }
0x156: {  	s6 =	simm.s32 @!p2 $0x5;
	[sflag:s19] =	ssyncset.done @!p2 $0x0  }
0x157: {  	s18 =	simm.s32 @!p2 $0x40;
	[sflag:s19] =	ssyncadd.s32 @!p2 $0xFFFFFFC0;
	s19 =	simm.s32 @!p2 $0x13E80  }
0x158: {  	[tilespmem:s19], [sflag:$0x1] =	stream.indirect.gather @!p2 [hbm4b:s1+s18], $0x80, s17, s18, $0xb8;
	[tilespmem:$0x1FF80] =	vst v63  }
0x159: {  	_ =	swait.ge @!p2 [sflag:s6], $0x2000  }
0x15a: {  	s17 =	simm.s32 @!p2 $0xF;
	[sflag:s6] =	ssyncset.done @!p2 $0x0  }
0x15b: {  	s19 =	simm.s32 @!p2 $0x1BE80;
	[sflag:s6] =	ssyncadd.s32 @!p2 $0xFFFFE000;
	s6 =	simm.s32 @!p2 $0x13D80  }
0x15c: {  	[spmem:s2] =	stream.indirect.scatter.add.f32 @!p2 [tilespmem:s19], [sflag:$0x11], $0x80, s6, s18, $0xb8;
	[tilespmem:$0x1FF80] =	vst v63  }
0x15d: {  	_ =	swait.ge @!p2 [sflag:s17], $0x2000  }
0x15e: {  	s6 =	rddreg [dreg:$0x5]  }
0x15f: {  	[sflag:s17] =	ssyncset.done @!p2 $0x0;
	s19 =	rddreg [dreg:$0x4]  }
0x160: {  	[sflag:s17] =	ssyncadd.s32 @!p2 $0xFFFFE000;
	s6 =	sadd.s32 @!p2 s8, s6;
	s17 =	simm.s32 @!p2 $0x13980  }
0x161: {  	[tilespmem:s17], [sflag:$0x9] =	stream.linear.gather @!p2 [hbm4b:s6+s16], $0x40, $0x38;
	[tilespmem:$0x1FF80] =	vst v63  }
0x162: {  	s6 =	sadd.s32 @!p2 s8, s19;
	s8 =	simm.s32 @!p2 $0x13C80;
	s17 =	simm.s32 @!p2 $0x8  }
0x163: {  	[tilespmem:s8], [sflag:$0x9] =	stream.linear.gather @!p2 [hbm4b:s6+s16], $0x40, $0x38;
	[tilespmem:$0x1FF80] =	vst v63  }
0x164: {  	_ =	swait.ge @!p2 [sflag:s17], $0x40  }
0x165: {  	s12 =	smov.u32 s15;
	s15 =	sadd.s32 $0x30, s15;
	[sflag:s17] =	ssyncset.done @!p2 $0x0  }
0x166: {  	p1 =	sne.s32 s15, $0x4E0;
	s10 =	sadd.s32 $0x180, s10;
	[sflag:s17] =	ssyncadd.s32 @!p2 $0xFFFFFFC0  }
0x167: {  	s7 =	simm.s32 $0x6;
	s22 =	simm.s32 $0x13C00;
	_ =	swait.ge @!p2 [sflag:s17], $0x40  }
.Ltmp1:
0x168: {  	s14 =	simm.s32 $0x13B80;
	[sflag:s17] =	ssyncset.done @!p2 $0x0;
	(pc) =	sbr.rel @p1 .LBB2_4-.Ltmp1, $4  }
0x169: {  	s19 =	smov.u32 s26;
	s6 =	simm.s32 @!p2 $0x15E80;
	[sflag:s17] =	ssyncadd.s32 @!p2 $0xFFFFFFC0  }
0x16a: {  	[tilespmem:s6], [sflag:$0x2] =	stream.indirect.gather @!p2 [hbm4b:s1+s18], $0x80, s5, s18, $0xb8;
	[tilespmem:$0x1FF80] =	vst v63  }
0x16b: {  	s8 =	smov.u32 s12;
	s17 =	simm.s32 $0x13E80;
	_ =	swait.ge [sflag:s7], $0x2000  }
0x16c: {  	s18 =	smov.u32 s13;
	p2 =	seq.s32 s8, $0x0;
	[sflag:s7] =	ssyncset.done $0x0  }
0x16d: {  	s5 =	simm.s32 @!p2 $0x10  }
0x16e: {  	[sflag:s7] =	ssyncadd.s32 $0xFFFFE000;
	s26 =	simm.s32 $0x1DE80;
	s13 =	simm.s32 $0x13E00  }
0x16f: {  	[spmem:s2] =	stream.indirect.scatter.add.f32 [tilespmem:s26], [sflag:$0x12], $0x80, s13, s11, $0xb8;
	[tilespmem:$0x1FF80] =	vst v63  }
0x170: {  	_ =	swait.ge @!p2 [sflag:s5], $0x2000  }
0x171: {  	s6 =	rddreg [dreg:$0xd];
	[sflag:s5] =	ssyncset.done @!p2 $0x0  }
0x172: {  	s12 =	rddreg [dreg:$0xc];
	[sflag:s5] =	ssyncadd.s32 @!p2 $0xFFFFE000;
	s16 =	sadd.s32 s8, s6  }
0x173: {  	[tilespmem:s25], [sflag:$0xA] =	stream.linear.gather [hbm4b:s16+s4], $0x40, $0x38;
	[tilespmem:$0x1FF80] =	vst v63  }
0x174: {  	s6 =	sadd.s32 s8, s12;
	s16 =	simm.s32 $0x13D00  }
0x175: {  	[tilespmem:s16], [sflag:$0xA] =	stream.linear.gather [hbm4b:s6+s4], $0x40, $0x38;
	[tilespmem:$0x1FF80] =	vst v63  }
0x176: {  	_ =	swait.ge [sflag:s20], $0x40  }
0x177: {  	[sflag:s20] =	ssyncset.done $0x0  }
0x178: {  	[sflag:s20] =	ssyncadd.s32 $0xFFFFFFC0  }
0x179: {  	_ =	swait.ge [sflag:s20], $0x40  }
0x17a: {  	[sflag:s20] =	ssyncset.done $0x0  }
0x17b: {  	s15 =	simm.s32 $0x17E80;
	s12 =	simm.s32 $0x13980;
	[sflag:s20] =	ssyncadd.s32 $0xFFFFFFC0  }
0x17c: {  	[tilespmem:s15], [sflag:$0x3] =	stream.indirect.gather [hbm4b:s1+s11], $0x80, s12, s11, $0xb8;
	[tilespmem:$0x1FF80] =	vst v63  }
0x17d: {  	_ =	swait.ge [sflag:s23], $0x2000  }
0x17e: {  	[sflag:s23] =	ssyncset.done $0x0  }
0x17f: {  	s5 =	simm.s32 @!p2 $0x11;
	[sflag:s23] =	ssyncadd.s32 $0xFFFFE000  }
0x180: {  	[spmem:s2] =	stream.indirect.scatter.add.f32 [tilespmem:s17], [sflag:$0xD], $0x80, s14, s11, $0xb8;
	[tilespmem:$0x1FF80] =	vst v63  }
0x181: {  	_ =	swait.ge @!p2 [sflag:s5], $0x2000  }
0x182: {  	s23 =	rddreg [dreg:$0xb];
	[sflag:s5] =	ssyncset.done @!p2 $0x0  }
0x183: {  	s12 =	rddreg [dreg:$0xa];
	[sflag:s5] =	ssyncadd.s32 @!p2 $0xFFFFE000;
	s23 =	sadd.s32 s8, s23  }
0x184: {  	[tilespmem:s31], [sflag:$0xB] =	stream.linear.gather [hbm4b:s23+s4], $0x40, $0x38;
	[tilespmem:$0x1FF80] =	vst v63  }
0x185: {  	s6 =	rddreg [dreg:$0xe];
	s23 =	sadd.s32 s8, s12  }
0x186: {  	[tilespmem:s6], [sflag:$0xB] =	stream.linear.gather [hbm4b:s23+s4], $0x40, $0x38;
	[tilespmem:$0x1FF80] =	vst v63  }
0x187: {  	_ =	swait.ge [sflag:s0], $0x40  }
0x188: {  	[sflag:s0] =	ssyncset.done $0x0  }
0x189: {  	[sflag:s0] =	ssyncadd.s32 $0xFFFFFFC0  }
0x18a: {  	_ =	swait.ge [sflag:s0], $0x40  }
0x18b: {  	[sflag:s0] =	ssyncset.done $0x0  }
0x18c: {  	s23 =	simm.s32 $0x19E80;
	[sflag:s0] =	ssyncadd.s32 $0xFFFFFFC0  }
0x18d: {  	[tilespmem:s23], [sflag:$0x4] =	stream.indirect.gather [hbm4b:s1+s11], $0x80, s25, s11, $0xb8;
	[tilespmem:$0x1FF80] =	vst v63  }
0x18e: {  	_ =	swait.ge [sflag:s29], $0x2000  }
0x18f: {  	[sflag:s29] =	ssyncset.done $0x0  }
0x190: {  	s5 =	simm.s32 @!p2 $0x12;
	s12 =	simm.s32 $0x15E80;
	[sflag:s29] =	ssyncadd.s32 $0xFFFFE000  }
0x191: {  	[spmem:s2] =	stream.indirect.scatter.add.f32 [tilespmem:s12], [sflag:$0xE], $0x80, s22, s11, $0xb8;
	[tilespmem:$0x1FF80] =	vst v63  }
0x192: {  	_ =	swait.ge @!p2 [sflag:s5], $0x2000  }
0x193: {  	s25 =	rddreg [dreg:$0x9]  }
0x194: {  	[sflag:s5] =	ssyncset.done @!p2 $0x0;
	s12 =	rddreg [dreg:$0x8]  }
0x195: {  	[sflag:s5] =	ssyncadd.s32 @!p2 $0xFFFFE000;
	s6 =	sadd.s32 s8, s25;
	s25 =	simm.s32 $0x13B00  }
0x196: {  	[tilespmem:s25], [sflag:$0xC] =	stream.linear.gather [hbm4b:s6+s4], $0x40, $0x38;
	[tilespmem:$0x1FF80] =	vst v63  }
0x197: {  	s6 =	sadd.s32 s8, s12  }
0x198: {  	[tilespmem:s13], [sflag:$0xC] =	stream.linear.gather [hbm4b:s6+s4], $0x40, $0x38;
	[tilespmem:$0x1FF80] =	vst v63  }
0x199: {  	_ =	swait.ge [sflag:s28], $0x40  }
0x19a: {  	[sflag:s28] =	ssyncset.done $0x0  }
0x19b: {  	[sflag:s28] =	ssyncadd.s32 $0xFFFFFFC0  }
0x19c: {  	_ =	swait.ge [sflag:s28], $0x40  }
0x19d: {  	[sflag:s28] =	ssyncset.done $0x0  }
0x19e: {  	s12 =	rddreg [dreg:$0xf];
	[sflag:s28] =	ssyncadd.s32 $0xFFFFFFC0  }
0x19f: {  	[tilespmem:s12], [sflag:$0x5] =	stream.indirect.gather [hbm4b:s1+s11], $0x80, s31, s11, $0xb8;
	[tilespmem:$0x1FF80] =	vst v63  }
0x1a0: {  	_ =	swait.ge [sflag:s30], $0x2000  }
0x1a1: {  	[sflag:s30] =	ssyncset.done $0x0  }
0x1a2: {  	s6 =	simm.s32 $0x13C80;
	[sflag:s30] =	ssyncadd.s32 $0xFFFFE000  }
0x1a3: {  	[spmem:s2] =	stream.indirect.scatter.add.f32 [tilespmem:s15], [sflag:$0xF], $0x80, s6, s11, $0xb8;
	[tilespmem:$0x1FF80] =	vst v63  }
0x1a4: {  	p1 =	seq.s32 s8, $0x4B0;
	_ =	swait.ge [sflag:s9], $0x2000  }
0x1a5: {  	s5 =	simm.s32 @!p1 $0x0;
	s6 =	sshrl.u32 @!p1 s10, $0x3;
	[sflag:s9] =	ssyncset.done $0x0  }
0x1a6: {  	s10 =	simm.s32 @!p1 $0x13880;
	s12 =	sadd.s32 @!p1 s18, s6;
	[sflag:s9] =	ssyncadd.s32 $0xFFFFE000  }
0x1a7: {  	[tilespmem:s10], [sflag:$0x7] =	stream.linear.gather @!p1 [hbm4b:s12+s5], $0x40, $0x38;
	[tilespmem:$0x1FF80] =	vst v63  }
0x1a8: {  	s6 =	sadd.s32 @!p1 s19, s6;
	s12 =	simm.s32 @!p1 $0x13B80  }
0x1a9: {  	[tilespmem:s12], [sflag:$0x7] =	stream.linear.gather @!p1 [hbm4b:s6+s5], $0x40, $0x38;
	[tilespmem:$0x1FF80] =	vst v63  }
0x1aa: {  	_ =	swait.ge [sflag:s3], $0x40  }
0x1ab: {  	[sflag:s3] =	ssyncset.done $0x0  }
0x1ac: {  	[sflag:s3] =	ssyncadd.s32 $0xFFFFFFC0  }
0x1ad: {  	_ =	swait.ge [sflag:s3], $0x40  }
0x1ae: {  	[sflag:s3] =	ssyncset.done $0x0  }
0x1af: {  	[sflag:s3] =	ssyncadd.s32 $0xFFFFFFC0  }
0x1b0: {  	[tilespmem:s26], [sflag:$0x6] =	stream.indirect.gather [hbm4b:s1+s11], $0x80, s25, s11, $0xb8;
	[tilespmem:$0x1FF80] =	vst v63  }
0x1b1: {  	_ =	swait.ge [sflag:s24], $0x2000  }
0x1b2: {  	[sflag:s24] =	ssyncset.done $0x0  }
0x1b3: {  	[sflag:s24] =	ssyncadd.s32 $0xFFFFE000  }
0x1b4: {  	[spmem:s2] =	stream.indirect.scatter.add.f32 [tilespmem:s23], [sflag:$0x10], $0x80, s16, s11, $0xb8;
	[tilespmem:$0x1FF80] =	vst v63  }
0x1b5: {  	_ =	swait.ge [sflag:s21], $0x2000  }
0x1b6: {  	[sflag:s21] =	ssyncset.done $0x0  }
0x1b7: {  	s6 =	simm.s32 @p1 $0x5;
	[sflag:s21] =	ssyncadd.s32 $0xFFFFE000  }
0x1b8: {  	_ =	swait.ge @p1 [sflag:s6], $0x2000  }
0x1b9: {  	s15 =	simm.s32 @p1 $0xF;
	s12 =	simm.s32 @p1 $0x1BE80;
	[sflag:s6] =	ssyncset.done @p1 $0x0  }
0x1ba: {  	s16 =	simm.s32 @p1 $0x13D80;
	[sflag:s6] =	ssyncadd.s32 @p1 $0xFFFFE000;
	s6 =	simm.s32 @p1 $0x40  }
0x1bb: {  	[spmem:s2] =	stream.indirect.scatter.add.f32 @p1 [tilespmem:s12], [sflag:$0x11], $0x80, s16, s6, $0xb8;
	[tilespmem:$0x1FF80] =	vst v63  }
0x1bc: {  	_ =	swait.ge @p1 [sflag:s15], $0x2000  }
0x1bd: {  	s6 =	rddreg [dreg:$0x7]  }
0x1be: {  	[sflag:s15] =	ssyncset.done @p1 $0x0;
	s12 =	rddreg [dreg:$0x6]  }
0x1bf: {  	[sflag:s15] =	ssyncadd.s32 @p1 $0xFFFFE000;
	s6 =	sadd.s32 @!p1 s8, s6;
	s15 =	simm.s32 @!p1 $0x13900  }
0x1c0: {  	[tilespmem:s15], [sflag:$0x8] =	stream.linear.gather @!p1 [hbm4b:s6+s5], $0x40, $0x38;
	[tilespmem:$0x1FF80] =	vst v63  }
0x1c1: {  	s16 =	simm.s32 @!p1 $0x7;
	s6 =	sadd.s32 @!p1 s8, s12;
	s12 =	simm.s32 @!p1 $0x13C00  }
0x1c2: {  	[tilespmem:s12], [sflag:$0x8] =	stream.linear.gather @!p1 [hbm4b:s6+s5], $0x40, $0x38;
	[tilespmem:$0x1FF80] =	vst v63  }
0x1c3: {  	_ =	swait.ge @!p1 [sflag:s16], $0x40  }
0x1c4: {  	[sflag:s16] =	ssyncset.done @!p1 $0x0  }
0x1c5: {  	[sflag:s16] =	ssyncadd.s32 @!p1 $0xFFFFFFC0  }
0x1c6: {  	_ =	swait.ge @!p1 [sflag:s16], $0x40  }
0x1c7: {  	s6 =	simm.s32 @!p1 $0x5;
	[sflag:s16] =	ssyncset.done @!p1 $0x0  }
0x1c8: {  	s12 =	simm.s32 @!p1 $0x40;
	[sflag:s16] =	ssyncadd.s32 @!p1 $0xFFFFFFC0;
	s16 =	simm.s32 @!p1 $0x13E80  }
0x1c9: {  	[tilespmem:s16], [sflag:$0x1] =	stream.indirect.gather @!p1 [hbm4b:s1+s12], $0x80, s10, s12, $0xb8;
	[tilespmem:$0x1FF80] =	vst v63  }
0x1ca: {  	_ =	swait.ge @!p1 [sflag:s6], $0x2000  }
0x1cb: {  	s10 =	simm.s32 @!p1 $0xF;
	[sflag:s6] =	ssyncset.done @!p1 $0x0  }
0x1cc: {  	s16 =	simm.s32 @!p1 $0x1BE80;
	[sflag:s6] =	ssyncadd.s32 @!p1 $0xFFFFE000;
	s6 =	simm.s32 @!p1 $0x13D80  }
0x1cd: {  	[spmem:s2] =	stream.indirect.scatter.add.f32 @!p1 [tilespmem:s16], [sflag:$0x11], $0x80, s6, s12, $0xb8;
	[tilespmem:$0x1FF80] =	vst v63  }
0x1ce: {  	_ =	swait.ge @!p1 [sflag:s10], $0x2000  }
0x1cf: {  	s6 =	rddreg [dreg:$0x5]  }
0x1d0: {  	[sflag:s10] =	ssyncset.done @!p1 $0x0;
	s16 =	rddreg [dreg:$0x4]  }
0x1d1: {  	[sflag:s10] =	ssyncadd.s32 @!p1 $0xFFFFE000;
	s6 =	sadd.s32 @!p1 s8, s6;
	s10 =	simm.s32 @!p1 $0x13980  }
0x1d2: {  	[tilespmem:s10], [sflag:$0x9] =	stream.linear.gather @!p1 [hbm4b:s6+s5], $0x40, $0x38;
	[tilespmem:$0x1FF80] =	vst v63  }
0x1d3: {  	s6 =	sadd.s32 @!p1 s8, s16;
	s8 =	simm.s32 @!p1 $0x13C80  }
0x1d4: {  	[tilespmem:s8], [sflag:$0x9] =	stream.linear.gather @!p1 [hbm4b:s6+s5], $0x40, $0x38;
	[tilespmem:$0x1FF80] =	vst v63  }
0x1d5: {  	s5 =	simm.s32 @!p1 $0x8  }
0x1d6: {  	_ =	swait.ge @!p1 [sflag:s5], $0x40  }
0x1d7: {  	[sflag:s5] =	ssyncset.done @!p1 $0x0  }
0x1d8: {  	[sflag:s5] =	ssyncadd.s32 @!p1 $0xFFFFFFC0  }
0x1d9: {  	_ =	swait.ge @!p1 [sflag:s5], $0x40  }
0x1da: {  	[sflag:s5] =	ssyncset.done @!p1 $0x0  }
0x1db: {  	[sflag:s5] =	ssyncadd.s32 @!p1 $0xFFFFFFC0;
	s5 =	simm.s32 @!p1 $0x15E80  }
0x1dc: {  	[tilespmem:s5], [sflag:$0x2] =	stream.indirect.gather @!p1 [hbm4b:s1+s12], $0x80, s15, s12, $0xb8;
	[tilespmem:$0x1FF80] =	vst v63  }
0x1dd: {  	_ =	swait.ge [sflag:s7], $0x2000  }
0x1de: {  	[sflag:s7] =	ssyncset.done $0x0  }
0x1df: {  	s10 =	simm.s32 $0x10;
	[sflag:s7] =	ssyncadd.s32 $0xFFFFE000  }
0x1e0: {  	[spmem:s2] =	stream.indirect.scatter.add.f32 [tilespmem:s26], [sflag:$0x12], $0x80, s13, s11, $0xb8;
	[tilespmem:$0x1FF80] =	vst v63  }
0x1e1: {  	_ =	swait.ge [sflag:s10], $0x2000  }
0x1e2: {  	[sflag:s10] =	ssyncset.done $0x0  }
0x1e3: {  	s13 =	simm.s32 $0x11;
	[sflag:s10] =	ssyncadd.s32 $0xFFFFE000  }
0x1e4: {  	_ =	swait.ge [sflag:s13], $0x2000  }
0x1e5: {  	[sflag:s13] =	ssyncset.done $0x0  }
0x1e6: {  	s15 =	simm.s32 $0x12;
	[sflag:s13] =	ssyncadd.s32 $0xFFFFE000  }
0x1e7: {  	_ =	swait.ge [sflag:s15], $0x2000  }
0x1e8: {  	s21 =	simm.s32 $0x1FE80;
	[sflag:s15] =	ssyncset.done $0x0  }
0x1e9: {  	s12 =	simm.s32 $0x13;
	s16 =	rddreg [dreg:$0x19];
	[sflag:s15] =	ssyncadd.s32 $0xFFFFE000  }
0x1ea: {  	[tilespmem:s21], [sflag:$0x13] =	stream.linear.gather [hbm4b:s16+s4], $0x10, $0x38;
	[tilespmem:$0x1FF80] =	vst v63  }
0x1eb: {  	_ =	swait.ge [sflag:s12], $0x10  }
0x1ec: {  	[sflag:s12] =	ssyncset.done $0x0  }
0x1ed: {  	s24 =	simm.s32 $0x1FF00;
	s23 =	rddreg [dreg:$0x1a];
	[sflag:s12] =	ssyncadd.s32 $0xFFFFFFF0  }
0x1ee: {  	[tilespmem:s24], [sflag:$0x13] =	stream.linear.gather [hbm4b:s23+s4], $0x10, $0x38;
	[tilespmem:$0x1FF80] =	vst v63  }
0x1ef: {  	_ =	swait.ge [sflag:s12], $0x10  }
0x1f0: {  	[sflag:s12] =	ssyncset.done $0x0  }
0x1f1: {  	[sflag:s12] =	ssyncadd.s32 $0xFFFFFFF0  }
0x1f2: {  	[tilespmem:s17], [sflag:$0x13] =	stream.indirect.gather [hbm4b:s1+s10], $0x80, s21, s10, $0xb8;
	[tilespmem:$0x1FF80] =	vst v63  }
0x1f3: {  	_ =	swait.ge [sflag:s12], $0x800  }
0x1f4: {  	[sflag:s12] =	ssyncset.done $0x0  }
0x1f5: {  	[sflag:s12] =	ssyncadd.s32 $0xFFFFF800  }
0x1f6: {  	[spmem:s2] =	stream.indirect.scatter.add.f32 [tilespmem:s17], [sflag:$0x13], $0x80, s24, s10, $0xb8;
	[tilespmem:$0x1FF80] =	vst v63  }
0x1f7: {  	_ =	swait.ge [sflag:s12], $0x800  }
0x1f8: {  	[sflag:s12] =	ssyncset.done $0x0  }
0x1f9: {  	[sflag:s12] =	ssyncadd.s32 $0xFFFFF800  }
0x1fa: {  	[bflag:$0x0] =	sbarrier.arrive $0xFFFF  }
0x1fb: {  	s6 =	stileid.u32;
	s10 =	sld [smem:$0x7F8]  }
0x1fc: {  	s5 =	sshll.u32 @p0 s6, $0x6  }
0x1fd: {  	s5 =	sor.u32 @p0 $0x1C13, s5;
	s8 =	rddreg [dreg:$0x1b]  }
0x1fe: {  	[hbm:s8], [sflag:s5] =	dma.local @p0 [spmem:s10], $0x2400  }
0x1ff: {  	s5 =	simm.s32 @p0 $0x13  }
0x200: {  	_ =	swait.ge @p0 [sflag:s5], $0x2400  }
0x201: {  	s6 =	sshll.u32 @!p0 s6, $0x6;
	[sflag:s5] =	ssyncset.done @p0 $0x0  }
0x202: {  	[sflag:s5] =	ssyncadd.s32 @p0 $0xFFFFDC00;
	s5 =	sor.u32 @!p0 $0x1C13, s6;
	s6 =	rddreg [dreg:$0x17]  }
0x203: {  	s10 =	rddreg [dreg:$0x1c];
	s6 =	sshrl.u32 @!p0 s6, $0x3  }
0x204: {  	[hbm:s10], [sflag:s5] =	dma.local @!p0 [spmem:s6], $0x2780  }
0x205: {  	s5 =	simm.s32 @!p0 $0x13  }
0x206: {  	_ =	swait.ge @!p0 [sflag:s5], $0x2780  }
0x207: {  	s25 =	sld [smem:$0x7F5];
	_ =	sdelay $0x2  }
0x208: {  	s26 =	rddreg [dreg:$0x1d];
	s9 =	sadd.s32 $0x1, s25  }
0x209: {  	p1 =	sne.s32 s9, s26  }
.Ltmp2:
0x20a: {  	_ = 	snop;
	(pc) =	sbr.rel @p1 .LBB2_1-.Ltmp2, $3  }
0x20b: {  	_ =	sdelay $0x1  }
0x20c: {  	[sflag:s5] =	ssyncset.done @!p0 $0x0  }
0x20d: {  	s16 =	simm.s32 $0x13E00;
	s8 =	stileid.u32;
	[sflag:s5] =	ssyncadd.s32 @!p0 $0xFFFFD880  }
0x20e: {  	_ =	sfence.sel $0x180000  }
0x20f: {  	[bflag:$0x0] =	sbarrier.arrive $0xFFFF  }
0x210: {  	_ =	strace $0x9000004A  }
0x211: {  	[bflag:$0x2] =	sbarrier.arrive $0xFFFF  }
0x212: {  	p0 =	sne.s32 s8, $0x0;
	s0 =	rddreg [dreg:$0x3]  }
0x213: {  	s0 =	sadd.s32 @!p0 $0x100000, s0  }
0x214: {  	[sflag:s0] =	ssyncadd.tile.s32 @!p0 $0x1;
	_ =	shalt  }
.Lfunc_end2:
_tile_overlayer_lowered:
.L_overlay_start_2:
0x215: {  	(tag) =	ssettag $0x2  }
0x216: {  	s0 =	rddreg [dreg:$0x0];
	s2 =	stileid.u32  }
0x217: {  	s1 =	rddreg [dreg:$0x1];
	p0 =	sne.s32 s2, $0x0  }
0x218: {  	s3 =	rddreg [dreg:$0x2];
	[bflag:$0x3] =	sbarrier.arrive $0xFFFF;
	s2 =	simm.s32 @!p0 $0x1C13  }
0x219: {  	[timem:s3], [sflag:s2] =	dma.local @!p0 [hbm:s0], s1  }
0x21a: {  	s0 =	simm.s32 @!p0 $0x13  }
0x21b: {  	_ =	swait.ge @!p0 [sflag:s0], s1  }
0x21c: {  	s1 =	ssub.s32 @!p0 $0x0, s1;
	[sflag:s0] =	ssyncset.done @!p0 $0x0  }
0x21d: {  	[sflag:s0] =	ssyncadd.s32 @!p0 s1  }
0x21e: {  	[bflag:$0x3] =	sbarrier.arrive $0xFFFF  }
0x21f: {  	_ =	shalt  }

</sc_bundles>
